<compile_context>
chip_gen: v7x
topology: tpu7x:2x2x1
jax: 0.10.2.dev20260603
libtpu: 0.0.44.dev20260713+nightly
codegen_flags: <defaults>
</compile_context>

<pallas_src>
import functools

import jax
import jax.numpy as jnp
from jax import lax
from jax.experimental import pallas as pl
from jax.experimental.pallas import tpu as pltpu
from jax.experimental.pallas import tpu_sc as plsc

N = 10000
NP = 10240
E = 320000
EP = 327680
NCH0 = 120
NCH1 = 40
NCHMX = max(NCH0, NCH1)
STRIPE = NP // 16


def _sc_mesh():
    return plsc.VectorSubcoreMesh(core_axis_name="c", subcore_axis_name="s")


def _make_sc_scatter(F):

    @functools.partial(
        pl.kernel,
        mesh=_sc_mesh(),
        out_type=jax.ShapeDtypeStruct((2, NP, F), jnp.float32),
        scratch_types=[
            pltpu.VMEM((NCHMX, 128), jnp.int32),
            pltpu.VMEM((NCHMX, 128), jnp.int32),
            pltpu.VMEM((128, F), jnp.float32),
            pltpu.VMEM_SHARED((NP, F), jnp.float32),
            pltpu.SemaphoreType.DMA,
        ],
    )
    def k(g_hbm, srcA_hbm, dstA_hbm, srcB_hbm, dstB_hbm, out_hbm,
          src_v, dst_v, rows_v, acc, sem):
        c = lax.axis_index("c")
        s = lax.axis_index("s")

        zero = jnp.zeros((16,), jnp.float32)

        def zrow(r, _):
            for kk in range(F // 16):
                rows_v[r, pl.ds(kk * 16, 16)] = zero
            return 0

        lax.fori_loop(0, 128, zrow, 0)

        def zstripe(j, _):
            pltpu.sync_copy(rows_v, acc.at[pl.ds(s * STRIPE + j * 128, 128)])
            return 0

        lax.fori_loop(0, STRIPE // 128, zstripe, 0)
        plsc.subcore_barrier()

        def body(j, _):
            pltpu.async_copy(g_hbm.at[src_v.at[j]], rows_v, sem).wait()
            pltpu.sync_copy(rows_v, acc.at[dst_v.at[j]], add=True)
            return 0

        @pl.when(c == 0)
        def _():
            pltpu.sync_copy(srcA_hbm.at[s], src_v)
            pltpu.sync_copy(dstA_hbm.at[s], dst_v)
            lax.fori_loop(0, NCH0, body, 0)

        @pl.when(c == 1)
        def _():
            pltpu.sync_copy(srcB_hbm.at[s], src_v.at[pl.ds(0, NCH1)])
            pltpu.sync_copy(dstB_hbm.at[s], dst_v.at[pl.ds(0, NCH1)])
            lax.fori_loop(0, NCH1, body, 0)

        plsc.subcore_barrier()

        def wb(j, _):
            off = s * STRIPE + j * 128
            pltpu.sync_copy(acc.at[pl.ds(off, 128)], out_hbm.at[c, pl.ds(off, 128)])
            return 0

        lax.fori_loop(0, STRIPE // 128, wb, 0)

    return k


def _make_sc_degree():

    @functools.partial(
        pl.kernel,
        mesh=_sc_mesh(),
        out_type=jax.ShapeDtypeStruct((2, NP), jnp.float32),
        scratch_types=[
            pltpu.VMEM((NCHMX, 128), jnp.int32),
            pltpu.VMEM((128,), jnp.float32),
            pltpu.VMEM_SHARED((NP,), jnp.float32),
        ],
    )
    def k(dstA_hbm, dstB_hbm, out_hbm, dst_v, buf_v, acc):
        c = lax.axis_index("c")
        s = lax.axis_index("s")

        def fill(val):
            def go(r, _):
                buf_v[pl.ds(r * 16, 16)] = jnp.full((16,), val, jnp.float32)
                return 0
            lax.fori_loop(0, 8, go, 0)

        fill(0.0)

        def zstripe(j, _):
            pltpu.sync_copy(buf_v, acc.at[pl.ds(s * STRIPE + j * 128, 128)])
            return 0

        lax.fori_loop(0, STRIPE // 128, zstripe, 0)
        plsc.subcore_barrier()
        fill(1.0)

        def body(j, _):
            pltpu.sync_copy(buf_v, acc.at[dst_v.at[j]], add=True)
            return 0

        @pl.when(c == 0)
        def _():
            pltpu.sync_copy(dstA_hbm.at[s], dst_v)
            lax.fori_loop(0, NCH0, body, 0)

        @pl.when(c == 1)
        def _():
            pltpu.sync_copy(dstB_hbm.at[s], dst_v.at[pl.ds(0, NCH1)])
            lax.fori_loop(0, NCH1, body, 0)

        plsc.subcore_barrier()

        def wb(j, _):
            off = s * STRIPE + j * 128
            pltpu.sync_copy(acc.at[pl.ds(off, 128)], out_hbm.at[c, pl.ds(off, 128)])
            return 0

        lax.fori_loop(0, STRIPE // 128, wb, 0)

    return k


_SC_CACHE = {}


def _sc_deg():
    if "deg" not in _SC_CACHE:
        _SC_CACHE["deg"] = _make_sc_degree()
    return _SC_CACHE["deg"]


def _sc_scat(F):
    if F not in _SC_CACHE:
        _SC_CACHE[F] = _make_sc_scatter(F)
    return _SC_CACHE[F]



BR = 1024
_GRID = NP // BR


def _row_spec(f=None):
    if f is None:
        return pl.BlockSpec((BR,), lambda i: (i,))
    return pl.BlockSpec((BR, f), lambda i: (i, 0))


def _full_spec(*shape):
    nd = len(shape)
    return pl.BlockSpec(shape, lambda i: (0,) * nd)


def _tc_prep_body(deg0, deg1, xr, dinv_o, g1_o):
    d = deg0[...] + deg1[...] + 1.0
    dinv = lax.rsqrt(d)
    dinv_o[...] = dinv
    g1_o[...] = xr[...] * dinv[:, None]


_tc_prep = pl.pallas_call(
    _tc_prep_body,
    grid=(_GRID,),
    in_specs=[_row_spec(), _row_spec(), _row_spec(128)],
    out_specs=[_row_spec(), _row_spec(128)],
    out_shape=[
        jax.ShapeDtypeStruct((NP,), jnp.float32),
        jax.ShapeDtypeStruct((NP, 128), jnp.float32),
    ],
)


def _tc_l1l2_body(s1a, s1b, g1, dinv, w1, b1, w2p, g2_o):
    dv = dinv[...][:, None]
    t = (s1a[...] + s1b[...] + g1[...]) * dv
    h = jnp.maximum(
        lax.dot_general(t, w1[...], (((1,), (1,)), ((), ())),
                        preferred_element_type=jnp.float32) + b1[...][None, :],
        0.0)
    g2_o[...] = lax.dot_general(h, w2p[...], (((1,), (1,)), ((), ())),
                                preferred_element_type=jnp.float32) * dv


_tc_l1l2 = pl.pallas_call(
    _tc_l1l2_body,
    grid=(_GRID,),
    in_specs=[_row_spec(128), _row_spec(128), _row_spec(128), _row_spec(),
              _full_spec(128, 128), _full_spec(128), _full_spec(128, 128)],
    out_specs=[_row_spec(128)],
    out_shape=[jax.ShapeDtypeStruct((NP, 128), jnp.float32)],
)


def _tc_l2fin_body(s2a, s2b, g2, dinv, b2, z_o, g3_o):
    dv = dinv[...][:, None]
    t = ((s2a[...] + s2b[...] + g2[...]) * dv)[:, :64]
    z = jnp.maximum(t + b2[...][None, :], 0.0)
    z_o[...] = z
    g3_o[...] = jnp.concatenate(
        [z * dv, jnp.zeros((BR, 64), jnp.float32)], axis=1)


_tc_l2fin = pl.pallas_call(
    _tc_l2fin_body,
    grid=(_GRID,),
    in_specs=[_row_spec(128), _row_spec(128), _row_spec(128), _row_spec(),
              _full_spec(64)],
    out_specs=[_row_spec(64), _row_spec(128)],
    out_shape=[
        jax.ShapeDtypeStruct((NP, 64), jnp.float32),
        jax.ShapeDtypeStruct((NP, 128), jnp.float32),
    ],
)


def _tc_l3l5_body(s3a, s3b, g3, dinv, w3, b3, w5, b5, w4, s_o, g4_o):
    dv = dinv[...][:, None]
    q = ((s3a[...] + s3b[...] + g3[...]) * dv)[:, :64]
    a = jnp.maximum(
        lax.dot_general(q, w3[...], (((1,), (1,)), ((), ())),
                        preferred_element_type=jnp.float32) + b3[...][None, :],
        0.0)
    s_o[...] = jnp.maximum(
        lax.dot_general(q, w5[...], (((1,), (1,)), ((), ())),
                        preferred_element_type=jnp.float32) + b5[...][None, :],
        0.0)
    g4_o[...] = lax.dot_general(a, w4[...], (((1,), (1,)), ((), ())),
                                preferred_element_type=jnp.float32) * dv


_tc_l3l5 = pl.pallas_call(
    _tc_l3l5_body,
    grid=(_GRID,),
    in_specs=[_row_spec(128), _row_spec(128), _row_spec(128), _row_spec(),
              _full_spec(128, 64), _full_spec(128),
              _full_spec(64, 64), _full_spec(64),
              _full_spec(128, 128)],
    out_specs=[_row_spec(64), _row_spec(128)],
    out_shape=[
        jax.ShapeDtypeStruct((NP, 64), jnp.float32),
        jax.ShapeDtypeStruct((NP, 128), jnp.float32),
    ],
)


def _tc_l4fin_body(s4a, s4b, g4, dinv, b4, xh_o):
    dv = dinv[...][:, None]
    xh_o[...] = (s4a[...] + s4b[...] + g4[...]) * dv + b4[...][None, :]


_tc_l4fin = pl.pallas_call(
    _tc_l4fin_body,
    grid=(_GRID,),
    in_specs=[_row_spec(128), _row_spec(128), _row_spec(128), _row_spec(),
              _full_spec(128)],
    out_specs=[_row_spec(128)],
    out_shape=[jax.ShapeDtypeStruct((NP, 128), jnp.float32)],
)

BA = 1024


def _tc_ahat_body(si, sj, o):
    o[...] = lax.dot_general(si[...], sj[...], (((1,), (1,)), ((), ())),
                             preferred_element_type=jnp.float32)


_tc_ahat = pl.pallas_call(
    _tc_ahat_body,
    grid=(pl.cdiv(N, BA), pl.cdiv(N, BA)),
    in_specs=[
        pl.BlockSpec((BA, 64), lambda i, j: (i, 0)),
        pl.BlockSpec((BA, 64), lambda i, j: (j, 0)),
    ],
    out_specs=pl.BlockSpec((BA, BA), lambda i, j: (i, j)),
    out_shape=jax.ShapeDtypeStruct((N, N), jnp.float32),
)


def kernel(x, edge_index, W1, b1, W2, b2, W3, b3, W4, b4, W5, b5):
    src = edge_index[0]
    dst = edge_index[1]
    npad = EP - E
    nA = 16 * NCH0 * 128
    src_p = jnp.concatenate([src, jnp.zeros((npad,), src.dtype)])
    dst_p = jnp.concatenate([dst, jnp.full((npad,), N, dst.dtype)])
    srcA = src_p[:nA].reshape(16, NCH0, 128)
    dstA = dst_p[:nA].reshape(16, NCH0, 128)
    srcB = src_p[nA:].reshape(16, NCH1, 128)
    dstB = dst_p[nA:].reshape(16, NCH1, 128)
    x_p = jnp.pad(x, ((0, NP - N), (0, 0)))
    W2p = jnp.pad(W2, ((0, 64), (0, 0)))

    deg = _sc_deg()(dstA, dstB)
    dinv, g1 = _tc_prep(deg[0], deg[1], x_p)

    scat = _sc_scat(128)
    s1 = scat(g1, srcA, dstA, srcB, dstB)
    (g2,) = _tc_l1l2(s1[0], s1[1], g1, dinv, W1, b1, W2p)

    s2 = scat(g2, srcA, dstA, srcB, dstB)
    z_full, g3 = _tc_l2fin(s2[0], s2[1], g2, dinv, b2)

    s3 = scat(g3, srcA, dstA, srcB, dstB)
    s_full, g4 = _tc_l3l5(s3[0], s3[1], g3, dinv, W3, b3, W5, b5, W4)

    s4 = scat(g4, srcA, dstA, srcB, dstB)
    (xh,) = _tc_l4fin(s4[0], s4[1], g4, dinv, b4)

    a_hat = _tc_ahat(s_full[:N], s_full[:N])
    return (xh[:N], a_hat, z_full[:N])

# --- scband reference (transcript-rebuilt; emitter-appended) ---
"""Pipeline reference for scband-graph-autoencoder-23871428231489 (READ-ONLY COPY).

The authoritative reference and input builder live on the scoring server;
editing this copy changes nothing except your own understanding.
"""

import jax, jax.numpy as jnp
import numpy as np

N = 10000
D = 128
E = 320000

def gcn_conv(x, src, dst, n, W, b):
    # PyG GCNConv: linear transform, add self-loops, symmetric normalization, scatter-add, bias
    loop = jnp.arange(n, dtype=src.dtype)
    s = jnp.concatenate([src, loop])
    d = jnp.concatenate([dst, loop])
    deg = jnp.zeros((n,), dtype=x.dtype).at[d].add(1.0)
    dinv = jnp.where(deg > 0, 1.0 / jnp.sqrt(deg), 0.0)
    norm = dinv[s] * dinv[d]
    h = x @ W.T
    out = jnp.zeros((n, h.shape[1]), dtype=x.dtype).at[d].add(norm[:, None] * h[s])
    return out + b

def setup_inputs(seed: int = 0):
    key = jax.random.key(seed)
    ks = jax.random.split(key, 13)
    x = jax.random.normal(ks[0], (N, D), dtype=jnp.float32)
    edge_index = jax.random.randint(ks[1], (2, E), 0, N, dtype=jnp.int32)
    def w(k, shape):
        return jax.random.normal(k, shape, dtype=jnp.float32) * 0.05
    params = {
        'W1': w(ks[2], (128, D)),  'b1': jnp.zeros((128,), jnp.float32),
        'W2': w(ks[3], (64, 128)), 'b2': jnp.zeros((64,), jnp.float32),
        'W3': w(ks[4], (128, 64)), 'b3': jnp.zeros((128,), jnp.float32),
        'W4': w(ks[5], (D, 128)),  'b4': jnp.zeros((D,), jnp.float32),
        'W5': w(ks[6], (64, 64)),  'b5': jnp.zeros((64,), jnp.float32),
    }
    return {'x': x, 'edge_index': edge_index, **params}

def reference(x, edge_index, W1, b1, W2, b2, W3, b3, W4, b4, W5, b5):
    src, dst = edge_index[0], edge_index[1]
    # Encoder
    h = jax.nn.relu(gcn_conv(x, src, dst, N, W1, b1))
    z = jax.nn.relu(gcn_conv(h, src, dst, N, W2, b2))
    # Attribute decoder
    a = jax.nn.relu(gcn_conv(z, src, dst, N, W3, b3))
    x_hat = gcn_conv(a, src, dst, N, W4, b4)
    # Structure decoder
    s = jax.nn.relu(gcn_conv(z, src, dst, N, W5, b5))
    a_hat = s @ s.T
    return (x_hat, a_hat, z)

if __name__ == "__main__":
    import jax
    _d = setup_inputs()
    print(jax.jit(kernel)(*tuple(_d.values())))

</pallas_src>

<mosaic_0001>
#map = affine_map<(d0, d1) -> (0, 0)>
#map1 = affine_map<(d0, d1) -> (0, 0, 0)>
module attributes {stable_mosaic.version = 14 : i64} {
  func.func @k(%arg0: i32, %arg1: i32, %arg2: memref<10240x128xf32, #tpu.memory_space<hbm>>, %arg3: memref<16x120x128xi32, #tpu.memory_space<hbm>>, %arg4: memref<16x120x128xi32, #tpu.memory_space<hbm>>, %arg5: memref<16x40x128xi32, #tpu.memory_space<hbm>>, %arg6: memref<16x40x128xi32, #tpu.memory_space<hbm>>, %arg7: memref<2x10240x128xf32, #tpu.memory_space<hbm>>, %arg8: memref<120x128xi32, #tpu.memory_space<vmem>>, %arg9: memref<120x128xi32, #tpu.memory_space<vmem>>, %arg10: memref<128x128xf32, #tpu.memory_space<vmem>>, %arg11: memref<10240x128xf32, #tpu.memory_space<vmem_shared>>, %arg12: memref<!tpu.dma_semaphore, #tpu.memory_space<semaphore_mem>>) attributes {dimension_semantics = [#tpu.dimension_semantics<core_parallel>, #tpu.dimension_semantics<subcore_parallel>], iteration_bounds = array<i64: 2, 16>, scalar_prefetch = 0 : i64, scratch_operands = 5 : i64, tpu.core_type = #tpu.core_type<sc_vector_subcore>, window_params = [{transform_indices = #map}, {transform_indices = #map1}, {transform_indices = #map1}, {transform_indices = #map1}, {transform_indices = #map1}, {transform_indices = #map1}]} {
    %broadcast_in_dim3A = arith.constant 0.000000e+00 : f32
    %broadcast_in_dim3A_0 = vector.broadcast %broadcast_in_dim3A : f32 to vector<16xf32>
    %scan3A = arith.constant 0 : i32
    %scan3A_1 = arith.constant 0 : i32
    %scan3A_2 = arith.constant 128 : i32
    %scan3A_3 = arith.addi %scan3A_1, %scan3A_2 : i32
    %scan3A_4 = arith.constant 1 : i32
    %scan3A_5 = scf.for %scan3A_29 = %scan3A_1 to %scan3A_3 step %scan3A_4 iter_args(%scan3A_30 = %scan3A) -> (i32)  : i32 {
      %swap3A = arith.index_cast %scan3A_29 : i32 to index
      %swap3A_31 = arith.constant 0 : index
      %swap3A_32 = tpu.vector_load %arg10[%swap3A, %swap3A_31] {strides = array<i32>} : memref<128x128xf32, #tpu.memory_space<vmem>>, vector<1x16xf32>,
      %swap3A_33 = vector.shape_cast %swap3A_32 : vector<1x16xf32> to vector<16xf32>
      %swap3A_34 = vector.shape_cast %broadcast_in_dim3A_0 : vector<16xf32> to vector<1x16xf32>
      tpu.vector_store %arg10[%swap3A, %swap3A_31], %swap3A_34 {strides = array<i32>} : memref<128x128xf32, #tpu.memory_space<vmem>>, vector<1x16xf32>,
      %swap3A_35 = arith.index_cast %scan3A_29 : i32 to index
      %swap3A_36 = arith.constant 16 : index
      %swap3A_37 = tpu.vector_load %arg10[%swap3A_35, %swap3A_36] {strides = array<i32>} : memref<128x128xf32, #tpu.memory_space<vmem>>, vector<1x16xf32>,
      %swap3A_38 = vector.shape_cast %swap3A_37 : vector<1x16xf32> to vector<16xf32>
      %swap3A_39 = vector.shape_cast %broadcast_in_dim3A_0 : vector<16xf32> to vector<1x16xf32>
      tpu.vector_store %arg10[%swap3A_35, %swap3A_36], %swap3A_39 {strides = array<i32>} : memref<128x128xf32, #tpu.memory_space<vmem>>, vector<1x16xf32>,
      %swap3A_40 = arith.index_cast %scan3A_29 : i32 to index
      %swap3A_41 = arith.constant 32 : index
      %swap3A_42 = tpu.vector_load %arg10[%swap3A_40, %swap3A_41] {strides = array<i32>} : memref<128x128xf32, #tpu.memory_space<vmem>>, vector<1x16xf32>,
      %swap3A_43 = vector.shape_cast %swap3A_42 : vector<1x16xf32> to vector<16xf32>
      %swap3A_44 = vector.shape_cast %broadcast_in_dim3A_0 : vector<16xf32> to vector<1x16xf32>
      tpu.vector_store %arg10[%swap3A_40, %swap3A_41], %swap3A_44 {strides = array<i32>} : memref<128x128xf32, #tpu.memory_space<vmem>>, vector<1x16xf32>,
      %swap3A_45 = arith.index_cast %scan3A_29 : i32 to index
      %swap3A_46 = arith.constant 48 : index
      %swap3A_47 = tpu.vector_load %arg10[%swap3A_45, %swap3A_46] {strides = array<i32>} : memref<128x128xf32, #tpu.memory_space<vmem>>, vector<1x16xf32>,
      %swap3A_48 = vector.shape_cast %swap3A_47 : vector<1x16xf32> to vector<16xf32>
      %swap3A_49 = vector.shape_cast %broadcast_in_dim3A_0 : vector<16xf32> to vector<1x16xf32>
      tpu.vector_store %arg10[%swap3A_45, %swap3A_46], %swap3A_49 {strides = array<i32>} : memref<128x128xf32, #tpu.memory_space<vmem>>, vector<1x16xf32>,
      %swap3A_50 = arith.index_cast %scan3A_29 : i32 to index
      %swap3A_51 = arith.constant 64 : index
      %swap3A_52 = tpu.vector_load %arg10[%swap3A_50, %swap3A_51] {strides = array<i32>} : memref<128x128xf32, #tpu.memory_space<vmem>>, vector<1x16xf32>,
      %swap3A_53 = vector.shape_cast %swap3A_52 : vector<1x16xf32> to vector<16xf32>
      %swap3A_54 = vector.shape_cast %broadcast_in_dim3A_0 : vector<16xf32> to vector<1x16xf32>
      tpu.vector_store %arg10[%swap3A_50, %swap3A_51], %swap3A_54 {strides = array<i32>} : memref<128x128xf32, #tpu.memory_space<vmem>>, vector<1x16xf32>,
      %swap3A_55 = arith.index_cast %scan3A_29 : i32 to index
      %swap3A_56 = arith.constant 80 : index
      %swap3A_57 = tpu.vector_load %arg10[%swap3A_55, %swap3A_56] {strides = array<i32>} : memref<128x128xf32, #tpu.memory_space<vmem>>, vector<1x16xf32>,
      %swap3A_58 = vector.shape_cast %swap3A_57 : vector<1x16xf32> to vector<16xf32>
      %swap3A_59 = vector.shape_cast %broadcast_in_dim3A_0 : vector<16xf32> to vector<1x16xf32>
      tpu.vector_store %arg10[%swap3A_55, %swap3A_56], %swap3A_59 {strides = array<i32>} : memref<128x128xf32, #tpu.memory_space<vmem>>, vector<1x16xf32>,
      %swap3A_60 = arith.index_cast %scan3A_29 : i32 to index
      %swap3A_61 = arith.constant 96 : index
      %swap3A_62 = tpu.vector_load %arg10[%swap3A_60, %swap3A_61] {strides = array<i32>} : memref<128x128xf32, #tpu.memory_space<vmem>>, vector<1x16xf32>,
      %swap3A_63 = vector.shape_cast %swap3A_62 : vector<1x16xf32> to vector<16xf32>
      %swap3A_64 = vector.shape_cast %broadcast_in_dim3A_0 : vector<16xf32> to vector<1x16xf32>
      tpu.vector_store %arg10[%swap3A_60, %swap3A_61], %swap3A_64 {strides = array<i32>} : memref<128x128xf32, #tpu.memory_space<vmem>>, vector<1x16xf32>,
      %swap3A_65 = arith.index_cast %scan3A_29 : i32 to index
      %swap3A_66 = arith.constant 112 : index
      %swap3A_67 = tpu.vector_load %arg10[%swap3A_65, %swap3A_66] {strides = array<i32>} : memref<128x128xf32, #tpu.memory_space<vmem>>, vector<1x16xf32>,
      %swap3A_68 = vector.shape_cast %swap3A_67 : vector<1x16xf32> to vector<16xf32>
      %swap3A_69 = vector.shape_cast %broadcast_in_dim3A_0 : vector<16xf32> to vector<1x16xf32>
      tpu.vector_store %arg10[%swap3A_65, %swap3A_66], %swap3A_69 {strides = array<i32>} : memref<128x128xf32, #tpu.memory_space<vmem>>, vector<1x16xf32>,
      %scan3A_70 = arith.constant 0 : i32
      scf.yield %scan3A_70 : i32
    }
    %scan3A_6 = arith.constant 128 : i32
    %scan3A_7 = arith.constant 0 : i32
    %scan3A_8 = arith.constant 0 : i32
    %scan3A_9 = arith.constant 5 : i32
    %scan3A_10 = arith.addi %scan3A_8, %scan3A_9 : i32
    %scan3A_11 = arith.constant 1 : i32
    %scan3A_12 = scf.for %scan3A_29 = %scan3A_8 to %scan3A_10 step %scan3A_11 iter_args(%scan3A_30 = %scan3A_7) -> (i32)  : i32 {
      %mul3A = arith.constant 640 : i32
      %mul3A_31 = arith.muli %arg1, %mul3A : i32
      %mul3A_32 = arith.constant 128 : i32
      %mul3A_33 = arith.muli %scan3A_29, %mul3A_32 : i32
      %add3A = arith.addi %mul3A_31, %mul3A_33 : i32
      "tpu.region"() ({
        %run_scoped3A = tpu.sem_alloc : memref<!tpu.dma_semaphore, #tpu.memory_space<semaphore_mem>>
        %dma_start3A = arith.constant 0 : i32
        %dma_start3A_35 = tpu.memref_slice %arg11[%add3A, %dma_start3A] : memref<10240x128xf32, #tpu.memory_space<vmem_shared>> -> memref<128x128xf32, #tpu.memory_space<vmem_shared>>
        %dma_start3A_36 = arith.constant 0 : i32
        %dma_start3A_37 = tpu.memref_slice %arg11[%add3A, %dma_start3A_36] : memref<10240x128xf32, #tpu.memory_space<vmem_shared>> -> memref<128x128xf32, #tpu.memory_space<vmem_shared>>
        tpu.enqueue_dma source(%arg10 : memref<128x128xf32, #tpu.memory_space<vmem>>) target(%dma_start3A_37 : memref<128x128xf32, #tpu.memory_space<vmem_shared>>) target_semaphore(%run_scoped3A : memref<!tpu.dma_semaphore, #tpu.memory_space<semaphore_mem>>)
        %dma_wait3A = arith.constant 0 : i32
        %dma_wait3A_38 = tpu.memref_slice %arg11[%add3A, %dma_wait3A] : memref<10240x128xf32, #tpu.memory_space<vmem_shared>> -> memref<128x128xf32, #tpu.memory_space<vmem_shared>>
        %dma_wait3A_39 = arith.constant 0 : i32
        %dma_wait3A_40 = tpu.memref_slice %arg11[%add3A, %dma_wait3A_39] : memref<10240x128xf32, #tpu.memory_space<vmem_shared>> -> memref<128x128xf32, #tpu.memory_space<vmem_shared>>
        tpu.wait_dma2 semaphore(%run_scoped3A : memref<!tpu.dma_semaphore, #tpu.memory_space<semaphore_mem>>) src(%arg10 : memref<128x128xf32, #tpu.memory_space<vmem>>) dst(%dma_wait3A_40 : memref<128x128xf32, #tpu.memory_space<vmem_shared>>)
        tpu.yield
      }) : () -> ()
      %scan3A_34 = arith.constant 0 : i32
      scf.yield %scan3A_34 : i32
    }
    %scan3A_13 = arith.constant 5 : i32
    %barrier3A = arith.constant 0 : index
    tpu.barrier barrier_id(%barrier3A)
    %eq3A = arith.constant 0 : i32
    %eq3A_14 = arith.cmpi eq, %arg0, %eq3A : i32
    %convert_element_type3A = arith.extui %eq3A_14 : i1 to i32
    %cond3A = arith.constant 0 : i32
    %cond3A_15 = arith.cmpi ne, %convert_element_type3A, %cond3A : i32
    scf.if %cond3A_15 {
      "tpu.region"() ({
        %run_scoped3A = tpu.sem_alloc : memref<!tpu.dma_semaphore, #tpu.memory_space<semaphore_mem>>
        %dma_start3A = arith.constant 0 : i32
        %dma_start3A_36 = arith.constant 0 : i32
        %dma_start3A_37 = tpu.memref_slice %arg3[%arg1, %dma_start3A, %dma_start3A_36] : memref<16x120x128xi32, #tpu.memory_space<hbm>> -> memref<1x120x128xi32, #tpu.memory_space<hbm>>
        %dma_start3A_38 = tpu.memref_squeeze %dma_start3A_37 : memref<1x120x128xi32, #tpu.memory_space<hbm>> -> memref<120x128xi32, #tpu.memory_space<hbm>>
        %dma_start3A_39 = arith.constant 0 : i32
        %dma_start3A_40 = arith.constant 0 : i32
        %dma_start3A_41 = tpu.memref_slice %arg3[%arg1, %dma_start3A_39, %dma_start3A_40] : memref<16x120x128xi32, #tpu.memory_space<hbm>> -> memref<1x120x128xi32, #tpu.memory_space<hbm>>
        %dma_start3A_42 = tpu.memref_squeeze %dma_start3A_41 : memref<1x120x128xi32, #tpu.memory_space<hbm>> -> memref<120x128xi32, #tpu.memory_space<hbm>>
        tpu.enqueue_dma source(%dma_start3A_42 : memref<120x128xi32, #tpu.memory_space<hbm>>) target(%arg8 : memref<120x128xi32, #tpu.memory_space<vmem>>) target_semaphore(%run_scoped3A : memref<!tpu.dma_semaphore, #tpu.memory_space<semaphore_mem>>)
        %dma_wait3A = arith.constant 0 : i32
        %dma_wait3A_43 = arith.constant 0 : i32
        %dma_wait3A_44 = tpu.memref_slice %arg3[%arg1, %dma_wait3A, %dma_wait3A_43] : memref<16x120x128xi32, #tpu.memory_space<hbm>> -> memref<1x120x128xi32, #tpu.memory_space<hbm>>
        %dma_wait3A_45 = tpu.memref_squeeze %dma_wait3A_44 : memref<1x120x128xi32, #tpu.memory_space<hbm>> -> memref<120x128xi32, #tpu.memory_space<hbm>>
        %dma_wait3A_46 = arith.constant 0 : i32
        %dma_wait3A_47 = arith.constant 0 : i32
        %dma_wait3A_48 = tpu.memref_slice %arg3[%arg1, %dma_wait3A_46, %dma_wait3A_47] : memref<16x120x128xi32, #tpu.memory_space<hbm>> -> memref<1x120x128xi32, #tpu.memory_space<hbm>>
        %dma_wait3A_49 = tpu.memref_squeeze %dma_wait3A_48 : memref<1x120x128xi32, #tpu.memory_space<hbm>> -> memref<120x128xi32, #tpu.memory_space<hbm>>
        tpu.wait_dma2 semaphore(%run_scoped3A : memref<!tpu.dma_semaphore, #tpu.memory_space<semaphore_mem>>) src(%dma_wait3A_49 : memref<120x128xi32, #tpu.memory_space<hbm>>) dst(%arg8 : memref<120x128xi32, #tpu.memory_space<vmem>>)
        tpu.yield
      }) : () -> ()
      "tpu.region"() ({
        %run_scoped3A = tpu.sem_alloc : memref<!tpu.dma_semaphore, #tpu.memory_space<semaphore_mem>>
        %dma_start3A = arith.constant 0 : i32
        %dma_start3A_36 = arith.constant 0 : i32
        %dma_start3A_37 = tpu.memref_slice %arg4[%arg1, %dma_start3A, %dma_start3A_36] : memref<16x120x128xi32, #tpu.memory_space<hbm>> -> memref<1x120x128xi32, #tpu.memory_space<hbm>>
        %dma_start3A_38 = tpu.memref_squeeze %dma_start3A_37 : memref<1x120x128xi32, #tpu.memory_space<hbm>> -> memref<120x128xi32, #tpu.memory_space<hbm>>
        %dma_start3A_39 = arith.constant 0 : i32
        %dma_start3A_40 = arith.constant 0 : i32
        %dma_start3A_41 = tpu.memref_slice %arg4[%arg1, %dma_start3A_39, %dma_start3A_40] : memref<16x120x128xi32, #tpu.memory_space<hbm>> -> memref<1x120x128xi32, #tpu.memory_space<hbm>>
        %dma_start3A_42 = tpu.memref_squeeze %dma_start3A_41 : memref<1x120x128xi32, #tpu.memory_space<hbm>> -> memref<120x128xi32, #tpu.memory_space<hbm>>
        tpu.enqueue_dma source(%dma_start3A_42 : memref<120x128xi32, #tpu.memory_space<hbm>>) target(%arg9 : memref<120x128xi32, #tpu.memory_space<vmem>>) target_semaphore(%run_scoped3A : memref<!tpu.dma_semaphore, #tpu.memory_space<semaphore_mem>>)
        %dma_wait3A = arith.constant 0 : i32
        %dma_wait3A_43 = arith.constant 0 : i32
        %dma_wait3A_44 = tpu.memref_slice %arg4[%arg1, %dma_wait3A, %dma_wait3A_43] : memref<16x120x128xi32, #tpu.memory_space<hbm>> -> memref<1x120x128xi32, #tpu.memory_space<hbm>>
        %dma_wait3A_45 = tpu.memref_squeeze %dma_wait3A_44 : memref<1x120x128xi32, #tpu.memory_space<hbm>> -> memref<120x128xi32, #tpu.memory_space<hbm>>
        %dma_wait3A_46 = arith.constant 0 : i32
        %dma_wait3A_47 = arith.constant 0 : i32
        %dma_wait3A_48 = tpu.memref_slice %arg4[%arg1, %dma_wait3A_46, %dma_wait3A_47] : memref<16x120x128xi32, #tpu.memory_space<hbm>> -> memref<1x120x128xi32, #tpu.memory_space<hbm>>
        %dma_wait3A_49 = tpu.memref_squeeze %dma_wait3A_48 : memref<1x120x128xi32, #tpu.memory_space<hbm>> -> memref<120x128xi32, #tpu.memory_space<hbm>>
        tpu.wait_dma2 semaphore(%run_scoped3A : memref<!tpu.dma_semaphore, #tpu.memory_space<semaphore_mem>>) src(%dma_wait3A_49 : memref<120x128xi32, #tpu.memory_space<hbm>>) dst(%arg9 : memref<120x128xi32, #tpu.memory_space<vmem>>)
        tpu.yield
      }) : () -> ()
      %scan3A_29 = arith.constant 0 : i32
      %scan3A_30 = arith.constant 0 : i32
      %scan3A_31 = arith.constant 120 : i32
      %scan3A_32 = arith.addi %scan3A_30, %scan3A_31 : i32
      %scan3A_33 = arith.constant 1 : i32
      %scan3A_34 = scf.for %scan3A_36 = %scan3A_30 to %scan3A_32 step %scan3A_33 iter_args(%scan3A_37 = %scan3A_29) -> (i32)  : i32 {
        %dma_start3A = arith.constant 0 : i32
        %dma_start3A_38 = tpu.memref_slice %arg8[%scan3A_36, %dma_start3A] : memref<120x128xi32, #tpu.memory_space<vmem>> -> memref<1x128xi32, #tpu.memory_space<vmem>>
        %dma_start3A_39 = tpu.memref_squeeze %dma_start3A_38 : memref<1x128xi32, #tpu.memory_space<vmem>> -> memref<128xi32, #tpu.memory_space<vmem>>
        %dma_start3A_40 = arith.constant 0 : i32
        %dma_start3A_41 = arith.constant 0 : i32
        %dma_start3A_42 = tpu.memref_slice %arg2[%dma_start3A_40, %dma_start3A_41] : memref<10240x128xf32, #tpu.memory_space<hbm>> -> memref<10240x128xf32, #tpu.memory_space<hbm>>
        tpu.enqueue_indirect_dma source(%dma_start3A_42 : memref<10240x128xf32, #tpu.memory_space<hbm>>) target(%arg10 : memref<128x128xf32, #tpu.memory_space<vmem>>) offsets(%dma_start3A_39 : memref<128xi32, #tpu.memory_space<vmem>>) semaphore(%arg12 : memref<!tpu.dma_semaphore, #tpu.memory_space<semaphore_mem>>)
        %dma_wait3A = arith.constant 0 : i32
        %dma_wait3A_43 = tpu.memref_slice %arg8[%scan3A_36, %dma_wait3A] : memref<120x128xi32, #tpu.memory_space<vmem>> -> memref<1x128xi32, #tpu.memory_space<vmem>>
        %dma_wait3A_44 = tpu.memref_squeeze %dma_wait3A_43 : memref<1x128xi32, #tpu.memory_space<vmem>> -> memref<128xi32, #tpu.memory_space<vmem>>
        %dma_wait3A_45 = arith.constant 0 : i32
        %dma_wait3A_46 = arith.constant 0 : i32
        %dma_wait3A_47 = tpu.memref_slice %arg2[%dma_wait3A_45, %dma_wait3A_46] : memref<10240x128xf32, #tpu.memory_space<hbm>> -> memref<10240x128xf32, #tpu.memory_space<hbm>>
        tpu.wait_indirect_dma semaphore(%arg12 : memref<!tpu.dma_semaphore, #tpu.memory_space<semaphore_mem>>) src(%dma_wait3A_47 : memref<10240x128xf32, #tpu.memory_space<hbm>>) dst(%arg10 : memref<128x128xf32, #tpu.memory_space<vmem>>)
        "tpu.region"() ({
          %run_scoped3A = tpu.sem_alloc : memref<!tpu.dma_semaphore, #tpu.memory_space<semaphore_mem>>
          %dma_start3A_49 = arith.constant 0 : i32
          %dma_start3A_50 = tpu.memref_slice %arg9[%scan3A_36, %dma_start3A_49] : memref<120x128xi32, #tpu.memory_space<vmem>> -> memref<1x128xi32, #tpu.memory_space<vmem>>
          %dma_start3A_51 = tpu.memref_squeeze %dma_start3A_50 : memref<1x128xi32, #tpu.memory_space<vmem>> -> memref<128xi32, #tpu.memory_space<vmem>>
          %dma_start3A_52 = arith.constant 0 : i32
          %dma_start3A_53 = arith.constant 0 : i32
          %dma_start3A_54 = tpu.memref_slice %arg11[%dma_start3A_52, %dma_start3A_53] : memref<10240x128xf32, #tpu.memory_space<vmem_shared>> -> memref<10240x128xf32, #tpu.memory_space<vmem_shared>>
          tpu.enqueue_indirect_dma source(%arg10 : memref<128x128xf32, #tpu.memory_space<vmem>>) target(%dma_start3A_54 : memref<10240x128xf32, #tpu.memory_space<vmem_shared>>) offsets(%dma_start3A_51 : memref<128xi32, #tpu.memory_space<vmem>>) semaphore(%run_scoped3A : memref<!tpu.dma_semaphore, #tpu.memory_space<semaphore_mem>>) {add = true}
          %dma_wait3A_55 = arith.constant 0 : i32
          %dma_wait3A_56 = tpu.memref_slice %arg9[%scan3A_36, %dma_wait3A_55] : memref<120x128xi32, #tpu.memory_space<vmem>> -> memref<1x128xi32, #tpu.memory_space<vmem>>
          %dma_wait3A_57 = tpu.memref_squeeze %dma_wait3A_56 : memref<1x128xi32, #tpu.memory_space<vmem>> -> memref<128xi32, #tpu.memory_space<vmem>>
          %dma_wait3A_58 = arith.constant 0 : i32
          %dma_wait3A_59 = arith.constant 0 : i32
          %dma_wait3A_60 = tpu.memref_slice %arg11[%dma_wait3A_58, %dma_wait3A_59] : memref<10240x128xf32, #tpu.memory_space<vmem_shared>> -> memref<10240x128xf32, #tpu.memory_space<vmem_shared>>
          tpu.wait_indirect_dma semaphore(%run_scoped3A : memref<!tpu.dma_semaphore, #tpu.memory_space<semaphore_mem>>) src(%arg10 : memref<128x128xf32, #tpu.memory_space<vmem>>) dst(%dma_wait3A_60 : memref<10240x128xf32, #tpu.memory_space<vmem_shared>>)
          tpu.yield
        }) : () -> ()
        %scan3A_48 = arith.constant 0 : i32
        scf.yield %scan3A_48 : i32
      }
      %scan3A_35 = arith.constant 120 : i32
    } else {
    }
    %eq3A_16 = arith.constant 1 : i32
    %eq3A_17 = arith.cmpi eq, %arg0, %eq3A_16 : i32
    %convert_element_type3A_18 = arith.extui %eq3A_17 : i1 to i32
    %cond3A_19 = arith.constant 0 : i32
    %cond3A_20 = arith.cmpi ne, %convert_element_type3A_18, %cond3A_19 : i32
    scf.if %cond3A_20 {
      "tpu.region"() ({
        %run_scoped3A = tpu.sem_alloc : memref<!tpu.dma_semaphore, #tpu.memory_space<semaphore_mem>>
        %dma_start3A = arith.constant 0 : i32
        %dma_start3A_36 = arith.constant 0 : i32
        %dma_start3A_37 = tpu.memref_slice %arg8[%dma_start3A, %dma_start3A_36] : memref<120x128xi32, #tpu.memory_space<vmem>> -> memref<40x128xi32, #tpu.memory_space<vmem>>
        %dma_start3A_38 = arith.constant 0 : i32
        %dma_start3A_39 = arith.constant 0 : i32
        %dma_start3A_40 = tpu.memref_slice %arg5[%arg1, %dma_start3A_38, %dma_start3A_39] : memref<16x40x128xi32, #tpu.memory_space<hbm>> -> memref<1x40x128xi32, #tpu.memory_space<hbm>>
        %dma_start3A_41 = tpu.memref_squeeze %dma_start3A_40 : memref<1x40x128xi32, #tpu.memory_space<hbm>> -> memref<40x128xi32, #tpu.memory_space<hbm>>
        %dma_start3A_42 = arith.constant 0 : i32
        %dma_start3A_43 = arith.constant 0 : i32
        %dma_start3A_44 = tpu.memref_slice %arg8[%dma_start3A_42, %dma_start3A_43] : memref<120x128xi32, #tpu.memory_space<vmem>> -> memref<40x128xi32, #tpu.memory_space<vmem>>
        %dma_start3A_45 = arith.constant 0 : i32
        %dma_start3A_46 = arith.constant 0 : i32
        %dma_start3A_47 = tpu.memref_slice %arg5[%arg1, %dma_start3A_45, %dma_start3A_46] : memref<16x40x128xi32, #tpu.memory_space<hbm>> -> memref<1x40x128xi32, #tpu.memory_space<hbm>>
        %dma_start3A_48 = tpu.memref_squeeze %dma_start3A_47 : memref<1x40x128xi32, #tpu.memory_space<hbm>> -> memref<40x128xi32, #tpu.memory_space<hbm>>
        tpu.enqueue_dma source(%dma_start3A_48 : memref<40x128xi32, #tpu.memory_space<hbm>>) target(%dma_start3A_44 : memref<40x128xi32, #tpu.memory_space<vmem>>) target_semaphore(%run_scoped3A : memref<!tpu.dma_semaphore, #tpu.memory_space<semaphore_mem>>)
        %dma_wait3A = arith.constant 0 : i32
        %dma_wait3A_49 = arith.constant 0 : i32
        %dma_wait3A_50 = tpu.memref_slice %arg8[%dma_wait3A, %dma_wait3A_49] : memref<120x128xi32, #tpu.memory_space<vmem>> -> memref<40x128xi32, #tpu.memory_space<vmem>>
        %dma_wait3A_51 = arith.constant 0 : i32
        %dma_wait3A_52 = arith.constant 0 : i32
        %dma_wait3A_53 = tpu.memref_slice %arg5[%arg1, %dma_wait3A_51, %dma_wait3A_52] : memref<16x40x128xi32, #tpu.memory_space<hbm>> -> memref<1x40x128xi32, #tpu.memory_space<hbm>>
        %dma_wait3A_54 = tpu.memref_squeeze %dma_wait3A_53 : memref<1x40x128xi32, #tpu.memory_space<hbm>> -> memref<40x128xi32, #tpu.memory_space<hbm>>
        %dma_wait3A_55 = arith.constant 0 : i32
        %dma_wait3A_56 = arith.constant 0 : i32
        %dma_wait3A_57 = tpu.memref_slice %arg8[%dma_wait3A_55, %dma_wait3A_56] : memref<120x128xi32, #tpu.memory_space<vmem>> -> memref<40x128xi32, #tpu.memory_space<vmem>>
        %dma_wait3A_58 = arith.constant 0 : i32
        %dma_wait3A_59 = arith.constant 0 : i32
        %dma_wait3A_60 = tpu.memref_slice %arg5[%arg1, %dma_wait3A_58, %dma_wait3A_59] : memref<16x40x128xi32, #tpu.memory_space<hbm>> -> memref<1x40x128xi32, #tpu.memory_space<hbm>>
        %dma_wait3A_61 = tpu.memref_squeeze %dma_wait3A_60 : memref<1x40x128xi32, #tpu.memory_space<hbm>> -> memref<40x128xi32, #tpu.memory_space<hbm>>
        tpu.wait_dma2 semaphore(%run_scoped3A : memref<!tpu.dma_semaphore, #tpu.memory_space<semaphore_mem>>) src(%dma_wait3A_61 : memref<40x128xi32, #tpu.memory_space<hbm>>) dst(%dma_wait3A_57 : memref<40x128xi32, #tpu.memory_space<vmem>>)
        tpu.yield
      }) : () -> ()
      "tpu.region"() ({
        %run_scoped3A = tpu.sem_alloc : memref<!tpu.dma_semaphore, #tpu.memory_space<semaphore_mem>>
        %dma_start3A = arith.constant 0 : i32
        %dma_start3A_36 = arith.constant 0 : i32
        %dma_start3A_37 = tpu.memref_slice %arg9[%dma_start3A, %dma_start3A_36] : memref<120x128xi32, #tpu.memory_space<vmem>> -> memref<40x128xi32, #tpu.memory_space<vmem>>
        %dma_start3A_38 = arith.constant 0 : i32
        %dma_start3A_39 = arith.constant 0 : i32
        %dma_start3A_40 = tpu.memref_slice %arg6[%arg1, %dma_start3A_38, %dma_start3A_39] : memref<16x40x128xi32, #tpu.memory_space<hbm>> -> memref<1x40x128xi32, #tpu.memory_space<hbm>>
        %dma_start3A_41 = tpu.memref_squeeze %dma_start3A_40 : memref<1x40x128xi32, #tpu.memory_space<hbm>> -> memref<40x128xi32, #tpu.memory_space<hbm>>
        %dma_start3A_42 = arith.constant 0 : i32
        %dma_start3A_43 = arith.constant 0 : i32
        %dma_start3A_44 = tpu.memref_slice %arg9[%dma_start3A_42, %dma_start3A_43] : memref<120x128xi32, #tpu.memory_space<vmem>> -> memref<40x128xi32, #tpu.memory_space<vmem>>
        %dma_start3A_45 = arith.constant 0 : i32
        %dma_start3A_46 = arith.constant 0 : i32
        %dma_start3A_47 = tpu.memref_slice %arg6[%arg1, %dma_start3A_45, %dma_start3A_46] : memref<16x40x128xi32, #tpu.memory_space<hbm>> -> memref<1x40x128xi32, #tpu.memory_space<hbm>>
        %dma_start3A_48 = tpu.memref_squeeze %dma_start3A_47 : memref<1x40x128xi32, #tpu.memory_space<hbm>> -> memref<40x128xi32, #tpu.memory_space<hbm>>
        tpu.enqueue_dma source(%dma_start3A_48 : memref<40x128xi32, #tpu.memory_space<hbm>>) target(%dma_start3A_44 : memref<40x128xi32, #tpu.memory_space<vmem>>) target_semaphore(%run_scoped3A : memref<!tpu.dma_semaphore, #tpu.memory_space<semaphore_mem>>)
        %dma_wait3A = arith.constant 0 : i32
        %dma_wait3A_49 = arith.constant 0 : i32
        %dma_wait3A_50 = tpu.memref_slice %arg9[%dma_wait3A, %dma_wait3A_49] : memref<120x128xi32, #tpu.memory_space<vmem>> -> memref<40x128xi32, #tpu.memory_space<vmem>>
        %dma_wait3A_51 = arith.constant 0 : i32
        %dma_wait3A_52 = arith.constant 0 : i32
        %dma_wait3A_53 = tpu.memref_slice %arg6[%arg1, %dma_wait3A_51, %dma_wait3A_52] : memref<16x40x128xi32, #tpu.memory_space<hbm>> -> memref<1x40x128xi32, #tpu.memory_space<hbm>>
        %dma_wait3A_54 = tpu.memref_squeeze %dma_wait3A_53 : memref<1x40x128xi32, #tpu.memory_space<hbm>> -> memref<40x128xi32, #tpu.memory_space<hbm>>
        %dma_wait3A_55 = arith.constant 0 : i32
        %dma_wait3A_56 = arith.constant 0 : i32
        %dma_wait3A_57 = tpu.memref_slice %arg9[%dma_wait3A_55, %dma_wait3A_56] : memref<120x128xi32, #tpu.memory_space<vmem>> -> memref<40x128xi32, #tpu.memory_space<vmem>>
        %dma_wait3A_58 = arith.constant 0 : i32
        %dma_wait3A_59 = arith.constant 0 : i32
        %dma_wait3A_60 = tpu.memref_slice %arg6[%arg1, %dma_wait3A_58, %dma_wait3A_59] : memref<16x40x128xi32, #tpu.memory_space<hbm>> -> memref<1x40x128xi32, #tpu.memory_space<hbm>>
        %dma_wait3A_61 = tpu.memref_squeeze %dma_wait3A_60 : memref<1x40x128xi32, #tpu.memory_space<hbm>> -> memref<40x128xi32, #tpu.memory_space<hbm>>
        tpu.wait_dma2 semaphore(%run_scoped3A : memref<!tpu.dma_semaphore, #tpu.memory_space<semaphore_mem>>) src(%dma_wait3A_61 : memref<40x128xi32, #tpu.memory_space<hbm>>) dst(%dma_wait3A_57 : memref<40x128xi32, #tpu.memory_space<vmem>>)
        tpu.yield
      }) : () -> ()
      %scan3A_29 = arith.constant 0 : i32
      %scan3A_30 = arith.constant 0 : i32
      %scan3A_31 = arith.constant 40 : i32
      %scan3A_32 = arith.addi %scan3A_30, %scan3A_31 : i32
      %scan3A_33 = arith.constant 1 : i32
      %scan3A_34 = scf.for %scan3A_36 = %scan3A_30 to %scan3A_32 step %scan3A_33 iter_args(%scan3A_37 = %scan3A_29) -> (i32)  : i32 {
        %dma_start3A = arith.constant 0 : i32
        %dma_start3A_38 = tpu.memref_slice %arg8[%scan3A_36, %dma_start3A] : memref<120x128xi32, #tpu.memory_space<vmem>> -> memref<1x128xi32, #tpu.memory_space<vmem>>
        %dma_start3A_39 = tpu.memref_squeeze %dma_start3A_38 : memref<1x128xi32, #tpu.memory_space<vmem>> -> memref<128xi32, #tpu.memory_space<vmem>>
        %dma_start3A_40 = arith.constant 0 : i32
        %dma_start3A_41 = arith.constant 0 : i32
        %dma_start3A_42 = tpu.memref_slice %arg2[%dma_start3A_40, %dma_start3A_41] : memref<10240x128xf32, #tpu.memory_space<hbm>> -> memref<10240x128xf32, #tpu.memory_space<hbm>>
        tpu.enqueue_indirect_dma source(%dma_start3A_42 : memref<10240x128xf32, #tpu.memory_space<hbm>>) target(%arg10 : memref<128x128xf32, #tpu.memory_space<vmem>>) offsets(%dma_start3A_39 : memref<128xi32, #tpu.memory_space<vmem>>) semaphore(%arg12 : memref<!tpu.dma_semaphore, #tpu.memory_space<semaphore_mem>>)
        %dma_wait3A = arith.constant 0 : i32
        %dma_wait3A_43 = tpu.memref_slice %arg8[%scan3A_36, %dma_wait3A] : memref<120x128xi32, #tpu.memory_space<vmem>> -> memref<1x128xi32, #tpu.memory_space<vmem>>
        %dma_wait3A_44 = tpu.memref_squeeze %dma_wait3A_43 : memref<1x128xi32, #tpu.memory_space<vmem>> -> memref<128xi32, #tpu.memory_space<vmem>>
        %dma_wait3A_45 = arith.constant 0 : i32
        %dma_wait3A_46 = arith.constant 0 : i32
        %dma_wait3A_47 = tpu.memref_slice %arg2[%dma_wait3A_45, %dma_wait3A_46] : memref<10240x128xf32, #tpu.memory_space<hbm>> -> memref<10240x128xf32, #tpu.memory_space<hbm>>
        tpu.wait_indirect_dma semaphore(%arg12 : memref<!tpu.dma_semaphore, #tpu.memory_space<semaphore_mem>>) src(%dma_wait3A_47 : memref<10240x128xf32, #tpu.memory_space<hbm>>) dst(%arg10 : memref<128x128xf32, #tpu.memory_space<vmem>>)
        "tpu.region"() ({
          %run_scoped3A = tpu.sem_alloc : memref<!tpu.dma_semaphore, #tpu.memory_space<semaphore_mem>>
          %dma_start3A_49 = arith.constant 0 : i32
          %dma_start3A_50 = tpu.memref_slice %arg9[%scan3A_36, %dma_start3A_49] : memref<120x128xi32, #tpu.memory_space<vmem>> -> memref<1x128xi32, #tpu.memory_space<vmem>>
          %dma_start3A_51 = tpu.memref_squeeze %dma_start3A_50 : memref<1x128xi32, #tpu.memory_space<vmem>> -> memref<128xi32, #tpu.memory_space<vmem>>
          %dma_start3A_52 = arith.constant 0 : i32
          %dma_start3A_53 = arith.constant 0 : i32
          %dma_start3A_54 = tpu.memref_slice %arg11[%dma_start3A_52, %dma_start3A_53] : memref<10240x128xf32, #tpu.memory_space<vmem_shared>> -> memref<10240x128xf32, #tpu.memory_space<vmem_shared>>
          tpu.enqueue_indirect_dma source(%arg10 : memref<128x128xf32, #tpu.memory_space<vmem>>) target(%dma_start3A_54 : memref<10240x128xf32, #tpu.memory_space<vmem_shared>>) offsets(%dma_start3A_51 : memref<128xi32, #tpu.memory_space<vmem>>) semaphore(%run_scoped3A : memref<!tpu.dma_semaphore, #tpu.memory_space<semaphore_mem>>) {add = true}
          %dma_wait3A_55 = arith.constant 0 : i32
          %dma_wait3A_56 = tpu.memref_slice %arg9[%scan3A_36, %dma_wait3A_55] : memref<120x128xi32, #tpu.memory_space<vmem>> -> memref<1x128xi32, #tpu.memory_space<vmem>>
          %dma_wait3A_57 = tpu.memref_squeeze %dma_wait3A_56 : memref<1x128xi32, #tpu.memory_space<vmem>> -> memref<128xi32, #tpu.memory_space<vmem>>
          %dma_wait3A_58 = arith.constant 0 : i32
          %dma_wait3A_59 = arith.constant 0 : i32
          %dma_wait3A_60 = tpu.memref_slice %arg11[%dma_wait3A_58, %dma_wait3A_59] : memref<10240x128xf32, #tpu.memory_space<vmem_shared>> -> memref<10240x128xf32, #tpu.memory_space<vmem_shared>>
          tpu.wait_indirect_dma semaphore(%run_scoped3A : memref<!tpu.dma_semaphore, #tpu.memory_space<semaphore_mem>>) src(%arg10 : memref<128x128xf32, #tpu.memory_space<vmem>>) dst(%dma_wait3A_60 : memref<10240x128xf32, #tpu.memory_space<vmem_shared>>)
          tpu.yield
        }) : () -> ()
        %scan3A_48 = arith.constant 0 : i32
        scf.yield %scan3A_48 : i32
      }
      %scan3A_35 = arith.constant 40 : i32
    } else {
    }
    %barrier3A_21 = arith.constant 0 : index
    tpu.barrier barrier_id(%barrier3A_21)
    %scan3A_22 = arith.constant 0 : i32
    %scan3A_23 = arith.constant 0 : i32
    %scan3A_24 = arith.constant 5 : i32
    %scan3A_25 = arith.addi %scan3A_23, %scan3A_24 : i32
    %scan3A_26 = arith.constant 1 : i32
    %scan3A_27 = scf.for %scan3A_29 = %scan3A_23 to %scan3A_25 step %scan3A_26 iter_args(%scan3A_30 = %scan3A_22) -> (i32)  : i32 {
      %mul3A = arith.constant 640 : i32
      %mul3A_31 = arith.muli %arg1, %mul3A : i32
      %mul3A_32 = arith.constant 128 : i32
      %mul3A_33 = arith.muli %scan3A_29, %mul3A_32 : i32
      %add3A = arith.addi %mul3A_31, %mul3A_33 : i32
      "tpu.region"() ({
        %run_scoped3A = tpu.sem_alloc : memref<!tpu.dma_semaphore, #tpu.memory_space<semaphore_mem>>
        %dma_start3A = arith.constant 0 : i32
        %dma_start3A_35 = tpu.memref_slice %arg7[%arg0, %add3A, %dma_start3A] : memref<2x10240x128xf32, #tpu.memory_space<hbm>> -> memref<1x128x128xf32, #tpu.memory_space<hbm>>
        %dma_start3A_36 = tpu.memref_squeeze %dma_start3A_35 : memref<1x128x128xf32, #tpu.memory_space<hbm>> -> memref<128x128xf32, #tpu.memory_space<hbm>>
        %dma_start3A_37 = arith.constant 0 : i32
        %dma_start3A_38 = tpu.memref_slice %arg11[%add3A, %dma_start3A_37] : memref<10240x128xf32, #tpu.memory_space<vmem_shared>> -> memref<128x128xf32, #tpu.memory_space<vmem_shared>>
        tpu.enqueue_dma source(%dma_start3A_38 : memref<128x128xf32, #tpu.memory_space<vmem_shared>>) target(%dma_start3A_36 : memref<128x128xf32, #tpu.memory_space<hbm>>) target_semaphore(%run_scoped3A : memref<!tpu.dma_semaphore, #tpu.memory_space<semaphore_mem>>)
        %dma_wait3A = arith.constant 0 : i32
        %dma_wait3A_39 = tpu.memref_slice %arg7[%arg0, %add3A, %dma_wait3A] : memref<2x10240x128xf32, #tpu.memory_space<hbm>> -> memref<1x128x128xf32, #tpu.memory_space<hbm>>
        %dma_wait3A_40 = tpu.memref_squeeze %dma_wait3A_39 : memref<1x128x128xf32, #tpu.memory_space<hbm>> -> memref<128x128xf32, #tpu.memory_space<hbm>>
        %dma_wait3A_41 = arith.constant 0 : i32
        %dma_wait3A_42 = tpu.memref_slice %arg11[%add3A, %dma_wait3A_41] : memref<10240x128xf32, #tpu.memory_space<vmem_shared>> -> memref<128x128xf32, #tpu.memory_space<vmem_shared>>
        tpu.wait_dma2 semaphore(%run_scoped3A : memref<!tpu.dma_semaphore, #tpu.memory_space<semaphore_mem>>) src(%dma_wait3A_42 : memref<128x128xf32, #tpu.memory_space<vmem_shared>>) dst(%dma_wait3A_40 : memref<128x128xf32, #tpu.memory_space<hbm>>)
        tpu.yield
      }) : () -> ()
      %scan3A_34 = arith.constant 0 : i32
      scf.yield %scan3A_34 : i32
    }
    %scan3A_28 = arith.constant 5 : i32
    return
  }
}

#map = affine_map<(d0, d1) -> (0, 0, 0)>
#map1 = affine_map<(d0, d1) -> (0, 0)>
module attributes {stable_mosaic.version = 14 : i64} {
  func.func @k(%arg0: i32, %arg1: i32, %arg2: memref<16x120x128xi32, #tpu.memory_space<hbm>>, %arg3: memref<16x40x128xi32, #tpu.memory_space<hbm>>, %arg4: memref<2x10240xf32, #tpu.memory_space<hbm>>, %arg5: memref<120x128xi32, #tpu.memory_space<vmem>>, %arg6: memref<128xf32, #tpu.memory_space<vmem>>, %arg7: memref<10240xf32, #tpu.memory_space<vmem_shared>>) attributes {dimension_semantics = [#tpu.dimension_semantics<core_parallel>, #tpu.dimension_semantics<subcore_parallel>], iteration_bounds = array<i64: 2, 16>, scalar_prefetch = 0 : i64, scratch_operands = 3 : i64, tpu.core_type = #tpu.core_type<sc_vector_subcore>, window_params = [{transform_indices = #map}, {transform_indices = #map}, {transform_indices = #map1}]} {
    %scan3A = arith.constant 0 : i32
    %scan3A_0 = arith.constant 0 : i32
    %scan3A_1 = arith.constant 8 : i32
    %scan3A_2 = arith.addi %scan3A_0, %scan3A_1 : i32
    %scan3A_3 = arith.constant 1 : i32
    %scan3A_4 = scf.for %scan3A_35 = %scan3A_0 to %scan3A_2 step %scan3A_3 iter_args(%scan3A_36 = %scan3A) -> (i32)  : i32 {
      %broadcast_in_dim3A = arith.constant 0.000000e+00 : f32
      %broadcast_in_dim3A_37 = vector.broadcast %broadcast_in_dim3A : f32 to vector<16xf32>
      %mul3A = arith.constant 16 : i32
      %mul3A_38 = arith.muli %scan3A_35, %mul3A : i32
      %swap3A = arith.index_cast %mul3A_38 : i32 to index
      %swap3A_39 = tpu.vector_load %arg6[%swap3A] {strides = array<i32>} : memref<128xf32, #tpu.memory_space<vmem>>, vector<16xf32>,
      %swap3A_40 = vector.shape_cast %swap3A_39 : vector<16xf32> to vector<16xf32>
      %swap3A_41 = vector.shape_cast %broadcast_in_dim3A_37 : vector<16xf32> to vector<16xf32>
      tpu.vector_store %arg6[%swap3A], %swap3A_41 {strides = array<i32>} : memref<128xf32, #tpu.memory_space<vmem>>, vector<16xf32>,
      %scan3A_42 = arith.constant 0 : i32
      scf.yield %scan3A_42 : i32
    }
    %scan3A_5 = arith.constant 8 : i32
    %scan3A_6 = arith.constant 0 : i32
    %scan3A_7 = arith.constant 0 : i32
    %scan3A_8 = arith.constant 5 : i32
    %scan3A_9 = arith.addi %scan3A_7, %scan3A_8 : i32
    %scan3A_10 = arith.constant 1 : i32
    %scan3A_11 = scf.for %scan3A_35 = %scan3A_7 to %scan3A_9 step %scan3A_10 iter_args(%scan3A_36 = %scan3A_6) -> (i32)  : i32 {
      %mul3A = arith.constant 640 : i32
      %mul3A_37 = arith.muli %arg1, %mul3A : i32
      %mul3A_38 = arith.constant 128 : i32
      %mul3A_39 = arith.muli %scan3A_35, %mul3A_38 : i32
      %add3A = arith.addi %mul3A_37, %mul3A_39 : i32
      "tpu.region"() ({
        %run_scoped3A = tpu.sem_alloc : memref<!tpu.dma_semaphore, #tpu.memory_space<semaphore_mem>>
        %dma_start3A = tpu.memref_slice %arg7[%add3A] : memref<10240xf32, #tpu.memory_space<vmem_shared>> -> memref<128xf32, #tpu.memory_space<vmem_shared>>
        %dma_start3A_41 = tpu.memref_slice %arg7[%add3A] : memref<10240xf32, #tpu.memory_space<vmem_shared>> -> memref<128xf32, #tpu.memory_space<vmem_shared>>
        tpu.enqueue_dma source(%arg6 : memref<128xf32, #tpu.memory_space<vmem>>) target(%dma_start3A_41 : memref<128xf32, #tpu.memory_space<vmem_shared>>) target_semaphore(%run_scoped3A : memref<!tpu.dma_semaphore, #tpu.memory_space<semaphore_mem>>)
        %dma_wait3A = tpu.memref_slice %arg7[%add3A] : memref<10240xf32, #tpu.memory_space<vmem_shared>> -> memref<128xf32, #tpu.memory_space<vmem_shared>>
        %dma_wait3A_42 = tpu.memref_slice %arg7[%add3A] : memref<10240xf32, #tpu.memory_space<vmem_shared>> -> memref<128xf32, #tpu.memory_space<vmem_shared>>
        tpu.wait_dma2 semaphore(%run_scoped3A : memref<!tpu.dma_semaphore, #tpu.memory_space<semaphore_mem>>) src(%arg6 : memref<128xf32, #tpu.memory_space<vmem>>) dst(%dma_wait3A_42 : memref<128xf32, #tpu.memory_space<vmem_shared>>)
        tpu.yield
      }) : () -> ()
      %scan3A_40 = arith.constant 0 : i32
      scf.yield %scan3A_40 : i32
    }
    %scan3A_12 = arith.constant 5 : i32
    %barrier3A = arith.constant 0 : index
    tpu.barrier barrier_id(%barrier3A)
    %scan3A_13 = arith.constant 0 : i32
    %scan3A_14 = arith.constant 0 : i32
    %scan3A_15 = arith.constant 8 : i32
    %scan3A_16 = arith.addi %scan3A_14, %scan3A_15 : i32
    %scan3A_17 = arith.constant 1 : i32
    %scan3A_18 = scf.for %scan3A_35 = %scan3A_14 to %scan3A_16 step %scan3A_17 iter_args(%scan3A_36 = %scan3A_13) -> (i32)  : i32 {
      %broadcast_in_dim3A = arith.constant 1.000000e+00 : f32
      %broadcast_in_dim3A_37 = vector.broadcast %broadcast_in_dim3A : f32 to vector<16xf32>
      %mul3A = arith.constant 16 : i32
      %mul3A_38 = arith.muli %scan3A_35, %mul3A : i32
      %swap3A = arith.index_cast %mul3A_38 : i32 to index
      %swap3A_39 = tpu.vector_load %arg6[%swap3A] {strides = array<i32>} : memref<128xf32, #tpu.memory_space<vmem>>, vector<16xf32>,
      %swap3A_40 = vector.shape_cast %swap3A_39 : vector<16xf32> to vector<16xf32>
      %swap3A_41 = vector.shape_cast %broadcast_in_dim3A_37 : vector<16xf32> to vector<16xf32>
      tpu.vector_store %arg6[%swap3A], %swap3A_41 {strides = array<i32>} : memref<128xf32, #tpu.memory_space<vmem>>, vector<16xf32>,
      %scan3A_42 = arith.constant 0 : i32
      scf.yield %scan3A_42 : i32
    }
    %scan3A_19 = arith.constant 8 : i32
    %eq3A = arith.constant 0 : i32
    %eq3A_20 = arith.cmpi eq, %arg0, %eq3A : i32
    %convert_element_type3A = arith.extui %eq3A_20 : i1 to i32
    %cond3A = arith.constant 0 : i32
    %cond3A_21 = arith.cmpi ne, %convert_element_type3A, %cond3A : i32
    scf.if %cond3A_21 {
      "tpu.region"() ({
        %run_scoped3A = tpu.sem_alloc : memref<!tpu.dma_semaphore, #tpu.memory_space<semaphore_mem>>
        %dma_start3A = arith.constant 0 : i32
        %dma_start3A_42 = arith.constant 0 : i32
        %dma_start3A_43 = tpu.memref_slice %arg2[%arg1, %dma_start3A, %dma_start3A_42] : memref<16x120x128xi32, #tpu.memory_space<hbm>> -> memref<1x120x128xi32, #tpu.memory_space<hbm>>
        %dma_start3A_44 = tpu.memref_squeeze %dma_start3A_43 : memref<1x120x128xi32, #tpu.memory_space<hbm>> -> memref<120x128xi32, #tpu.memory_space<hbm>>
        %dma_start3A_45 = arith.constant 0 : i32
        %dma_start3A_46 = arith.constant 0 : i32
        %dma_start3A_47 = tpu.memref_slice %arg2[%arg1, %dma_start3A_45, %dma_start3A_46] : memref<16x120x128xi32, #tpu.memory_space<hbm>> -> memref<1x120x128xi32, #tpu.memory_space<hbm>>
        %dma_start3A_48 = tpu.memref_squeeze %dma_start3A_47 : memref<1x120x128xi32, #tpu.memory_space<hbm>> -> memref<120x128xi32, #tpu.memory_space<hbm>>
        tpu.enqueue_dma source(%dma_start3A_48 : memref<120x128xi32, #tpu.memory_space<hbm>>) target(%arg5 : memref<120x128xi32, #tpu.memory_space<vmem>>) target_semaphore(%run_scoped3A : memref<!tpu.dma_semaphore, #tpu.memory_space<semaphore_mem>>)
        %dma_wait3A = arith.constant 0 : i32
        %dma_wait3A_49 = arith.constant 0 : i32
        %dma_wait3A_50 = tpu.memref_slice %arg2[%arg1, %dma_wait3A, %dma_wait3A_49] : memref<16x120x128xi32, #tpu.memory_space<hbm>> -> memref<1x120x128xi32, #tpu.memory_space<hbm>>
        %dma_wait3A_51 = tpu.memref_squeeze %dma_wait3A_50 : memref<1x120x128xi32, #tpu.memory_space<hbm>> -> memref<120x128xi32, #tpu.memory_space<hbm>>
        %dma_wait3A_52 = arith.constant 0 : i32
        %dma_wait3A_53 = arith.constant 0 : i32
        %dma_wait3A_54 = tpu.memref_slice %arg2[%arg1, %dma_wait3A_52, %dma_wait3A_53] : memref<16x120x128xi32, #tpu.memory_space<hbm>> -> memref<1x120x128xi32, #tpu.memory_space<hbm>>
        %dma_wait3A_55 = tpu.memref_squeeze %dma_wait3A_54 : memref<1x120x128xi32, #tpu.memory_space<hbm>> -> memref<120x128xi32, #tpu.memory_space<hbm>>
        tpu.wait_dma2 semaphore(%run_scoped3A : memref<!tpu.dma_semaphore, #tpu.memory_space<semaphore_mem>>) src(%dma_wait3A_55 : memref<120x128xi32, #tpu.memory_space<hbm>>) dst(%arg5 : memref<120x128xi32, #tpu.memory_space<vmem>>)
        tpu.yield
      }) : () -> ()
      %scan3A_35 = arith.constant 0 : i32
      %scan3A_36 = arith.constant 0 : i32
      %scan3A_37 = arith.constant 120 : i32
      %scan3A_38 = arith.addi %scan3A_36, %scan3A_37 : i32
      %scan3A_39 = arith.constant 1 : i32
      %scan3A_40 = scf.for %scan3A_42 = %scan3A_36 to %scan3A_38 step %scan3A_39 iter_args(%scan3A_43 = %scan3A_35) -> (i32)  : i32 {
        "tpu.region"() ({
          %run_scoped3A = tpu.sem_alloc : memref<!tpu.dma_semaphore, #tpu.memory_space<semaphore_mem>>
          %dma_start3A = arith.constant 0 : i32
          %dma_start3A_45 = tpu.memref_slice %arg5[%scan3A_42, %dma_start3A] : memref<120x128xi32, #tpu.memory_space<vmem>> -> memref<1x128xi32, #tpu.memory_space<vmem>>
          %dma_start3A_46 = tpu.memref_squeeze %dma_start3A_45 : memref<1x128xi32, #tpu.memory_space<vmem>> -> memref<128xi32, #tpu.memory_space<vmem>>
          %dma_start3A_47 = arith.constant 0 : i32
          %dma_start3A_48 = tpu.memref_slice %arg7[%dma_start3A_47] : memref<10240xf32, #tpu.memory_space<vmem_shared>> -> memref<10240xf32, #tpu.memory_space<vmem_shared>>
          tpu.enqueue_indirect_dma source(%arg6 : memref<128xf32, #tpu.memory_space<vmem>>) target(%dma_start3A_48 : memref<10240xf32, #tpu.memory_space<vmem_shared>>) offsets(%dma_start3A_46 : memref<128xi32, #tpu.memory_space<vmem>>) semaphore(%run_scoped3A : memref<!tpu.dma_semaphore, #tpu.memory_space<semaphore_mem>>) {add = true}
          %dma_wait3A = arith.constant 0 : i32
          %dma_wait3A_49 = tpu.memref_slice %arg5[%scan3A_42, %dma_wait3A] : memref<120x128xi32, #tpu.memory_space<vmem>> -> memref<1x128xi32, #tpu.memory_space<vmem>>
          %dma_wait3A_50 = tpu.memref_squeeze %dma_wait3A_49 : memref<1x128xi32, #tpu.memory_space<vmem>> -> memref<128xi32, #tpu.memory_space<vmem>>
          %dma_wait3A_51 = arith.constant 0 : i32
          %dma_wait3A_52 = tpu.memref_slice %arg7[%dma_wait3A_51] : memref<10240xf32, #tpu.memory_space<vmem_shared>> -> memref<10240xf32, #tpu.memory_space<vmem_shared>>
          tpu.wait_indirect_dma semaphore(%run_scoped3A : memref<!tpu.dma_semaphore, #tpu.memory_space<semaphore_mem>>) src(%arg6 : memref<128xf32, #tpu.memory_space<vmem>>) dst(%dma_wait3A_52 : memref<10240xf32, #tpu.memory_space<vmem_shared>>)
          tpu.yield
        }) : () -> ()
        %scan3A_44 = arith.constant 0 : i32
        scf.yield %scan3A_44 : i32
      }
      %scan3A_41 = arith.constant 120 : i32
    } else {
    }
    %eq3A_22 = arith.constant 1 : i32
    %eq3A_23 = arith.cmpi eq, %arg0, %eq3A_22 : i32
    %convert_element_type3A_24 = arith.extui %eq3A_23 : i1 to i32
    %cond3A_25 = arith.constant 0 : i32
    %cond3A_26 = arith.cmpi ne, %convert_element_type3A_24, %cond3A_25 : i32
    scf.if %cond3A_26 {
      "tpu.region"() ({
        %run_scoped3A = tpu.sem_alloc : memref<!tpu.dma_semaphore, #tpu.memory_space<semaphore_mem>>
        %dma_start3A = arith.constant 0 : i32
        %dma_start3A_42 = arith.constant 0 : i32
        %dma_start3A_43 = tpu.memref_slice %arg5[%dma_start3A, %dma_start3A_42] : memref<120x128xi32, #tpu.memory_space<vmem>> -> memref<40x128xi32, #tpu.memory_space<vmem>>
        %dma_start3A_44 = arith.constant 0 : i32
        %dma_start3A_45 = arith.constant 0 : i32
        %dma_start3A_46 = tpu.memref_slice %arg3[%arg1, %dma_start3A_44, %dma_start3A_45] : memref<16x40x128xi32, #tpu.memory_space<hbm>> -> memref<1x40x128xi32, #tpu.memory_space<hbm>>
        %dma_start3A_47 = tpu.memref_squeeze %dma_start3A_46 : memref<1x40x128xi32, #tpu.memory_space<hbm>> -> memref<40x128xi32, #tpu.memory_space<hbm>>
        %dma_start3A_48 = arith.constant 0 : i32
        %dma_start3A_49 = arith.constant 0 : i32
        %dma_start3A_50 = tpu.memref_slice %arg5[%dma_start3A_48, %dma_start3A_49] : memref<120x128xi32, #tpu.memory_space<vmem>> -> memref<40x128xi32, #tpu.memory_space<vmem>>
        %dma_start3A_51 = arith.constant 0 : i32
        %dma_start3A_52 = arith.constant 0 : i32
        %dma_start3A_53 = tpu.memref_slice %arg3[%arg1, %dma_start3A_51, %dma_start3A_52] : memref<16x40x128xi32, #tpu.memory_space<hbm>> -> memref<1x40x128xi32, #tpu.memory_space<hbm>>
        %dma_start3A_54 = tpu.memref_squeeze %dma_start3A_53 : memref<1x40x128xi32, #tpu.memory_space<hbm>> -> memref<40x128xi32, #tpu.memory_space<hbm>>
        tpu.enqueue_dma source(%dma_start3A_54 : memref<40x128xi32, #tpu.memory_space<hbm>>) target(%dma_start3A_50 : memref<40x128xi32, #tpu.memory_space<vmem>>) target_semaphore(%run_scoped3A : memref<!tpu.dma_semaphore, #tpu.memory_space<semaphore_mem>>)
        %dma_wait3A = arith.constant 0 : i32
        %dma_wait3A_55 = arith.constant 0 : i32
        %dma_wait3A_56 = tpu.memref_slice %arg5[%dma_wait3A, %dma_wait3A_55] : memref<120x128xi32, #tpu.memory_space<vmem>> -> memref<40x128xi32, #tpu.memory_space<vmem>>
        %dma_wait3A_57 = arith.constant 0 : i32
        %dma_wait3A_58 = arith.constant 0 : i32
        %dma_wait3A_59 = tpu.memref_slice %arg3[%arg1, %dma_wait3A_57, %dma_wait3A_58] : memref<16x40x128xi32, #tpu.memory_space<hbm>> -> memref<1x40x128xi32, #tpu.memory_space<hbm>>
        %dma_wait3A_60 = tpu.memref_squeeze %dma_wait3A_59 : memref<1x40x128xi32, #tpu.memory_space<hbm>> -> memref<40x128xi32, #tpu.memory_space<hbm>>
        %dma_wait3A_61 = arith.constant 0 : i32
        %dma_wait3A_62 = arith.constant 0 : i32
        %dma_wait3A_63 = tpu.memref_slice %arg5[%dma_wait3A_61, %dma_wait3A_62] : memref<120x128xi32, #tpu.memory_space<vmem>> -> memref<40x128xi32, #tpu.memory_space<vmem>>
        %dma_wait3A_64 = arith.constant 0 : i32
        %dma_wait3A_65 = arith.constant 0 : i32
        %dma_wait3A_66 = tpu.memref_slice %arg3[%arg1, %dma_wait3A_64, %dma_wait3A_65] : memref<16x40x128xi32, #tpu.memory_space<hbm>> -> memref<1x40x128xi32, #tpu.memory_space<hbm>>
        %dma_wait3A_67 = tpu.memref_squeeze %dma_wait3A_66 : memref<1x40x128xi32, #tpu.memory_space<hbm>> -> memref<40x128xi32, #tpu.memory_space<hbm>>
        tpu.wait_dma2 semaphore(%run_scoped3A : memref<!tpu.dma_semaphore, #tpu.memory_space<semaphore_mem>>) src(%dma_wait3A_67 : memref<40x128xi32, #tpu.memory_space<hbm>>) dst(%dma_wait3A_63 : memref<40x128xi32, #tpu.memory_space<vmem>>)
        tpu.yield
      }) : () -> ()
      %scan3A_35 = arith.constant 0 : i32
      %scan3A_36 = arith.constant 0 : i32
      %scan3A_37 = arith.constant 40 : i32
      %scan3A_38 = arith.addi %scan3A_36, %scan3A_37 : i32
      %scan3A_39 = arith.constant 1 : i32
      %scan3A_40 = scf.for %scan3A_42 = %scan3A_36 to %scan3A_38 step %scan3A_39 iter_args(%scan3A_43 = %scan3A_35) -> (i32)  : i32 {
        "tpu.region"() ({
          %run_scoped3A = tpu.sem_alloc : memref<!tpu.dma_semaphore, #tpu.memory_space<semaphore_mem>>
          %dma_start3A = arith.constant 0 : i32
          %dma_start3A_45 = tpu.memref_slice %arg5[%scan3A_42, %dma_start3A] : memref<120x128xi32, #tpu.memory_space<vmem>> -> memref<1x128xi32, #tpu.memory_space<vmem>>
          %dma_start3A_46 = tpu.memref_squeeze %dma_start3A_45 : memref<1x128xi32, #tpu.memory_space<vmem>> -> memref<128xi32, #tpu.memory_space<vmem>>
          %dma_start3A_47 = arith.constant 0 : i32
          %dma_start3A_48 = tpu.memref_slice %arg7[%dma_start3A_47] : memref<10240xf32, #tpu.memory_space<vmem_shared>> -> memref<10240xf32, #tpu.memory_space<vmem_shared>>
          tpu.enqueue_indirect_dma source(%arg6 : memref<128xf32, #tpu.memory_space<vmem>>) target(%dma_start3A_48 : memref<10240xf32, #tpu.memory_space<vmem_shared>>) offsets(%dma_start3A_46 : memref<128xi32, #tpu.memory_space<vmem>>) semaphore(%run_scoped3A : memref<!tpu.dma_semaphore, #tpu.memory_space<semaphore_mem>>) {add = true}
          %dma_wait3A = arith.constant 0 : i32
          %dma_wait3A_49 = tpu.memref_slice %arg5[%scan3A_42, %dma_wait3A] : memref<120x128xi32, #tpu.memory_space<vmem>> -> memref<1x128xi32, #tpu.memory_space<vmem>>
          %dma_wait3A_50 = tpu.memref_squeeze %dma_wait3A_49 : memref<1x128xi32, #tpu.memory_space<vmem>> -> memref<128xi32, #tpu.memory_space<vmem>>
          %dma_wait3A_51 = arith.constant 0 : i32
          %dma_wait3A_52 = tpu.memref_slice %arg7[%dma_wait3A_51] : memref<10240xf32, #tpu.memory_space<vmem_shared>> -> memref<10240xf32, #tpu.memory_space<vmem_shared>>
          tpu.wait_indirect_dma semaphore(%run_scoped3A : memref<!tpu.dma_semaphore, #tpu.memory_space<semaphore_mem>>) src(%arg6 : memref<128xf32, #tpu.memory_space<vmem>>) dst(%dma_wait3A_52 : memref<10240xf32, #tpu.memory_space<vmem_shared>>)
          tpu.yield
        }) : () -> ()
        %scan3A_44 = arith.constant 0 : i32
        scf.yield %scan3A_44 : i32
      }
      %scan3A_41 = arith.constant 40 : i32
    } else {
    }
    %barrier3A_27 = arith.constant 0 : index
    tpu.barrier barrier_id(%barrier3A_27)
    %scan3A_28 = arith.constant 0 : i32
    %scan3A_29 = arith.constant 0 : i32
    %scan3A_30 = arith.constant 5 : i32
    %scan3A_31 = arith.addi %scan3A_29, %scan3A_30 : i32
    %scan3A_32 = arith.constant 1 : i32
    %scan3A_33 = scf.for %scan3A_35 = %scan3A_29 to %scan3A_31 step %scan3A_32 iter_args(%scan3A_36 = %scan3A_28) -> (i32)  : i32 {
      %mul3A = arith.constant 640 : i32
      %mul3A_37 = arith.muli %arg1, %mul3A : i32
      %mul3A_38 = arith.constant 128 : i32
      %mul3A_39 = arith.muli %scan3A_35, %mul3A_38 : i32
      %add3A = arith.addi %mul3A_37, %mul3A_39 : i32
      "tpu.region"() ({
        %run_scoped3A = tpu.sem_alloc : memref<!tpu.dma_semaphore, #tpu.memory_space<semaphore_mem>>
        %dma_start3A = tpu.memref_slice %arg4[%arg0, %add3A] : memref<2x10240xf32, #tpu.memory_space<hbm>> -> memref<1x128xf32, #tpu.memory_space<hbm>>
        %dma_start3A_41 = tpu.memref_squeeze %dma_start3A : memref<1x128xf32, #tpu.memory_space<hbm>> -> memref<128xf32, #tpu.memory_space<hbm>>
        %dma_start3A_42 = tpu.memref_slice %arg7[%add3A] : memref<10240xf32, #tpu.memory_space<vmem_shared>> -> memref<128xf32, #tpu.memory_space<vmem_shared>>
        tpu.enqueue_dma source(%dma_start3A_42 : memref<128xf32, #tpu.memory_space<vmem_shared>>) target(%dma_start3A_41 : memref<128xf32, #tpu.memory_space<hbm>>) target_semaphore(%run_scoped3A : memref<!tpu.dma_semaphore, #tpu.memory_space<semaphore_mem>>)
        %dma_wait3A = tpu.memref_slice %arg4[%arg0, %add3A] : memref<2x10240xf32, #tpu.memory_space<hbm>> -> memref<1x128xf32, #tpu.memory_space<hbm>>
        %dma_wait3A_43 = tpu.memref_squeeze %dma_wait3A : memref<1x128xf32, #tpu.memory_space<hbm>> -> memref<128xf32, #tpu.memory_space<hbm>>
        %dma_wait3A_44 = tpu.memref_slice %arg7[%add3A] : memref<10240xf32, #tpu.memory_space<vmem_shared>> -> memref<128xf32, #tpu.memory_space<vmem_shared>>
        tpu.wait_dma2 semaphore(%run_scoped3A : memref<!tpu.dma_semaphore, #tpu.memory_space<semaphore_mem>>) src(%dma_wait3A_44 : memref<128xf32, #tpu.memory_space<vmem_shared>>) dst(%dma_wait3A_43 : memref<128xf32, #tpu.memory_space<hbm>>)
        tpu.yield
      }) : () -> ()
      %scan3A_40 = arith.constant 0 : i32
      scf.yield %scan3A_40 : i32
    }
    %scan3A_34 = arith.constant 5 : i32
    return
  }
}

#map = affine_map<(d0, d1) -> (0, 0)>
#map1 = affine_map<(d0, d1) -> (0, 0, 0)>
module attributes {stable_mosaic.version = 14 : i64} {
  func.func @k(%arg0: i32, %arg1: i32, %arg2: memref<10240x128xf32, #tpu.memory_space<hbm>>, %arg3: memref<16x120x128xi32, #tpu.memory_space<hbm>>, %arg4: memref<16x120x128xi32, #tpu.memory_space<hbm>>, %arg5: memref<16x40x128xi32, #tpu.memory_space<hbm>>, %arg6: memref<16x40x128xi32, #tpu.memory_space<hbm>>, %arg7: memref<2x10240x128xf32, #tpu.memory_space<hbm>>, %arg8: memref<120x128xi32, #tpu.memory_space<vmem>>, %arg9: memref<120x128xi32, #tpu.memory_space<vmem>>, %arg10: memref<128x128xf32, #tpu.memory_space<vmem>>, %arg11: memref<10240x128xf32, #tpu.memory_space<vmem_shared>>, %arg12: memref<!tpu.dma_semaphore, #tpu.memory_space<semaphore_mem>>) attributes {dimension_semantics = [#tpu.dimension_semantics<core_parallel>, #tpu.dimension_semantics<subcore_parallel>], iteration_bounds = array<i64: 2, 16>, scalar_prefetch = 0 : i64, scratch_operands = 5 : i64, tpu.core_type = #tpu.core_type<sc_vector_subcore>, window_params = [{transform_indices = #map}, {transform_indices = #map1}, {transform_indices = #map1}, {transform_indices = #map1}, {transform_indices = #map1}, {transform_indices = #map1}]} {
    %broadcast_in_dim3A = arith.constant 0.000000e+00 : f32
    %broadcast_in_dim3A_0 = vector.broadcast %broadcast_in_dim3A : f32 to vector<16xf32>
    %scan3A = arith.constant 0 : i32
    %scan3A_1 = arith.constant 0 : i32
    %scan3A_2 = arith.constant 128 : i32
    %scan3A_3 = arith.addi %scan3A_1, %scan3A_2 : i32
    %scan3A_4 = arith.constant 1 : i32
    %scan3A_5 = scf.for %scan3A_29 = %scan3A_1 to %scan3A_3 step %scan3A_4 iter_args(%scan3A_30 = %scan3A) -> (i32)  : i32 {
      %swap3A = arith.index_cast %scan3A_29 : i32 to index
      %swap3A_31 = arith.constant 0 : index
      %swap3A_32 = tpu.vector_load %arg10[%swap3A, %swap3A_31] {strides = array<i32>} : memref<128x128xf32, #tpu.memory_space<vmem>>, vector<1x16xf32>,
      %swap3A_33 = vector.shape_cast %swap3A_32 : vector<1x16xf32> to vector<16xf32>
      %swap3A_34 = vector.shape_cast %broadcast_in_dim3A_0 : vector<16xf32> to vector<1x16xf32>
      tpu.vector_store %arg10[%swap3A, %swap3A_31], %swap3A_34 {strides = array<i32>} : memref<128x128xf32, #tpu.memory_space<vmem>>, vector<1x16xf32>,
      %swap3A_35 = arith.index_cast %scan3A_29 : i32 to index
      %swap3A_36 = arith.constant 16 : index
      %swap3A_37 = tpu.vector_load %arg10[%swap3A_35, %swap3A_36] {strides = array<i32>} : memref<128x128xf32, #tpu.memory_space<vmem>>, vector<1x16xf32>,
      %swap3A_38 = vector.shape_cast %swap3A_37 : vector<1x16xf32> to vector<16xf32>
      %swap3A_39 = vector.shape_cast %broadcast_in_dim3A_0 : vector<16xf32> to vector<1x16xf32>
      tpu.vector_store %arg10[%swap3A_35, %swap3A_36], %swap3A_39 {strides = array<i32>} : memref<128x128xf32, #tpu.memory_space<vmem>>, vector<1x16xf32>,
      %swap3A_40 = arith.index_cast %scan3A_29 : i32 to index
      %swap3A_41 = arith.constant 32 : index
      %swap3A_42 = tpu.vector_load %arg10[%swap3A_40, %swap3A_41] {strides = array<i32>} : memref<128x128xf32, #tpu.memory_space<vmem>>, vector<1x16xf32>,
      %swap3A_43 = vector.shape_cast %swap3A_42 : vector<1x16xf32> to vector<16xf32>
      %swap3A_44 = vector.shape_cast %broadcast_in_dim3A_0 : vector<16xf32> to vector<1x16xf32>
      tpu.vector_store %arg10[%swap3A_40, %swap3A_41], %swap3A_44 {strides = array<i32>} : memref<128x128xf32, #tpu.memory_space<vmem>>, vector<1x16xf32>,
      %swap3A_45 = arith.index_cast %scan3A_29 : i32 to index
      %swap3A_46 = arith.constant 48 : index
      %swap3A_47 = tpu.vector_load %arg10[%swap3A_45, %swap3A_46] {strides = array<i32>} : memref<128x128xf32, #tpu.memory_space<vmem>>, vector<1x16xf32>,
      %swap3A_48 = vector.shape_cast %swap3A_47 : vector<1x16xf32> to vector<16xf32>
      %swap3A_49 = vector.shape_cast %broadcast_in_dim3A_0 : vector<16xf32> to vector<1x16xf32>
      tpu.vector_store %arg10[%swap3A_45, %swap3A_46], %swap3A_49 {strides = array<i32>} : memref<128x128xf32, #tpu.memory_space<vmem>>, vector<1x16xf32>,
      %swap3A_50 = arith.index_cast %scan3A_29 : i32 to index
      %swap3A_51 = arith.constant 64 : index
      %swap3A_52 = tpu.vector_load %arg10[%swap3A_50, %swap3A_51] {strides = array<i32>} : memref<128x128xf32, #tpu.memory_space<vmem>>, vector<1x16xf32>,
      %swap3A_53 = vector.shape_cast %swap3A_52 : vector<1x16xf32> to vector<16xf32>
      %swap3A_54 = vector.shape_cast %broadcast_in_dim3A_0 : vector<16xf32> to vector<1x16xf32>
      tpu.vector_store %arg10[%swap3A_50, %swap3A_51], %swap3A_54 {strides = array<i32>} : memref<128x128xf32, #tpu.memory_space<vmem>>, vector<1x16xf32>,
      %swap3A_55 = arith.index_cast %scan3A_29 : i32 to index
      %swap3A_56 = arith.constant 80 : index
      %swap3A_57 = tpu.vector_load %arg10[%swap3A_55, %swap3A_56] {strides = array<i32>} : memref<128x128xf32, #tpu.memory_space<vmem>>, vector<1x16xf32>,
      %swap3A_58 = vector.shape_cast %swap3A_57 : vector<1x16xf32> to vector<16xf32>
      %swap3A_59 = vector.shape_cast %broadcast_in_dim3A_0 : vector<16xf32> to vector<1x16xf32>
      tpu.vector_store %arg10[%swap3A_55, %swap3A_56], %swap3A_59 {strides = array<i32>} : memref<128x128xf32, #tpu.memory_space<vmem>>, vector<1x16xf32>,
      %swap3A_60 = arith.index_cast %scan3A_29 : i32 to index
      %swap3A_61 = arith.constant 96 : index
      %swap3A_62 = tpu.vector_load %arg10[%swap3A_60, %swap3A_61] {strides = array<i32>} : memref<128x128xf32, #tpu.memory_space<vmem>>, vector<1x16xf32>,
      %swap3A_63 = vector.shape_cast %swap3A_62 : vector<1x16xf32> to vector<16xf32>
      %swap3A_64 = vector.shape_cast %broadcast_in_dim3A_0 : vector<16xf32> to vector<1x16xf32>
      tpu.vector_store %arg10[%swap3A_60, %swap3A_61], %swap3A_64 {strides = array<i32>} : memref<128x128xf32, #tpu.memory_space<vmem>>, vector<1x16xf32>,
      %swap3A_65 = arith.index_cast %scan3A_29 : i32 to index
      %swap3A_66 = arith.constant 112 : index
      %swap3A_67 = tpu.vector_load %arg10[%swap3A_65, %swap3A_66] {strides = array<i32>} : memref<128x128xf32, #tpu.memory_space<vmem>>, vector<1x16xf32>,
      %swap3A_68 = vector.shape_cast %swap3A_67 : vector<1x16xf32> to vector<16xf32>
      %swap3A_69 = vector.shape_cast %broadcast_in_dim3A_0 : vector<16xf32> to vector<1x16xf32>
      tpu.vector_store %arg10[%swap3A_65, %swap3A_66], %swap3A_69 {strides = array<i32>} : memref<128x128xf32, #tpu.memory_space<vmem>>, vector<1x16xf32>,
      %scan3A_70 = arith.constant 0 : i32
      scf.yield %scan3A_70 : i32
    }
    %scan3A_6 = arith.constant 128 : i32
    %scan3A_7 = arith.constant 0 : i32
    %scan3A_8 = arith.constant 0 : i32
    %scan3A_9 = arith.constant 5 : i32
    %scan3A_10 = arith.addi %scan3A_8, %scan3A_9 : i32
    %scan3A_11 = arith.constant 1 : i32
    %scan3A_12 = scf.for %scan3A_29 = %scan3A_8 to %scan3A_10 step %scan3A_11 iter_args(%scan3A_30 = %scan3A_7) -> (i32)  : i32 {
      %mul3A = arith.constant 640 : i32
      %mul3A_31 = arith.muli %arg1, %mul3A : i32
      %mul3A_32 = arith.constant 128 : i32
      %mul3A_33 = arith.muli %scan3A_29, %mul3A_32 : i32
      %add3A = arith.addi %mul3A_31, %mul3A_33 : i32
      "tpu.region"() ({
        %run_scoped3A = tpu.sem_alloc : memref<!tpu.dma_semaphore, #tpu.memory_space<semaphore_mem>>
        %dma_start3A = arith.constant 0 : i32
        %dma_start3A_35 = tpu.memref_slice %arg11[%add3A, %dma_start3A] : memref<10240x128xf32, #tpu.memory_space<vmem_shared>> -> memref<128x128xf32, #tpu.memory_space<vmem_shared>>
        %dma_start3A_36 = arith.constant 0 : i32
        %dma_start3A_37 = tpu.memref_slice %arg11[%add3A, %dma_start3A_36] : memref<10240x128xf32, #tpu.memory_space<vmem_shared>> -> memref<128x128xf32, #tpu.memory_space<vmem_shared>>
        tpu.enqueue_dma source(%arg10 : memref<128x128xf32, #tpu.memory_space<vmem>>) target(%dma_start3A_37 : memref<128x128xf32, #tpu.memory_space<vmem_shared>>) target_semaphore(%run_scoped3A : memref<!tpu.dma_semaphore, #tpu.memory_space<semaphore_mem>>)
        %dma_wait3A = arith.constant 0 : i32
        %dma_wait3A_38 = tpu.memref_slice %arg11[%add3A, %dma_wait3A] : memref<10240x128xf32, #tpu.memory_space<vmem_shared>> -> memref<128x128xf32, #tpu.memory_space<vmem_shared>>
        %dma_wait3A_39 = arith.constant 0 : i32
        %dma_wait3A_40 = tpu.memref_slice %arg11[%add3A, %dma_wait3A_39] : memref<10240x128xf32, #tpu.memory_space<vmem_shared>> -> memref<128x128xf32, #tpu.memory_space<vmem_shared>>
        tpu.wait_dma2 semaphore(%run_scoped3A : memref<!tpu.dma_semaphore, #tpu.memory_space<semaphore_mem>>) src(%arg10 : memref<128x128xf32, #tpu.memory_space<vmem>>) dst(%dma_wait3A_40 : memref<128x128xf32, #tpu.memory_space<vmem_shared>>)
        tpu.yield
      }) : () -> ()
      %scan3A_34 = arith.constant 0 : i32
      scf.yield %scan3A_34 : i32
    }
    %scan3A_13 = arith.constant 5 : i32
    %barrier3A = arith.constant 0 : index
    tpu.barrier barrier_id(%barrier3A)
    %eq3A = arith.constant 0 : i32
    %eq3A_14 = arith.cmpi eq, %arg0, %eq3A : i32
    %convert_element_type3A = arith.extui %eq3A_14 : i1 to i32
    %cond3A = arith.constant 0 : i32
    %cond3A_15 = arith.cmpi ne, %convert_element_type3A, %cond3A : i32
    scf.if %cond3A_15 {
      "tpu.region"() ({
        %run_scoped3A = tpu.sem_alloc : memref<!tpu.dma_semaphore, #tpu.memory_space<semaphore_mem>>
        %dma_start3A = arith.constant 0 : i32
        %dma_start3A_36 = arith.constant 0 : i32
        %dma_start3A_37 = tpu.memref_slice %arg3[%arg1, %dma_start3A, %dma_start3A_36] : memref<16x120x128xi32, #tpu.memory_space<hbm>> -> memref<1x120x128xi32, #tpu.memory_space<hbm>>
        %dma_start3A_38 = tpu.memref_squeeze %dma_start3A_37 : memref<1x120x128xi32, #tpu.memory_space<hbm>> -> memref<120x128xi32, #tpu.memory_space<hbm>>
        %dma_start3A_39 = arith.constant 0 : i32
        %dma_start3A_40 = arith.constant 0 : i32
        %dma_start3A_41 = tpu.memref_slice %arg3[%arg1, %dma_start3A_39, %dma_start3A_40] : memref<16x120x128xi32, #tpu.memory_space<hbm>> -> memref<1x120x128xi32, #tpu.memory_space<hbm>>
        %dma_start3A_42 = tpu.memref_squeeze %dma_start3A_41 : memref<1x120x128xi32, #tpu.memory_space<hbm>> -> memref<120x128xi32, #tpu.memory_space<hbm>>
        tpu.enqueue_dma source(%dma_start3A_42 : memref<120x128xi32, #tpu.memory_space<hbm>>) target(%arg8 : memref<120x128xi32, #tpu.memory_space<vmem>>) target_semaphore(%run_scoped3A : memref<!tpu.dma_semaphore, #tpu.memory_space<semaphore_mem>>)
        %dma_wait3A = arith.constant 0 : i32
        %dma_wait3A_43 = arith.constant 0 : i32
        %dma_wait3A_44 = tpu.memref_slice %arg3[%arg1, %dma_wait3A, %dma_wait3A_43] : memref<16x120x128xi32, #tpu.memory_space<hbm>> -> memref<1x120x128xi32, #tpu.memory_space<hbm>>
        %dma_wait3A_45 = tpu.memref_squeeze %dma_wait3A_44 : memref<1x120x128xi32, #tpu.memory_space<hbm>> -> memref<120x128xi32, #tpu.memory_space<hbm>>
        %dma_wait3A_46 = arith.constant 0 : i32
        %dma_wait3A_47 = arith.constant 0 : i32
        %dma_wait3A_48 = tpu.memref_slice %arg3[%arg1, %dma_wait3A_46, %dma_wait3A_47] : memref<16x120x128xi32, #tpu.memory_space<hbm>> -> memref<1x120x128xi32, #tpu.memory_space<hbm>>
        %dma_wait3A_49 = tpu.memref_squeeze %dma_wait3A_48 : memref<1x120x128xi32, #tpu.memory_space<hbm>> -> memref<120x128xi32, #tpu.memory_space<hbm>>
        tpu.wait_dma2 semaphore(%run_scoped3A : memref<!tpu.dma_semaphore, #tpu.memory_space<semaphore_mem>>) src(%dma_wait3A_49 : memref<120x128xi32, #tpu.memory_space<hbm>>) dst(%arg8 : memref<120x128xi32, #tpu.memory_space<vmem>>)
        tpu.yield
      }) : () -> ()
      "tpu.region"() ({
        %run_scoped3A = tpu.sem_alloc : memref<!tpu.dma_semaphore, #tpu.memory_space<semaphore_mem>>
        %dma_start3A = arith.constant 0 : i32
        %dma_start3A_36 = arith.constant 0 : i32
        %dma_start3A_37 = tpu.memref_slice %arg4[%arg1, %dma_start3A, %dma_start3A_36] : memref<16x120x128xi32, #tpu.memory_space<hbm>> -> memref<1x120x128xi32, #tpu.memory_space<hbm>>
        %dma_start3A_38 = tpu.memref_squeeze %dma_start3A_37 : memref<1x120x128xi32, #tpu.memory_space<hbm>> -> memref<120x128xi32, #tpu.memory_space<hbm>>
        %dma_start3A_39 = arith.constant 0 : i32
        %dma_start3A_40 = arith.constant 0 : i32
        %dma_start3A_41 = tpu.memref_slice %arg4[%arg1, %dma_start3A_39, %dma_start3A_40] : memref<16x120x128xi32, #tpu.memory_space<hbm>> -> memref<1x120x128xi32, #tpu.memory_space<hbm>>
        %dma_start3A_42 = tpu.memref_squeeze %dma_start3A_41 : memref<1x120x128xi32, #tpu.memory_space<hbm>> -> memref<120x128xi32, #tpu.memory_space<hbm>>
        tpu.enqueue_dma source(%dma_start3A_42 : memref<120x128xi32, #tpu.memory_space<hbm>>) target(%arg9 : memref<120x128xi32, #tpu.memory_space<vmem>>) target_semaphore(%run_scoped3A : memref<!tpu.dma_semaphore, #tpu.memory_space<semaphore_mem>>)
        %dma_wait3A = arith.constant 0 : i32
        %dma_wait3A_43 = arith.constant 0 : i32
        %dma_wait3A_44 = tpu.memref_slice %arg4[%arg1, %dma_wait3A, %dma_wait3A_43] : memref<16x120x128xi32, #tpu.memory_space<hbm>> -> memref<1x120x128xi32, #tpu.memory_space<hbm>>
        %dma_wait3A_45 = tpu.memref_squeeze %dma_wait3A_44 : memref<1x120x128xi32, #tpu.memory_space<hbm>> -> memref<120x128xi32, #tpu.memory_space<hbm>>
        %dma_wait3A_46 = arith.constant 0 : i32
        %dma_wait3A_47 = arith.constant 0 : i32
        %dma_wait3A_48 = tpu.memref_slice %arg4[%arg1, %dma_wait3A_46, %dma_wait3A_47] : memref<16x120x128xi32, #tpu.memory_space<hbm>> -> memref<1x120x128xi32, #tpu.memory_space<hbm>>
        %dma_wait3A_49 = tpu.memref_squeeze %dma_wait3A_48 : memref<1x120x128xi32, #tpu.memory_space<hbm>> -> memref<120x128xi32, #tpu.memory_space<hbm>>
        tpu.wait_dma2 semaphore(%run_scoped3A : memref<!tpu.dma_semaphore, #tpu.memory_space<semaphore_mem>>) src(%dma_wait3A_49 : memref<120x128xi32, #tpu.memory_space<hbm>>) dst(%arg9 : memref<120x128xi32, #tpu.memory_space<vmem>>)
        tpu.yield
      }) : () -> ()
      %scan3A_29 = arith.constant 0 : i32
      %scan3A_30 = arith.constant 0 : i32
      %scan3A_31 = arith.constant 120 : i32
      %scan3A_32 = arith.addi %scan3A_30, %scan3A_31 : i32
      %scan3A_33 = arith.constant 1 : i32
      %scan3A_34 = scf.for %scan3A_36 = %scan3A_30 to %scan3A_32 step %scan3A_33 iter_args(%scan3A_37 = %scan3A_29) -> (i32)  : i32 {
        %dma_start3A = arith.constant 0 : i32
        %dma_start3A_38 = tpu.memref_slice %arg8[%scan3A_36, %dma_start3A] : memref<120x128xi32, #tpu.memory_space<vmem>> -> memref<1x128xi32, #tpu.memory_space<vmem>>
        %dma_start3A_39 = tpu.memref_squeeze %dma_start3A_38 : memref<1x128xi32, #tpu.memory_space<vmem>> -> memref<128xi32, #tpu.memory_space<vmem>>
        %dma_start3A_40 = arith.constant 0 : i32
        %dma_start3A_41 = arith.constant 0 : i32
        %dma_start3A_42 = tpu.memref_slice %arg2[%dma_start3A_40, %dma_start3A_41] : memref<10240x128xf32, #tpu.memory_space<hbm>> -> memref<10240x128xf32, #tpu.memory_space<hbm>>
        tpu.enqueue_indirect_dma source(%dma_start3A_42 : memref<10240x128xf32, #tpu.memory_space<hbm>>) target(%arg10 : memref<128x128xf32, #tpu.memory_space<vmem>>) offsets(%dma_start3A_39 : memref<128xi32, #tpu.memory_space<vmem>>) semaphore(%arg12 : memref<!tpu.dma_semaphore, #tpu.memory_space<semaphore_mem>>)
        %dma_wait3A = arith.constant 0 : i32
        %dma_wait3A_43 = tpu.memref_slice %arg8[%scan3A_36, %dma_wait3A] : memref<120x128xi32, #tpu.memory_space<vmem>> -> memref<1x128xi32, #tpu.memory_space<vmem>>
        %dma_wait3A_44 = tpu.memref_squeeze %dma_wait3A_43 : memref<1x128xi32, #tpu.memory_space<vmem>> -> memref<128xi32, #tpu.memory_space<vmem>>
        %dma_wait3A_45 = arith.constant 0 : i32
        %dma_wait3A_46 = arith.constant 0 : i32
        %dma_wait3A_47 = tpu.memref_slice %arg2[%dma_wait3A_45, %dma_wait3A_46] : memref<10240x128xf32, #tpu.memory_space<hbm>> -> memref<10240x128xf32, #tpu.memory_space<hbm>>
        tpu.wait_indirect_dma semaphore(%arg12 : memref<!tpu.dma_semaphore, #tpu.memory_space<semaphore_mem>>) src(%dma_wait3A_47 : memref<10240x128xf32, #tpu.memory_space<hbm>>) dst(%arg10 : memref<128x128xf32, #tpu.memory_space<vmem>>)
        "tpu.region"() ({
          %run_scoped3A = tpu.sem_alloc : memref<!tpu.dma_semaphore, #tpu.memory_space<semaphore_mem>>
          %dma_start3A_49 = arith.constant 0 : i32
          %dma_start3A_50 = tpu.memref_slice %arg9[%scan3A_36, %dma_start3A_49] : memref<120x128xi32, #tpu.memory_space<vmem>> -> memref<1x128xi32, #tpu.memory_space<vmem>>
          %dma_start3A_51 = tpu.memref_squeeze %dma_start3A_50 : memref<1x128xi32, #tpu.memory_space<vmem>> -> memref<128xi32, #tpu.memory_space<vmem>>
          %dma_start3A_52 = arith.constant 0 : i32
          %dma_start3A_53 = arith.constant 0 : i32
          %dma_start3A_54 = tpu.memref_slice %arg11[%dma_start3A_52, %dma_start3A_53] : memref<10240x128xf32, #tpu.memory_space<vmem_shared>> -> memref<10240x128xf32, #tpu.memory_space<vmem_shared>>
          tpu.enqueue_indirect_dma source(%arg10 : memref<128x128xf32, #tpu.memory_space<vmem>>) target(%dma_start3A_54 : memref<10240x128xf32, #tpu.memory_space<vmem_shared>>) offsets(%dma_start3A_51 : memref<128xi32, #tpu.memory_space<vmem>>) semaphore(%run_scoped3A : memref<!tpu.dma_semaphore, #tpu.memory_space<semaphore_mem>>) {add = true}
          %dma_wait3A_55 = arith.constant 0 : i32
          %dma_wait3A_56 = tpu.memref_slice %arg9[%scan3A_36, %dma_wait3A_55] : memref<120x128xi32, #tpu.memory_space<vmem>> -> memref<1x128xi32, #tpu.memory_space<vmem>>
          %dma_wait3A_57 = tpu.memref_squeeze %dma_wait3A_56 : memref<1x128xi32, #tpu.memory_space<vmem>> -> memref<128xi32, #tpu.memory_space<vmem>>
          %dma_wait3A_58 = arith.constant 0 : i32
          %dma_wait3A_59 = arith.constant 0 : i32
          %dma_wait3A_60 = tpu.memref_slice %arg11[%dma_wait3A_58, %dma_wait3A_59] : memref<10240x128xf32, #tpu.memory_space<vmem_shared>> -> memref<10240x128xf32, #tpu.memory_space<vmem_shared>>
          tpu.wait_indirect_dma semaphore(%run_scoped3A : memref<!tpu.dma_semaphore, #tpu.memory_space<semaphore_mem>>) src(%arg10 : memref<128x128xf32, #tpu.memory_space<vmem>>) dst(%dma_wait3A_60 : memref<10240x128xf32, #tpu.memory_space<vmem_shared>>)
          tpu.yield
        }) : () -> ()
        %scan3A_48 = arith.constant 0 : i32
        scf.yield %scan3A_48 : i32
      }
      %scan3A_35 = arith.constant 120 : i32
    } else {
    }
    %eq3A_16 = arith.constant 1 : i32
    %eq3A_17 = arith.cmpi eq, %arg0, %eq3A_16 : i32
    %convert_element_type3A_18 = arith.extui %eq3A_17 : i1 to i32
    %cond3A_19 = arith.constant 0 : i32
    %cond3A_20 = arith.cmpi ne, %convert_element_type3A_18, %cond3A_19 : i32
    scf.if %cond3A_20 {
      "tpu.region"() ({
        %run_scoped3A = tpu.sem_alloc : memref<!tpu.dma_semaphore, #tpu.memory_space<semaphore_mem>>
        %dma_start3A = arith.constant 0 : i32
        %dma_start3A_36 = arith.constant 0 : i32
        %dma_start3A_37 = tpu.memref_slice %arg8[%dma_start3A, %dma_start3A_36] : memref<120x128xi32, #tpu.memory_space<vmem>> -> memref<40x128xi32, #tpu.memory_space<vmem>>
        %dma_start3A_38 = arith.constant 0 : i32
        %dma_start3A_39 = arith.constant 0 : i32
        %dma_start3A_40 = tpu.memref_slice %arg5[%arg1, %dma_start3A_38, %dma_start3A_39] : memref<16x40x128xi32, #tpu.memory_space<hbm>> -> memref<1x40x128xi32, #tpu.memory_space<hbm>>
        %dma_start3A_41 = tpu.memref_squeeze %dma_start3A_40 : memref<1x40x128xi32, #tpu.memory_space<hbm>> -> memref<40x128xi32, #tpu.memory_space<hbm>>
        %dma_start3A_42 = arith.constant 0 : i32
        %dma_start3A_43 = arith.constant 0 : i32
        %dma_start3A_44 = tpu.memref_slice %arg8[%dma_start3A_42, %dma_start3A_43] : memref<120x128xi32, #tpu.memory_space<vmem>> -> memref<40x128xi32, #tpu.memory_space<vmem>>
        %dma_start3A_45 = arith.constant 0 : i32
        %dma_start3A_46 = arith.constant 0 : i32
        %dma_start3A_47 = tpu.memref_slice %arg5[%arg1, %dma_start3A_45, %dma_start3A_46] : memref<16x40x128xi32, #tpu.memory_space<hbm>> -> memref<1x40x128xi32, #tpu.memory_space<hbm>>
        %dma_start3A_48 = tpu.memref_squeeze %dma_start3A_47 : memref<1x40x128xi32, #tpu.memory_space<hbm>> -> memref<40x128xi32, #tpu.memory_space<hbm>>
        tpu.enqueue_dma source(%dma_start3A_48 : memref<40x128xi32, #tpu.memory_space<hbm>>) target(%dma_start3A_44 : memref<40x128xi32, #tpu.memory_space<vmem>>) target_semaphore(%run_scoped3A : memref<!tpu.dma_semaphore, #tpu.memory_space<semaphore_mem>>)
        %dma_wait3A = arith.constant 0 : i32
        %dma_wait3A_49 = arith.constant 0 : i32
        %dma_wait3A_50 = tpu.memref_slice %arg8[%dma_wait3A, %dma_wait3A_49] : memref<120x128xi32, #tpu.memory_space<vmem>> -> memref<40x128xi32, #tpu.memory_space<vmem>>
        %dma_wait3A_51 = arith.constant 0 : i32
        %dma_wait3A_52 = arith.constant 0 : i32
        %dma_wait3A_53 = tpu.memref_slice %arg5[%arg1, %dma_wait3A_51, %dma_wait3A_52] : memref<16x40x128xi32, #tpu.memory_space<hbm>> -> memref<1x40x128xi32, #tpu.memory_space<hbm>>
        %dma_wait3A_54 = tpu.memref_squeeze %dma_wait3A_53 : memref<1x40x128xi32, #tpu.memory_space<hbm>> -> memref<40x128xi32, #tpu.memory_space<hbm>>
        %dma_wait3A_55 = arith.constant 0 : i32
        %dma_wait3A_56 = arith.constant 0 : i32
        %dma_wait3A_57 = tpu.memref_slice %arg8[%dma_wait3A_55, %dma_wait3A_56] : memref<120x128xi32, #tpu.memory_space<vmem>> -> memref<40x128xi32, #tpu.memory_space<vmem>>
        %dma_wait3A_58 = arith.constant 0 : i32
        %dma_wait3A_59 = arith.constant 0 : i32
        %dma_wait3A_60 = tpu.memref_slice %arg5[%arg1, %dma_wait3A_58, %dma_wait3A_59] : memref<16x40x128xi32, #tpu.memory_space<hbm>> -> memref<1x40x128xi32, #tpu.memory_space<hbm>>
        %dma_wait3A_61 = tpu.memref_squeeze %dma_wait3A_60 : memref<1x40x128xi32, #tpu.memory_space<hbm>> -> memref<40x128xi32, #tpu.memory_space<hbm>>
        tpu.wait_dma2 semaphore(%run_scoped3A : memref<!tpu.dma_semaphore, #tpu.memory_space<semaphore_mem>>) src(%dma_wait3A_61 : memref<40x128xi32, #tpu.memory_space<hbm>>) dst(%dma_wait3A_57 : memref<40x128xi32, #tpu.memory_space<vmem>>)
        tpu.yield
      }) : () -> ()
      "tpu.region"() ({
        %run_scoped3A = tpu.sem_alloc : memref<!tpu.dma_semaphore, #tpu.memory_space<semaphore_mem>>
        %dma_start3A = arith.constant 0 : i32
        %dma_start3A_36 = arith.constant 0 : i32
        %dma_start3A_37 = tpu.memref_slice %arg9[%dma_start3A, %dma_start3A_36] : memref<120x128xi32, #tpu.memory_space<vmem>> -> memref<40x128xi32, #tpu.memory_space<vmem>>
        %dma_start3A_38 = arith.constant 0 : i32
        %dma_start3A_39 = arith.constant 0 : i32
        %dma_start3A_40 = tpu.memref_slice %arg6[%arg1, %dma_start3A_38, %dma_start3A_39] : memref<16x40x128xi32, #tpu.memory_space<hbm>> -> memref<1x40x128xi32, #tpu.memory_space<hbm>>
        %dma_start3A_41 = tpu.memref_squeeze %dma_start3A_40 : memref<1x40x128xi32, #tpu.memory_space<hbm>> -> memref<40x128xi32, #tpu.memory_space<hbm>>
        %dma_start3A_42 = arith.constant 0 : i32
        %dma_start3A_43 = arith.constant 0 : i32
        %dma_start3A_44 = tpu.memref_slice %arg9[%dma_start3A_42, %dma_start3A_43] : memref<120x128xi32, #tpu.memory_space<vmem>> -> memref<40x128xi32, #tpu.memory_space<vmem>>
        %dma_start3A_45 = arith.constant 0 : i32
        %dma_start3A_46 = arith.constant 0 : i32
        %dma_start3A_47 = tpu.memref_slice %arg6[%arg1, %dma_start3A_45, %dma_start3A_46] : memref<16x40x128xi32, #tpu.memory_space<hbm>> -> memref<1x40x128xi32, #tpu.memory_space<hbm>>
        %dma_start3A_48 = tpu.memref_squeeze %dma_start3A_47 : memref<1x40x128xi32, #tpu.memory_space<hbm>> -> memref<40x128xi32, #tpu.memory_space<hbm>>
        tpu.enqueue_dma source(%dma_start3A_48 : memref<40x128xi32, #tpu.memory_space<hbm>>) target(%dma_start3A_44 : memref<40x128xi32, #tpu.memory_space<vmem>>) target_semaphore(%run_scoped3A : memref<!tpu.dma_semaphore, #tpu.memory_space<semaphore_mem>>)
        %dma_wait3A = arith.constant 0 : i32
        %dma_wait3A_49 = arith.constant 0 : i32
        %dma_wait3A_50 = tpu.memref_slice %arg9[%dma_wait3A, %dma_wait3A_49] : memref<120x128xi32, #tpu.memory_space<vmem>> -> memref<40x128xi32, #tpu.memory_space<vmem>>
        %dma_wait3A_51 = arith.constant 0 : i32
        %dma_wait3A_52 = arith.constant 0 : i32
        %dma_wait3A_53 = tpu.memref_slice %arg6[%arg1, %dma_wait3A_51, %dma_wait3A_52] : memref<16x40x128xi32, #tpu.memory_space<hbm>> -> memref<1x40x128xi32, #tpu.memory_space<hbm>>
        %dma_wait3A_54 = tpu.memref_squeeze %dma_wait3A_53 : memref<1x40x128xi32, #tpu.memory_space<hbm>> -> memref<40x128xi32, #tpu.memory_space<hbm>>
        %dma_wait3A_55 = arith.constant 0 : i32
        %dma_wait3A_56 = arith.constant 0 : i32
        %dma_wait3A_57 = tpu.memref_slice %arg9[%dma_wait3A_55, %dma_wait3A_56] : memref<120x128xi32, #tpu.memory_space<vmem>> -> memref<40x128xi32, #tpu.memory_space<vmem>>
        %dma_wait3A_58 = arith.constant 0 : i32
        %dma_wait3A_59 = arith.constant 0 : i32
        %dma_wait3A_60 = tpu.memref_slice %arg6[%arg1, %dma_wait3A_58, %dma_wait3A_59] : memref<16x40x128xi32, #tpu.memory_space<hbm>> -> memref<1x40x128xi32, #tpu.memory_space<hbm>>
        %dma_wait3A_61 = tpu.memref_squeeze %dma_wait3A_60 : memref<1x40x128xi32, #tpu.memory_space<hbm>> -> memref<40x128xi32, #tpu.memory_space<hbm>>
        tpu.wait_dma2 semaphore(%run_scoped3A : memref<!tpu.dma_semaphore, #tpu.memory_space<semaphore_mem>>) src(%dma_wait3A_61 : memref<40x128xi32, #tpu.memory_space<hbm>>) dst(%dma_wait3A_57 : memref<40x128xi32, #tpu.memory_space<vmem>>)
        tpu.yield
      }) : () -> ()
      %scan3A_29 = arith.constant 0 : i32
      %scan3A_30 = arith.constant 0 : i32
      %scan3A_31 = arith.constant 40 : i32
      %scan3A_32 = arith.addi %scan3A_30, %scan3A_31 : i32
      %scan3A_33 = arith.constant 1 : i32
      %scan3A_34 = scf.for %scan3A_36 = %scan3A_30 to %scan3A_32 step %scan3A_33 iter_args(%scan3A_37 = %scan3A_29) -> (i32)  : i32 {
        %dma_start3A = arith.constant 0 : i32
        %dma_start3A_38 = tpu.memref_slice %arg8[%scan3A_36, %dma_start3A] : memref<120x128xi32, #tpu.memory_space<vmem>> -> memref<1x128xi32, #tpu.memory_space<vmem>>
        %dma_start3A_39 = tpu.memref_squeeze %dma_start3A_38 : memref<1x128xi32, #tpu.memory_space<vmem>> -> memref<128xi32, #tpu.memory_space<vmem>>
        %dma_start3A_40 = arith.constant 0 : i32
        %dma_start3A_41 = arith.constant 0 : i32
        %dma_start3A_42 = tpu.memref_slice %arg2[%dma_start3A_40, %dma_start3A_41] : memref<10240x128xf32, #tpu.memory_space<hbm>> -> memref<10240x128xf32, #tpu.memory_space<hbm>>
        tpu.enqueue_indirect_dma source(%dma_start3A_42 : memref<10240x128xf32, #tpu.memory_space<hbm>>) target(%arg10 : memref<128x128xf32, #tpu.memory_space<vmem>>) offsets(%dma_start3A_39 : memref<128xi32, #tpu.memory_space<vmem>>) semaphore(%arg12 : memref<!tpu.dma_semaphore, #tpu.memory_space<semaphore_mem>>)
        %dma_wait3A = arith.constant 0 : i32
        %dma_wait3A_43 = tpu.memref_slice %arg8[%scan3A_36, %dma_wait3A] : memref<120x128xi32, #tpu.memory_space<vmem>> -> memref<1x128xi32, #tpu.memory_space<vmem>>
        %dma_wait3A_44 = tpu.memref_squeeze %dma_wait3A_43 : memref<1x128xi32, #tpu.memory_space<vmem>> -> memref<128xi32, #tpu.memory_space<vmem>>
        %dma_wait3A_45 = arith.constant 0 : i32
        %dma_wait3A_46 = arith.constant 0 : i32
        %dma_wait3A_47 = tpu.memref_slice %arg2[%dma_wait3A_45, %dma_wait3A_46] : memref<10240x128xf32, #tpu.memory_space<hbm>> -> memref<10240x128xf32, #tpu.memory_space<hbm>>
        tpu.wait_indirect_dma semaphore(%arg12 : memref<!tpu.dma_semaphore, #tpu.memory_space<semaphore_mem>>) src(%dma_wait3A_47 : memref<10240x128xf32, #tpu.memory_space<hbm>>) dst(%arg10 : memref<128x128xf32, #tpu.memory_space<vmem>>)
        "tpu.region"() ({
          %run_scoped3A = tpu.sem_alloc : memref<!tpu.dma_semaphore, #tpu.memory_space<semaphore_mem>>
          %dma_start3A_49 = arith.constant 0 : i32
          %dma_start3A_50 = tpu.memref_slice %arg9[%scan3A_36, %dma_start3A_49] : memref<120x128xi32, #tpu.memory_space<vmem>> -> memref<1x128xi32, #tpu.memory_space<vmem>>
          %dma_start3A_51 = tpu.memref_squeeze %dma_start3A_50 : memref<1x128xi32, #tpu.memory_space<vmem>> -> memref<128xi32, #tpu.memory_space<vmem>>
          %dma_start3A_52 = arith.constant 0 : i32
          %dma_start3A_53 = arith.constant 0 : i32
          %dma_start3A_54 = tpu.memref_slice %arg11[%dma_start3A_52, %dma_start3A_53] : memref<10240x128xf32, #tpu.memory_space<vmem_shared>> -> memref<10240x128xf32, #tpu.memory_space<vmem_shared>>
          tpu.enqueue_indirect_dma source(%arg10 : memref<128x128xf32, #tpu.memory_space<vmem>>) target(%dma_start3A_54 : memref<10240x128xf32, #tpu.memory_space<vmem_shared>>) offsets(%dma_start3A_51 : memref<128xi32, #tpu.memory_space<vmem>>) semaphore(%run_scoped3A : memref<!tpu.dma_semaphore, #tpu.memory_space<semaphore_mem>>) {add = true}
          %dma_wait3A_55 = arith.constant 0 : i32
          %dma_wait3A_56 = tpu.memref_slice %arg9[%scan3A_36, %dma_wait3A_55] : memref<120x128xi32, #tpu.memory_space<vmem>> -> memref<1x128xi32, #tpu.memory_space<vmem>>
          %dma_wait3A_57 = tpu.memref_squeeze %dma_wait3A_56 : memref<1x128xi32, #tpu.memory_space<vmem>> -> memref<128xi32, #tpu.memory_space<vmem>>
          %dma_wait3A_58 = arith.constant 0 : i32
          %dma_wait3A_59 = arith.constant 0 : i32
          %dma_wait3A_60 = tpu.memref_slice %arg11[%dma_wait3A_58, %dma_wait3A_59] : memref<10240x128xf32, #tpu.memory_space<vmem_shared>> -> memref<10240x128xf32, #tpu.memory_space<vmem_shared>>
          tpu.wait_indirect_dma semaphore(%run_scoped3A : memref<!tpu.dma_semaphore, #tpu.memory_space<semaphore_mem>>) src(%arg10 : memref<128x128xf32, #tpu.memory_space<vmem>>) dst(%dma_wait3A_60 : memref<10240x128xf32, #tpu.memory_space<vmem_shared>>)
          tpu.yield
        }) : () -> ()
        %scan3A_48 = arith.constant 0 : i32
        scf.yield %scan3A_48 : i32
      }
      %scan3A_35 = arith.constant 40 : i32
    } else {
    }
    %barrier3A_21 = arith.constant 0 : index
    tpu.barrier barrier_id(%barrier3A_21)
    %scan3A_22 = arith.constant 0 : i32
    %scan3A_23 = arith.constant 0 : i32
    %scan3A_24 = arith.constant 5 : i32
    %scan3A_25 = arith.addi %scan3A_23, %scan3A_24 : i32
    %scan3A_26 = arith.constant 1 : i32
    %scan3A_27 = scf.for %scan3A_29 = %scan3A_23 to %scan3A_25 step %scan3A_26 iter_args(%scan3A_30 = %scan3A_22) -> (i32)  : i32 {
      %mul3A = arith.constant 640 : i32
      %mul3A_31 = arith.muli %arg1, %mul3A : i32
      %mul3A_32 = arith.constant 128 : i32
      %mul3A_33 = arith.muli %scan3A_29, %mul3A_32 : i32
      %add3A = arith.addi %mul3A_31, %mul3A_33 : i32
      "tpu.region"() ({
        %run_scoped3A = tpu.sem_alloc : memref<!tpu.dma_semaphore, #tpu.memory_space<semaphore_mem>>
        %dma_start3A = arith.constant 0 : i32
        %dma_start3A_35 = tpu.memref_slice %arg7[%arg0, %add3A, %dma_start3A] : memref<2x10240x128xf32, #tpu.memory_space<hbm>> -> memref<1x128x128xf32, #tpu.memory_space<hbm>>
        %dma_start3A_36 = tpu.memref_squeeze %dma_start3A_35 : memref<1x128x128xf32, #tpu.memory_space<hbm>> -> memref<128x128xf32, #tpu.memory_space<hbm>>
        %dma_start3A_37 = arith.constant 0 : i32
        %dma_start3A_38 = tpu.memref_slice %arg11[%add3A, %dma_start3A_37] : memref<10240x128xf32, #tpu.memory_space<vmem_shared>> -> memref<128x128xf32, #tpu.memory_space<vmem_shared>>
        tpu.enqueue_dma source(%dma_start3A_38 : memref<128x128xf32, #tpu.memory_space<vmem_shared>>) target(%dma_start3A_36 : memref<128x128xf32, #tpu.memory_space<hbm>>) target_semaphore(%run_scoped3A : memref<!tpu.dma_semaphore, #tpu.memory_space<semaphore_mem>>)
        %dma_wait3A = arith.constant 0 : i32
        %dma_wait3A_39 = tpu.memref_slice %arg7[%arg0, %add3A, %dma_wait3A] : memref<2x10240x128xf32, #tpu.memory_space<hbm>> -> memref<1x128x128xf32, #tpu.memory_space<hbm>>
        %dma_wait3A_40 = tpu.memref_squeeze %dma_wait3A_39 : memref<1x128x128xf32, #tpu.memory_space<hbm>> -> memref<128x128xf32, #tpu.memory_space<hbm>>
        %dma_wait3A_41 = arith.constant 0 : i32
        %dma_wait3A_42 = tpu.memref_slice %arg11[%add3A, %dma_wait3A_41] : memref<10240x128xf32, #tpu.memory_space<vmem_shared>> -> memref<128x128xf32, #tpu.memory_space<vmem_shared>>
        tpu.wait_dma2 semaphore(%run_scoped3A : memref<!tpu.dma_semaphore, #tpu.memory_space<semaphore_mem>>) src(%dma_wait3A_42 : memref<128x128xf32, #tpu.memory_space<vmem_shared>>) dst(%dma_wait3A_40 : memref<128x128xf32, #tpu.memory_space<hbm>>)
        tpu.yield
      }) : () -> ()
      %scan3A_34 = arith.constant 0 : i32
      scf.yield %scan3A_34 : i32
    }
    %scan3A_28 = arith.constant 5 : i32
    return
  }
}

#map = affine_map<(d0, d1) -> (0, 0)>
#map1 = affine_map<(d0, d1) -> (0, 0, 0)>
module attributes {stable_mosaic.version = 14 : i64} {
  func.func @k(%arg0: i32, %arg1: i32, %arg2: memref<10240x128xf32, #tpu.memory_space<hbm>>, %arg3: memref<16x120x128xi32, #tpu.memory_space<hbm>>, %arg4: memref<16x120x128xi32, #tpu.memory_space<hbm>>, %arg5: memref<16x40x128xi32, #tpu.memory_space<hbm>>, %arg6: memref<16x40x128xi32, #tpu.memory_space<hbm>>, %arg7: memref<2x10240x128xf32, #tpu.memory_space<hbm>>, %arg8: memref<120x128xi32, #tpu.memory_space<vmem>>, %arg9: memref<120x128xi32, #tpu.memory_space<vmem>>, %arg10: memref<128x128xf32, #tpu.memory_space<vmem>>, %arg11: memref<10240x128xf32, #tpu.memory_space<vmem_shared>>, %arg12: memref<!tpu.dma_semaphore, #tpu.memory_space<semaphore_mem>>) attributes {dimension_semantics = [#tpu.dimension_semantics<core_parallel>, #tpu.dimension_semantics<subcore_parallel>], iteration_bounds = array<i64: 2, 16>, scalar_prefetch = 0 : i64, scratch_operands = 5 : i64, tpu.core_type = #tpu.core_type<sc_vector_subcore>, window_params = [{transform_indices = #map}, {transform_indices = #map1}, {transform_indices = #map1}, {transform_indices = #map1}, {transform_indices = #map1}, {transform_indices = #map1}]} {
    %broadcast_in_dim3A = arith.constant 0.000000e+00 : f32
    %broadcast_in_dim3A_0 = vector.broadcast %broadcast_in_dim3A : f32 to vector<16xf32>
    %scan3A = arith.constant 0 : i32
    %scan3A_1 = arith.constant 0 : i32
    %scan3A_2 = arith.constant 128 : i32
    %scan3A_3 = arith.addi %scan3A_1, %scan3A_2 : i32
    %scan3A_4 = arith.constant 1 : i32
    %scan3A_5 = scf.for %scan3A_29 = %scan3A_1 to %scan3A_3 step %scan3A_4 iter_args(%scan3A_30 = %scan3A) -> (i32)  : i32 {
      %swap3A = arith.index_cast %scan3A_29 : i32 to index
      %swap3A_31 = arith.constant 0 : index
      %swap3A_32 = tpu.vector_load %arg10[%swap3A, %swap3A_31] {strides = array<i32>} : memref<128x128xf32, #tpu.memory_space<vmem>>, vector<1x16xf32>,
      %swap3A_33 = vector.shape_cast %swap3A_32 : vector<1x16xf32> to vector<16xf32>
      %swap3A_34 = vector.shape_cast %broadcast_in_dim3A_0 : vector<16xf32> to vector<1x16xf32>
      tpu.vector_store %arg10[%swap3A, %swap3A_31], %swap3A_34 {strides = array<i32>} : memref<128x128xf32, #tpu.memory_space<vmem>>, vector<1x16xf32>,
      %swap3A_35 = arith.index_cast %scan3A_29 : i32 to index
      %swap3A_36 = arith.constant 16 : index
      %swap3A_37 = tpu.vector_load %arg10[%swap3A_35, %swap3A_36] {strides = array<i32>} : memref<128x128xf32, #tpu.memory_space<vmem>>, vector<1x16xf32>,
      %swap3A_38 = vector.shape_cast %swap3A_37 : vector<1x16xf32> to vector<16xf32>
      %swap3A_39 = vector.shape_cast %broadcast_in_dim3A_0 : vector<16xf32> to vector<1x16xf32>
      tpu.vector_store %arg10[%swap3A_35, %swap3A_36], %swap3A_39 {strides = array<i32>} : memref<128x128xf32, #tpu.memory_space<vmem>>, vector<1x16xf32>,
      %swap3A_40 = arith.index_cast %scan3A_29 : i32 to index
      %swap3A_41 = arith.constant 32 : index
      %swap3A_42 = tpu.vector_load %arg10[%swap3A_40, %swap3A_41] {strides = array<i32>} : memref<128x128xf32, #tpu.memory_space<vmem>>, vector<1x16xf32>,
      %swap3A_43 = vector.shape_cast %swap3A_42 : vector<1x16xf32> to vector<16xf32>
      %swap3A_44 = vector.shape_cast %broadcast_in_dim3A_0 : vector<16xf32> to vector<1x16xf32>
      tpu.vector_store %arg10[%swap3A_40, %swap3A_41], %swap3A_44 {strides = array<i32>} : memref<128x128xf32, #tpu.memory_space<vmem>>, vector<1x16xf32>,
      %swap3A_45 = arith.index_cast %scan3A_29 : i32 to index
      %swap3A_46 = arith.constant 48 : index
      %swap3A_47 = tpu.vector_load %arg10[%swap3A_45, %swap3A_46] {strides = array<i32>} : memref<128x128xf32, #tpu.memory_space<vmem>>, vector<1x16xf32>,
      %swap3A_48 = vector.shape_cast %swap3A_47 : vector<1x16xf32> to vector<16xf32>
      %swap3A_49 = vector.shape_cast %broadcast_in_dim3A_0 : vector<16xf32> to vector<1x16xf32>
      tpu.vector_store %arg10[%swap3A_45, %swap3A_46], %swap3A_49 {strides = array<i32>} : memref<128x128xf32, #tpu.memory_space<vmem>>, vector<1x16xf32>,
      %swap3A_50 = arith.index_cast %scan3A_29 : i32 to index
      %swap3A_51 = arith.constant 64 : index
      %swap3A_52 = tpu.vector_load %arg10[%swap3A_50, %swap3A_51] {strides = array<i32>} : memref<128x128xf32, #tpu.memory_space<vmem>>, vector<1x16xf32>,
      %swap3A_53 = vector.shape_cast %swap3A_52 : vector<1x16xf32> to vector<16xf32>
      %swap3A_54 = vector.shape_cast %broadcast_in_dim3A_0 : vector<16xf32> to vector<1x16xf32>
      tpu.vector_store %arg10[%swap3A_50, %swap3A_51], %swap3A_54 {strides = array<i32>} : memref<128x128xf32, #tpu.memory_space<vmem>>, vector<1x16xf32>,
      %swap3A_55 = arith.index_cast %scan3A_29 : i32 to index
      %swap3A_56 = arith.constant 80 : index
      %swap3A_57 = tpu.vector_load %arg10[%swap3A_55, %swap3A_56] {strides = array<i32>} : memref<128x128xf32, #tpu.memory_space<vmem>>, vector<1x16xf32>,
      %swap3A_58 = vector.shape_cast %swap3A_57 : vector<1x16xf32> to vector<16xf32>
      %swap3A_59 = vector.shape_cast %broadcast_in_dim3A_0 : vector<16xf32> to vector<1x16xf32>
      tpu.vector_store %arg10[%swap3A_55, %swap3A_56], %swap3A_59 {strides = array<i32>} : memref<128x128xf32, #tpu.memory_space<vmem>>, vector<1x16xf32>,
      %swap3A_60 = arith.index_cast %scan3A_29 : i32 to index
      %swap3A_61 = arith.constant 96 : index
      %swap3A_62 = tpu.vector_load %arg10[%swap3A_60, %swap3A_61] {strides = array<i32>} : memref<128x128xf32, #tpu.memory_space<vmem>>, vector<1x16xf32>,
      %swap3A_63 = vector.shape_cast %swap3A_62 : vector<1x16xf32> to vector<16xf32>
      %swap3A_64 = vector.shape_cast %broadcast_in_dim3A_0 : vector<16xf32> to vector<1x16xf32>
      tpu.vector_store %arg10[%swap3A_60, %swap3A_61], %swap3A_64 {strides = array<i32>} : memref<128x128xf32, #tpu.memory_space<vmem>>, vector<1x16xf32>,
      %swap3A_65 = arith.index_cast %scan3A_29 : i32 to index
      %swap3A_66 = arith.constant 112 : index
      %swap3A_67 = tpu.vector_load %arg10[%swap3A_65, %swap3A_66] {strides = array<i32>} : memref<128x128xf32, #tpu.memory_space<vmem>>, vector<1x16xf32>,
      %swap3A_68 = vector.shape_cast %swap3A_67 : vector<1x16xf32> to vector<16xf32>
      %swap3A_69 = vector.shape_cast %broadcast_in_dim3A_0 : vector<16xf32> to vector<1x16xf32>
      tpu.vector_store %arg10[%swap3A_65, %swap3A_66], %swap3A_69 {strides = array<i32>} : memref<128x128xf32, #tpu.memory_space<vmem>>, vector<1x16xf32>,
      %scan3A_70 = arith.constant 0 : i32
      scf.yield %scan3A_70 : i32
    }
    %scan3A_6 = arith.constant 128 : i32
    %scan3A_7 = arith.constant 0 : i32
    %scan3A_8 = arith.constant 0 : i32
    %scan3A_9 = arith.constant 5 : i32
    %scan3A_10 = arith.addi %scan3A_8, %scan3A_9 : i32
    %scan3A_11 = arith.constant 1 : i32
    %scan3A_12 = scf.for %scan3A_29 = %scan3A_8 to %scan3A_10 step %scan3A_11 iter_args(%scan3A_30 = %scan3A_7) -> (i32)  : i32 {
      %mul3A = arith.constant 640 : i32
      %mul3A_31 = arith.muli %arg1, %mul3A : i32
      %mul3A_32 = arith.constant 128 : i32
      %mul3A_33 = arith.muli %scan3A_29, %mul3A_32 : i32
      %add3A = arith.addi %mul3A_31, %mul3A_33 : i32
      "tpu.region"() ({
        %run_scoped3A = tpu.sem_alloc : memref<!tpu.dma_semaphore, #tpu.memory_space<semaphore_mem>>
        %dma_start3A = arith.constant 0 : i32
        %dma_start3A_35 = tpu.memref_slice %arg11[%add3A, %dma_start3A] : memref<10240x128xf32, #tpu.memory_space<vmem_shared>> -> memref<128x128xf32, #tpu.memory_space<vmem_shared>>
        %dma_start3A_36 = arith.constant 0 : i32
        %dma_start3A_37 = tpu.memref_slice %arg11[%add3A, %dma_start3A_36] : memref<10240x128xf32, #tpu.memory_space<vmem_shared>> -> memref<128x128xf32, #tpu.memory_space<vmem_shared>>
        tpu.enqueue_dma source(%arg10 : memref<128x128xf32, #tpu.memory_space<vmem>>) target(%dma_start3A_37 : memref<128x128xf32, #tpu.memory_space<vmem_shared>>) target_semaphore(%run_scoped3A : memref<!tpu.dma_semaphore, #tpu.memory_space<semaphore_mem>>)
        %dma_wait3A = arith.constant 0 : i32
        %dma_wait3A_38 = tpu.memref_slice %arg11[%add3A, %dma_wait3A] : memref<10240x128xf32, #tpu.memory_space<vmem_shared>> -> memref<128x128xf32, #tpu.memory_space<vmem_shared>>
        %dma_wait3A_39 = arith.constant 0 : i32
        %dma_wait3A_40 = tpu.memref_slice %arg11[%add3A, %dma_wait3A_39] : memref<10240x128xf32, #tpu.memory_space<vmem_shared>> -> memref<128x128xf32, #tpu.memory_space<vmem_shared>>
        tpu.wait_dma2 semaphore(%run_scoped3A : memref<!tpu.dma_semaphore, #tpu.memory_space<semaphore_mem>>) src(%arg10 : memref<128x128xf32, #tpu.memory_space<vmem>>) dst(%dma_wait3A_40 : memref<128x128xf32, #tpu.memory_space<vmem_shared>>)
        tpu.yield
      }) : () -> ()
      %scan3A_34 = arith.constant 0 : i32
      scf.yield %scan3A_34 : i32
    }
    %scan3A_13 = arith.constant 5 : i32
    %barrier3A = arith.constant 0 : index
    tpu.barrier barrier_id(%barrier3A)
    %eq3A = arith.constant 0 : i32
    %eq3A_14 = arith.cmpi eq, %arg0, %eq3A : i32
    %convert_element_type3A = arith.extui %eq3A_14 : i1 to i32
    %cond3A = arith.constant 0 : i32
    %cond3A_15 = arith.cmpi ne, %convert_element_type3A, %cond3A : i32
    scf.if %cond3A_15 {
      "tpu.region"() ({
        %run_scoped3A = tpu.sem_alloc : memref<!tpu.dma_semaphore, #tpu.memory_space<semaphore_mem>>
        %dma_start3A = arith.constant 0 : i32
        %dma_start3A_36 = arith.constant 0 : i32
        %dma_start3A_37 = tpu.memref_slice %arg3[%arg1, %dma_start3A, %dma_start3A_36] : memref<16x120x128xi32, #tpu.memory_space<hbm>> -> memref<1x120x128xi32, #tpu.memory_space<hbm>>
        %dma_start3A_38 = tpu.memref_squeeze %dma_start3A_37 : memref<1x120x128xi32, #tpu.memory_space<hbm>> -> memref<120x128xi32, #tpu.memory_space<hbm>>
        %dma_start3A_39 = arith.constant 0 : i32
        %dma_start3A_40 = arith.constant 0 : i32
        %dma_start3A_41 = tpu.memref_slice %arg3[%arg1, %dma_start3A_39, %dma_start3A_40] : memref<16x120x128xi32, #tpu.memory_space<hbm>> -> memref<1x120x128xi32, #tpu.memory_space<hbm>>
        %dma_start3A_42 = tpu.memref_squeeze %dma_start3A_41 : memref<1x120x128xi32, #tpu.memory_space<hbm>> -> memref<120x128xi32, #tpu.memory_space<hbm>>
        tpu.enqueue_dma source(%dma_start3A_42 : memref<120x128xi32, #tpu.memory_space<hbm>>) target(%arg8 : memref<120x128xi32, #tpu.memory_space<vmem>>) target_semaphore(%run_scoped3A : memref<!tpu.dma_semaphore, #tpu.memory_space<semaphore_mem>>)
        %dma_wait3A = arith.constant 0 : i32
        %dma_wait3A_43 = arith.constant 0 : i32
        %dma_wait3A_44 = tpu.memref_slice %arg3[%arg1, %dma_wait3A, %dma_wait3A_43] : memref<16x120x128xi32, #tpu.memory_space<hbm>> -> memref<1x120x128xi32, #tpu.memory_space<hbm>>
        %dma_wait3A_45 = tpu.memref_squeeze %dma_wait3A_44 : memref<1x120x128xi32, #tpu.memory_space<hbm>> -> memref<120x128xi32, #tpu.memory_space<hbm>>
        %dma_wait3A_46 = arith.constant 0 : i32
        %dma_wait3A_47 = arith.constant 0 : i32
        %dma_wait3A_48 = tpu.memref_slice %arg3[%arg1, %dma_wait3A_46, %dma_wait3A_47] : memref<16x120x128xi32, #tpu.memory_space<hbm>> -> memref<1x120x128xi32, #tpu.memory_space<hbm>>
        %dma_wait3A_49 = tpu.memref_squeeze %dma_wait3A_48 : memref<1x120x128xi32, #tpu.memory_space<hbm>> -> memref<120x128xi32, #tpu.memory_space<hbm>>
        tpu.wait_dma2 semaphore(%run_scoped3A : memref<!tpu.dma_semaphore, #tpu.memory_space<semaphore_mem>>) src(%dma_wait3A_49 : memref<120x128xi32, #tpu.memory_space<hbm>>) dst(%arg8 : memref<120x128xi32, #tpu.memory_space<vmem>>)
        tpu.yield
      }) : () -> ()
      "tpu.region"() ({
        %run_scoped3A = tpu.sem_alloc : memref<!tpu.dma_semaphore, #tpu.memory_space<semaphore_mem>>
        %dma_start3A = arith.constant 0 : i32
        %dma_start3A_36 = arith.constant 0 : i32
        %dma_start3A_37 = tpu.memref_slice %arg4[%arg1, %dma_start3A, %dma_start3A_36] : memref<16x120x128xi32, #tpu.memory_space<hbm>> -> memref<1x120x128xi32, #tpu.memory_space<hbm>>
        %dma_start3A_38 = tpu.memref_squeeze %dma_start3A_37 : memref<1x120x128xi32, #tpu.memory_space<hbm>> -> memref<120x128xi32, #tpu.memory_space<hbm>>
        %dma_start3A_39 = arith.constant 0 : i32
        %dma_start3A_40 = arith.constant 0 : i32
        %dma_start3A_41 = tpu.memref_slice %arg4[%arg1, %dma_start3A_39, %dma_start3A_40] : memref<16x120x128xi32, #tpu.memory_space<hbm>> -> memref<1x120x128xi32, #tpu.memory_space<hbm>>
        %dma_start3A_42 = tpu.memref_squeeze %dma_start3A_41 : memref<1x120x128xi32, #tpu.memory_space<hbm>> -> memref<120x128xi32, #tpu.memory_space<hbm>>
        tpu.enqueue_dma source(%dma_start3A_42 : memref<120x128xi32, #tpu.memory_space<hbm>>) target(%arg9 : memref<120x128xi32, #tpu.memory_space<vmem>>) target_semaphore(%run_scoped3A : memref<!tpu.dma_semaphore, #tpu.memory_space<semaphore_mem>>)
        %dma_wait3A = arith.constant 0 : i32
        %dma_wait3A_43 = arith.constant 0 : i32
        %dma_wait3A_44 = tpu.memref_slice %arg4[%arg1, %dma_wait3A, %dma_wait3A_43] : memref<16x120x128xi32, #tpu.memory_space<hbm>> -> memref<1x120x128xi32, #tpu.memory_space<hbm>>
        %dma_wait3A_45 = tpu.memref_squeeze %dma_wait3A_44 : memref<1x120x128xi32, #tpu.memory_space<hbm>> -> memref<120x128xi32, #tpu.memory_space<hbm>>
        %dma_wait3A_46 = arith.constant 0 : i32
        %dma_wait3A_47 = arith.constant 0 : i32
        %dma_wait3A_48 = tpu.memref_slice %arg4[%arg1, %dma_wait3A_46, %dma_wait3A_47] : memref<16x120x128xi32, #tpu.memory_space<hbm>> -> memref<1x120x128xi32, #tpu.memory_space<hbm>>
        %dma_wait3A_49 = tpu.memref_squeeze %dma_wait3A_48 : memref<1x120x128xi32, #tpu.memory_space<hbm>> -> memref<120x128xi32, #tpu.memory_space<hbm>>
        tpu.wait_dma2 semaphore(%run_scoped3A : memref<!tpu.dma_semaphore, #tpu.memory_space<semaphore_mem>>) src(%dma_wait3A_49 : memref<120x128xi32, #tpu.memory_space<hbm>>) dst(%arg9 : memref<120x128xi32, #tpu.memory_space<vmem>>)
        tpu.yield
      }) : () -> ()
      %scan3A_29 = arith.constant 0 : i32
      %scan3A_30 = arith.constant 0 : i32
      %scan3A_31 = arith.constant 120 : i32
      %scan3A_32 = arith.addi %scan3A_30, %scan3A_31 : i32
      %scan3A_33 = arith.constant 1 : i32
      %scan3A_34 = scf.for %scan3A_36 = %scan3A_30 to %scan3A_32 step %scan3A_33 iter_args(%scan3A_37 = %scan3A_29) -> (i32)  : i32 {
        %dma_start3A = arith.constant 0 : i32
        %dma_start3A_38 = tpu.memref_slice %arg8[%scan3A_36, %dma_start3A] : memref<120x128xi32, #tpu.memory_space<vmem>> -> memref<1x128xi32, #tpu.memory_space<vmem>>
        %dma_start3A_39 = tpu.memref_squeeze %dma_start3A_38 : memref<1x128xi32, #tpu.memory_space<vmem>> -> memref<128xi32, #tpu.memory_space<vmem>>
        %dma_start3A_40 = arith.constant 0 : i32
        %dma_start3A_41 = arith.constant 0 : i32
        %dma_start3A_42 = tpu.memref_slice %arg2[%dma_start3A_40, %dma_start3A_41] : memref<10240x128xf32, #tpu.memory_space<hbm>> -> memref<10240x128xf32, #tpu.memory_space<hbm>>
        tpu.enqueue_indirect_dma source(%dma_start3A_42 : memref<10240x128xf32, #tpu.memory_space<hbm>>) target(%arg10 : memref<128x128xf32, #tpu.memory_space<vmem>>) offsets(%dma_start3A_39 : memref<128xi32, #tpu.memory_space<vmem>>) semaphore(%arg12 : memref<!tpu.dma_semaphore, #tpu.memory_space<semaphore_mem>>)
        %dma_wait3A = arith.constant 0 : i32
        %dma_wait3A_43 = tpu.memref_slice %arg8[%scan3A_36, %dma_wait3A] : memref<120x128xi32, #tpu.memory_space<vmem>> -> memref<1x128xi32, #tpu.memory_space<vmem>>
        %dma_wait3A_44 = tpu.memref_squeeze %dma_wait3A_43 : memref<1x128xi32, #tpu.memory_space<vmem>> -> memref<128xi32, #tpu.memory_space<vmem>>
        %dma_wait3A_45 = arith.constant 0 : i32
        %dma_wait3A_46 = arith.constant 0 : i32
        %dma_wait3A_47 = tpu.memref_slice %arg2[%dma_wait3A_45, %dma_wait3A_46] : memref<10240x128xf32, #tpu.memory_space<hbm>> -> memref<10240x128xf32, #tpu.memory_space<hbm>>
        tpu.wait_indirect_dma semaphore(%arg12 : memref<!tpu.dma_semaphore, #tpu.memory_space<semaphore_mem>>) src(%dma_wait3A_47 : memref<10240x128xf32, #tpu.memory_space<hbm>>) dst(%arg10 : memref<128x128xf32, #tpu.memory_space<vmem>>)
        "tpu.region"() ({
          %run_scoped3A = tpu.sem_alloc : memref<!tpu.dma_semaphore, #tpu.memory_space<semaphore_mem>>
          %dma_start3A_49 = arith.constant 0 : i32
          %dma_start3A_50 = tpu.memref_slice %arg9[%scan3A_36, %dma_start3A_49] : memref<120x128xi32, #tpu.memory_space<vmem>> -> memref<1x128xi32, #tpu.memory_space<vmem>>
          %dma_start3A_51 = tpu.memref_squeeze %dma_start3A_50 : memref<1x128xi32, #tpu.memory_space<vmem>> -> memref<128xi32, #tpu.memory_space<vmem>>
          %dma_start3A_52 = arith.constant 0 : i32
          %dma_start3A_53 = arith.constant 0 : i32
          %dma_start3A_54 = tpu.memref_slice %arg11[%dma_start3A_52, %dma_start3A_53] : memref<10240x128xf32, #tpu.memory_space<vmem_shared>> -> memref<10240x128xf32, #tpu.memory_space<vmem_shared>>
          tpu.enqueue_indirect_dma source(%arg10 : memref<128x128xf32, #tpu.memory_space<vmem>>) target(%dma_start3A_54 : memref<10240x128xf32, #tpu.memory_space<vmem_shared>>) offsets(%dma_start3A_51 : memref<128xi32, #tpu.memory_space<vmem>>) semaphore(%run_scoped3A : memref<!tpu.dma_semaphore, #tpu.memory_space<semaphore_mem>>) {add = true}
          %dma_wait3A_55 = arith.constant 0 : i32
          %dma_wait3A_56 = tpu.memref_slice %arg9[%scan3A_36, %dma_wait3A_55] : memref<120x128xi32, #tpu.memory_space<vmem>> -> memref<1x128xi32, #tpu.memory_space<vmem>>
          %dma_wait3A_57 = tpu.memref_squeeze %dma_wait3A_56 : memref<1x128xi32, #tpu.memory_space<vmem>> -> memref<128xi32, #tpu.memory_space<vmem>>
          %dma_wait3A_58 = arith.constant 0 : i32
          %dma_wait3A_59 = arith.constant 0 : i32
          %dma_wait3A_60 = tpu.memref_slice %arg11[%dma_wait3A_58, %dma_wait3A_59] : memref<10240x128xf32, #tpu.memory_space<vmem_shared>> -> memref<10240x128xf32, #tpu.memory_space<vmem_shared>>
          tpu.wait_indirect_dma semaphore(%run_scoped3A : memref<!tpu.dma_semaphore, #tpu.memory_space<semaphore_mem>>) src(%arg10 : memref<128x128xf32, #tpu.memory_space<vmem>>) dst(%dma_wait3A_60 : memref<10240x128xf32, #tpu.memory_space<vmem_shared>>)
          tpu.yield
        }) : () -> ()
        %scan3A_48 = arith.constant 0 : i32
        scf.yield %scan3A_48 : i32
      }
      %scan3A_35 = arith.constant 120 : i32
    } else {
    }
    %eq3A_16 = arith.constant 1 : i32
    %eq3A_17 = arith.cmpi eq, %arg0, %eq3A_16 : i32
    %convert_element_type3A_18 = arith.extui %eq3A_17 : i1 to i32
    %cond3A_19 = arith.constant 0 : i32
    %cond3A_20 = arith.cmpi ne, %convert_element_type3A_18, %cond3A_19 : i32
    scf.if %cond3A_20 {
      "tpu.region"() ({
        %run_scoped3A = tpu.sem_alloc : memref<!tpu.dma_semaphore, #tpu.memory_space<semaphore_mem>>
        %dma_start3A = arith.constant 0 : i32
        %dma_start3A_36 = arith.constant 0 : i32
        %dma_start3A_37 = tpu.memref_slice %arg8[%dma_start3A, %dma_start3A_36] : memref<120x128xi32, #tpu.memory_space<vmem>> -> memref<40x128xi32, #tpu.memory_space<vmem>>
        %dma_start3A_38 = arith.constant 0 : i32
        %dma_start3A_39 = arith.constant 0 : i32
        %dma_start3A_40 = tpu.memref_slice %arg5[%arg1, %dma_start3A_38, %dma_start3A_39] : memref<16x40x128xi32, #tpu.memory_space<hbm>> -> memref<1x40x128xi32, #tpu.memory_space<hbm>>
        %dma_start3A_41 = tpu.memref_squeeze %dma_start3A_40 : memref<1x40x128xi32, #tpu.memory_space<hbm>> -> memref<40x128xi32, #tpu.memory_space<hbm>>
        %dma_start3A_42 = arith.constant 0 : i32
        %dma_start3A_43 = arith.constant 0 : i32
        %dma_start3A_44 = tpu.memref_slice %arg8[%dma_start3A_42, %dma_start3A_43] : memref<120x128xi32, #tpu.memory_space<vmem>> -> memref<40x128xi32, #tpu.memory_space<vmem>>
        %dma_start3A_45 = arith.constant 0 : i32
        %dma_start3A_46 = arith.constant 0 : i32
        %dma_start3A_47 = tpu.memref_slice %arg5[%arg1, %dma_start3A_45, %dma_start3A_46] : memref<16x40x128xi32, #tpu.memory_space<hbm>> -> memref<1x40x128xi32, #tpu.memory_space<hbm>>
        %dma_start3A_48 = tpu.memref_squeeze %dma_start3A_47 : memref<1x40x128xi32, #tpu.memory_space<hbm>> -> memref<40x128xi32, #tpu.memory_space<hbm>>
        tpu.enqueue_dma source(%dma_start3A_48 : memref<40x128xi32, #tpu.memory_space<hbm>>) target(%dma_start3A_44 : memref<40x128xi32, #tpu.memory_space<vmem>>) target_semaphore(%run_scoped3A : memref<!tpu.dma_semaphore, #tpu.memory_space<semaphore_mem>>)
        %dma_wait3A = arith.constant 0 : i32
        %dma_wait3A_49 = arith.constant 0 : i32
        %dma_wait3A_50 = tpu.memref_slice %arg8[%dma_wait3A, %dma_wait3A_49] : memref<120x128xi32, #tpu.memory_space<vmem>> -> memref<40x128xi32, #tpu.memory_space<vmem>>
        %dma_wait3A_51 = arith.constant 0 : i32
        %dma_wait3A_52 = arith.constant 0 : i32
        %dma_wait3A_53 = tpu.memref_slice %arg5[%arg1, %dma_wait3A_51, %dma_wait3A_52] : memref<16x40x128xi32, #tpu.memory_space<hbm>> -> memref<1x40x128xi32, #tpu.memory_space<hbm>>
        %dma_wait3A_54 = tpu.memref_squeeze %dma_wait3A_53 : memref<1x40x128xi32, #tpu.memory_space<hbm>> -> memref<40x128xi32, #tpu.memory_space<hbm>>
        %dma_wait3A_55 = arith.constant 0 : i32
        %dma_wait3A_56 = arith.constant 0 : i32
        %dma_wait3A_57 = tpu.memref_slice %arg8[%dma_wait3A_55, %dma_wait3A_56] : memref<120x128xi32, #tpu.memory_space<vmem>> -> memref<40x128xi32, #tpu.memory_space<vmem>>
        %dma_wait3A_58 = arith.constant 0 : i32
        %dma_wait3A_59 = arith.constant 0 : i32
        %dma_wait3A_60 = tpu.memref_slice %arg5[%arg1, %dma_wait3A_58, %dma_wait3A_59] : memref<16x40x128xi32, #tpu.memory_space<hbm>> -> memref<1x40x128xi32, #tpu.memory_space<hbm>>
        %dma_wait3A_61 = tpu.memref_squeeze %dma_wait3A_60 : memref<1x40x128xi32, #tpu.memory_space<hbm>> -> memref<40x128xi32, #tpu.memory_space<hbm>>
        tpu.wait_dma2 semaphore(%run_scoped3A : memref<!tpu.dma_semaphore, #tpu.memory_space<semaphore_mem>>) src(%dma_wait3A_61 : memref<40x128xi32, #tpu.memory_space<hbm>>) dst(%dma_wait3A_57 : memref<40x128xi32, #tpu.memory_space<vmem>>)
        tpu.yield
      }) : () -> ()
      "tpu.region"() ({
        %run_scoped3A = tpu.sem_alloc : memref<!tpu.dma_semaphore, #tpu.memory_space<semaphore_mem>>
        %dma_start3A = arith.constant 0 : i32
        %dma_start3A_36 = arith.constant 0 : i32
        %dma_start3A_37 = tpu.memref_slice %arg9[%dma_start3A, %dma_start3A_36] : memref<120x128xi32, #tpu.memory_space<vmem>> -> memref<40x128xi32, #tpu.memory_space<vmem>>
        %dma_start3A_38 = arith.constant 0 : i32
        %dma_start3A_39 = arith.constant 0 : i32
        %dma_start3A_40 = tpu.memref_slice %arg6[%arg1, %dma_start3A_38, %dma_start3A_39] : memref<16x40x128xi32, #tpu.memory_space<hbm>> -> memref<1x40x128xi32, #tpu.memory_space<hbm>>
        %dma_start3A_41 = tpu.memref_squeeze %dma_start3A_40 : memref<1x40x128xi32, #tpu.memory_space<hbm>> -> memref<40x128xi32, #tpu.memory_space<hbm>>
        %dma_start3A_42 = arith.constant 0 : i32
        %dma_start3A_43 = arith.constant 0 : i32
        %dma_start3A_44 = tpu.memref_slice %arg9[%dma_start3A_42, %dma_start3A_43] : memref<120x128xi32, #tpu.memory_space<vmem>> -> memref<40x128xi32, #tpu.memory_space<vmem>>
        %dma_start3A_45 = arith.constant 0 : i32
        %dma_start3A_46 = arith.constant 0 : i32
        %dma_start3A_47 = tpu.memref_slice %arg6[%arg1, %dma_start3A_45, %dma_start3A_46] : memref<16x40x128xi32, #tpu.memory_space<hbm>> -> memref<1x40x128xi32, #tpu.memory_space<hbm>>
        %dma_start3A_48 = tpu.memref_squeeze %dma_start3A_47 : memref<1x40x128xi32, #tpu.memory_space<hbm>> -> memref<40x128xi32, #tpu.memory_space<hbm>>
        tpu.enqueue_dma source(%dma_start3A_48 : memref<40x128xi32, #tpu.memory_space<hbm>>) target(%dma_start3A_44 : memref<40x128xi32, #tpu.memory_space<vmem>>) target_semaphore(%run_scoped3A : memref<!tpu.dma_semaphore, #tpu.memory_space<semaphore_mem>>)
        %dma_wait3A = arith.constant 0 : i32
        %dma_wait3A_49 = arith.constant 0 : i32
        %dma_wait3A_50 = tpu.memref_slice %arg9[%dma_wait3A, %dma_wait3A_49] : memref<120x128xi32, #tpu.memory_space<vmem>> -> memref<40x128xi32, #tpu.memory_space<vmem>>
        %dma_wait3A_51 = arith.constant 0 : i32
        %dma_wait3A_52 = arith.constant 0 : i32
        %dma_wait3A_53 = tpu.memref_slice %arg6[%arg1, %dma_wait3A_51, %dma_wait3A_52] : memref<16x40x128xi32, #tpu.memory_space<hbm>> -> memref<1x40x128xi32, #tpu.memory_space<hbm>>
        %dma_wait3A_54 = tpu.memref_squeeze %dma_wait3A_53 : memref<1x40x128xi32, #tpu.memory_space<hbm>> -> memref<40x128xi32, #tpu.memory_space<hbm>>
        %dma_wait3A_55 = arith.constant 0 : i32
        %dma_wait3A_56 = arith.constant 0 : i32
        %dma_wait3A_57 = tpu.memref_slice %arg9[%dma_wait3A_55, %dma_wait3A_56] : memref<120x128xi32, #tpu.memory_space<vmem>> -> memref<40x128xi32, #tpu.memory_space<vmem>>
        %dma_wait3A_58 = arith.constant 0 : i32
        %dma_wait3A_59 = arith.constant 0 : i32
        %dma_wait3A_60 = tpu.memref_slice %arg6[%arg1, %dma_wait3A_58, %dma_wait3A_59] : memref<16x40x128xi32, #tpu.memory_space<hbm>> -> memref<1x40x128xi32, #tpu.memory_space<hbm>>
        %dma_wait3A_61 = tpu.memref_squeeze %dma_wait3A_60 : memref<1x40x128xi32, #tpu.memory_space<hbm>> -> memref<40x128xi32, #tpu.memory_space<hbm>>
        tpu.wait_dma2 semaphore(%run_scoped3A : memref<!tpu.dma_semaphore, #tpu.memory_space<semaphore_mem>>) src(%dma_wait3A_61 : memref<40x128xi32, #tpu.memory_space<hbm>>) dst(%dma_wait3A_57 : memref<40x128xi32, #tpu.memory_space<vmem>>)
        tpu.yield
      }) : () -> ()
      %scan3A_29 = arith.constant 0 : i32
      %scan3A_30 = arith.constant 0 : i32
      %scan3A_31 = arith.constant 40 : i32
      %scan3A_32 = arith.addi %scan3A_30, %scan3A_31 : i32
      %scan3A_33 = arith.constant 1 : i32
      %scan3A_34 = scf.for %scan3A_36 = %scan3A_30 to %scan3A_32 step %scan3A_33 iter_args(%scan3A_37 = %scan3A_29) -> (i32)  : i32 {
        %dma_start3A = arith.constant 0 : i32
        %dma_start3A_38 = tpu.memref_slice %arg8[%scan3A_36, %dma_start3A] : memref<120x128xi32, #tpu.memory_space<vmem>> -> memref<1x128xi32, #tpu.memory_space<vmem>>
        %dma_start3A_39 = tpu.memref_squeeze %dma_start3A_38 : memref<1x128xi32, #tpu.memory_space<vmem>> -> memref<128xi32, #tpu.memory_space<vmem>>
        %dma_start3A_40 = arith.constant 0 : i32
        %dma_start3A_41 = arith.constant 0 : i32
        %dma_start3A_42 = tpu.memref_slice %arg2[%dma_start3A_40, %dma_start3A_41] : memref<10240x128xf32, #tpu.memory_space<hbm>> -> memref<10240x128xf32, #tpu.memory_space<hbm>>
        tpu.enqueue_indirect_dma source(%dma_start3A_42 : memref<10240x128xf32, #tpu.memory_space<hbm>>) target(%arg10 : memref<128x128xf32, #tpu.memory_space<vmem>>) offsets(%dma_start3A_39 : memref<128xi32, #tpu.memory_space<vmem>>) semaphore(%arg12 : memref<!tpu.dma_semaphore, #tpu.memory_space<semaphore_mem>>)
        %dma_wait3A = arith.constant 0 : i32
        %dma_wait3A_43 = tpu.memref_slice %arg8[%scan3A_36, %dma_wait3A] : memref<120x128xi32, #tpu.memory_space<vmem>> -> memref<1x128xi32, #tpu.memory_space<vmem>>
        %dma_wait3A_44 = tpu.memref_squeeze %dma_wait3A_43 : memref<1x128xi32, #tpu.memory_space<vmem>> -> memref<128xi32, #tpu.memory_space<vmem>>
        %dma_wait3A_45 = arith.constant 0 : i32
        %dma_wait3A_46 = arith.constant 0 : i32
        %dma_wait3A_47 = tpu.memref_slice %arg2[%dma_wait3A_45, %dma_wait3A_46] : memref<10240x128xf32, #tpu.memory_space<hbm>> -> memref<10240x128xf32, #tpu.memory_space<hbm>>
        tpu.wait_indirect_dma semaphore(%arg12 : memref<!tpu.dma_semaphore, #tpu.memory_space<semaphore_mem>>) src(%dma_wait3A_47 : memref<10240x128xf32, #tpu.memory_space<hbm>>) dst(%arg10 : memref<128x128xf32, #tpu.memory_space<vmem>>)
        "tpu.region"() ({
          %run_scoped3A = tpu.sem_alloc : memref<!tpu.dma_semaphore, #tpu.memory_space<semaphore_mem>>
          %dma_start3A_49 = arith.constant 0 : i32
          %dma_start3A_50 = tpu.memref_slice %arg9[%scan3A_36, %dma_start3A_49] : memref<120x128xi32, #tpu.memory_space<vmem>> -> memref<1x128xi32, #tpu.memory_space<vmem>>
          %dma_start3A_51 = tpu.memref_squeeze %dma_start3A_50 : memref<1x128xi32, #tpu.memory_space<vmem>> -> memref<128xi32, #tpu.memory_space<vmem>>
          %dma_start3A_52 = arith.constant 0 : i32
          %dma_start3A_53 = arith.constant 0 : i32
          %dma_start3A_54 = tpu.memref_slice %arg11[%dma_start3A_52, %dma_start3A_53] : memref<10240x128xf32, #tpu.memory_space<vmem_shared>> -> memref<10240x128xf32, #tpu.memory_space<vmem_shared>>
          tpu.enqueue_indirect_dma source(%arg10 : memref<128x128xf32, #tpu.memory_space<vmem>>) target(%dma_start3A_54 : memref<10240x128xf32, #tpu.memory_space<vmem_shared>>) offsets(%dma_start3A_51 : memref<128xi32, #tpu.memory_space<vmem>>) semaphore(%run_scoped3A : memref<!tpu.dma_semaphore, #tpu.memory_space<semaphore_mem>>) {add = true}
          %dma_wait3A_55 = arith.constant 0 : i32
          %dma_wait3A_56 = tpu.memref_slice %arg9[%scan3A_36, %dma_wait3A_55] : memref<120x128xi32, #tpu.memory_space<vmem>> -> memref<1x128xi32, #tpu.memory_space<vmem>>
          %dma_wait3A_57 = tpu.memref_squeeze %dma_wait3A_56 : memref<1x128xi32, #tpu.memory_space<vmem>> -> memref<128xi32, #tpu.memory_space<vmem>>
          %dma_wait3A_58 = arith.constant 0 : i32
          %dma_wait3A_59 = arith.constant 0 : i32
          %dma_wait3A_60 = tpu.memref_slice %arg11[%dma_wait3A_58, %dma_wait3A_59] : memref<10240x128xf32, #tpu.memory_space<vmem_shared>> -> memref<10240x128xf32, #tpu.memory_space<vmem_shared>>
          tpu.wait_indirect_dma semaphore(%run_scoped3A : memref<!tpu.dma_semaphore, #tpu.memory_space<semaphore_mem>>) src(%arg10 : memref<128x128xf32, #tpu.memory_space<vmem>>) dst(%dma_wait3A_60 : memref<10240x128xf32, #tpu.memory_space<vmem_shared>>)
          tpu.yield
        }) : () -> ()
        %scan3A_48 = arith.constant 0 : i32
        scf.yield %scan3A_48 : i32
      }
      %scan3A_35 = arith.constant 40 : i32
    } else {
    }
    %barrier3A_21 = arith.constant 0 : index
    tpu.barrier barrier_id(%barrier3A_21)
    %scan3A_22 = arith.constant 0 : i32
    %scan3A_23 = arith.constant 0 : i32
    %scan3A_24 = arith.constant 5 : i32
    %scan3A_25 = arith.addi %scan3A_23, %scan3A_24 : i32
    %scan3A_26 = arith.constant 1 : i32
    %scan3A_27 = scf.for %scan3A_29 = %scan3A_23 to %scan3A_25 step %scan3A_26 iter_args(%scan3A_30 = %scan3A_22) -> (i32)  : i32 {
      %mul3A = arith.constant 640 : i32
      %mul3A_31 = arith.muli %arg1, %mul3A : i32
      %mul3A_32 = arith.constant 128 : i32
      %mul3A_33 = arith.muli %scan3A_29, %mul3A_32 : i32
      %add3A = arith.addi %mul3A_31, %mul3A_33 : i32
      "tpu.region"() ({
        %run_scoped3A = tpu.sem_alloc : memref<!tpu.dma_semaphore, #tpu.memory_space<semaphore_mem>>
        %dma_start3A = arith.constant 0 : i32
        %dma_start3A_35 = tpu.memref_slice %arg7[%arg0, %add3A, %dma_start3A] : memref<2x10240x128xf32, #tpu.memory_space<hbm>> -> memref<1x128x128xf32, #tpu.memory_space<hbm>>
        %dma_start3A_36 = tpu.memref_squeeze %dma_start3A_35 : memref<1x128x128xf32, #tpu.memory_space<hbm>> -> memref<128x128xf32, #tpu.memory_space<hbm>>
        %dma_start3A_37 = arith.constant 0 : i32
        %dma_start3A_38 = tpu.memref_slice %arg11[%add3A, %dma_start3A_37] : memref<10240x128xf32, #tpu.memory_space<vmem_shared>> -> memref<128x128xf32, #tpu.memory_space<vmem_shared>>
        tpu.enqueue_dma source(%dma_start3A_38 : memref<128x128xf32, #tpu.memory_space<vmem_shared>>) target(%dma_start3A_36 : memref<128x128xf32, #tpu.memory_space<hbm>>) target_semaphore(%run_scoped3A : memref<!tpu.dma_semaphore, #tpu.memory_space<semaphore_mem>>)
        %dma_wait3A = arith.constant 0 : i32
        %dma_wait3A_39 = tpu.memref_slice %arg7[%arg0, %add3A, %dma_wait3A] : memref<2x10240x128xf32, #tpu.memory_space<hbm>> -> memref<1x128x128xf32, #tpu.memory_space<hbm>>
        %dma_wait3A_40 = tpu.memref_squeeze %dma_wait3A_39 : memref<1x128x128xf32, #tpu.memory_space<hbm>> -> memref<128x128xf32, #tpu.memory_space<hbm>>
        %dma_wait3A_41 = arith.constant 0 : i32
        %dma_wait3A_42 = tpu.memref_slice %arg11[%add3A, %dma_wait3A_41] : memref<10240x128xf32, #tpu.memory_space<vmem_shared>> -> memref<128x128xf32, #tpu.memory_space<vmem_shared>>
        tpu.wait_dma2 semaphore(%run_scoped3A : memref<!tpu.dma_semaphore, #tpu.memory_space<semaphore_mem>>) src(%dma_wait3A_42 : memref<128x128xf32, #tpu.memory_space<vmem_shared>>) dst(%dma_wait3A_40 : memref<128x128xf32, #tpu.memory_space<hbm>>)
        tpu.yield
      }) : () -> ()
      %scan3A_34 = arith.constant 0 : i32
      scf.yield %scan3A_34 : i32
    }
    %scan3A_28 = arith.constant 5 : i32
    return
  }
}

#map = affine_map<(d0, d1) -> (0, 0)>
#map1 = affine_map<(d0, d1) -> (0, 0, 0)>
module attributes {stable_mosaic.version = 14 : i64} {
  func.func @k(%arg0: i32, %arg1: i32, %arg2: memref<10240x128xf32, #tpu.memory_space<hbm>>, %arg3: memref<16x120x128xi32, #tpu.memory_space<hbm>>, %arg4: memref<16x120x128xi32, #tpu.memory_space<hbm>>, %arg5: memref<16x40x128xi32, #tpu.memory_space<hbm>>, %arg6: memref<16x40x128xi32, #tpu.memory_space<hbm>>, %arg7: memref<2x10240x128xf32, #tpu.memory_space<hbm>>, %arg8: memref<120x128xi32, #tpu.memory_space<vmem>>, %arg9: memref<120x128xi32, #tpu.memory_space<vmem>>, %arg10: memref<128x128xf32, #tpu.memory_space<vmem>>, %arg11: memref<10240x128xf32, #tpu.memory_space<vmem_shared>>, %arg12: memref<!tpu.dma_semaphore, #tpu.memory_space<semaphore_mem>>) attributes {dimension_semantics = [#tpu.dimension_semantics<core_parallel>, #tpu.dimension_semantics<subcore_parallel>], iteration_bounds = array<i64: 2, 16>, scalar_prefetch = 0 : i64, scratch_operands = 5 : i64, tpu.core_type = #tpu.core_type<sc_vector_subcore>, window_params = [{transform_indices = #map}, {transform_indices = #map1}, {transform_indices = #map1}, {transform_indices = #map1}, {transform_indices = #map1}, {transform_indices = #map1}]} {
    %broadcast_in_dim3A = arith.constant 0.000000e+00 : f32
    %broadcast_in_dim3A_0 = vector.broadcast %broadcast_in_dim3A : f32 to vector<16xf32>
    %scan3A = arith.constant 0 : i32
    %scan3A_1 = arith.constant 0 : i32
    %scan3A_2 = arith.constant 128 : i32
    %scan3A_3 = arith.addi %scan3A_1, %scan3A_2 : i32
    %scan3A_4 = arith.constant 1 : i32
    %scan3A_5 = scf.for %scan3A_29 = %scan3A_1 to %scan3A_3 step %scan3A_4 iter_args(%scan3A_30 = %scan3A) -> (i32)  : i32 {
      %swap3A = arith.index_cast %scan3A_29 : i32 to index
      %swap3A_31 = arith.constant 0 : index
      %swap3A_32 = tpu.vector_load %arg10[%swap3A, %swap3A_31] {strides = array<i32>} : memref<128x128xf32, #tpu.memory_space<vmem>>, vector<1x16xf32>,
      %swap3A_33 = vector.shape_cast %swap3A_32 : vector<1x16xf32> to vector<16xf32>
      %swap3A_34 = vector.shape_cast %broadcast_in_dim3A_0 : vector<16xf32> to vector<1x16xf32>
      tpu.vector_store %arg10[%swap3A, %swap3A_31], %swap3A_34 {strides = array<i32>} : memref<128x128xf32, #tpu.memory_space<vmem>>, vector<1x16xf32>,
      %swap3A_35 = arith.index_cast %scan3A_29 : i32 to index
      %swap3A_36 = arith.constant 16 : index
      %swap3A_37 = tpu.vector_load %arg10[%swap3A_35, %swap3A_36] {strides = array<i32>} : memref<128x128xf32, #tpu.memory_space<vmem>>, vector<1x16xf32>,
      %swap3A_38 = vector.shape_cast %swap3A_37 : vector<1x16xf32> to vector<16xf32>
      %swap3A_39 = vector.shape_cast %broadcast_in_dim3A_0 : vector<16xf32> to vector<1x16xf32>
      tpu.vector_store %arg10[%swap3A_35, %swap3A_36], %swap3A_39 {strides = array<i32>} : memref<128x128xf32, #tpu.memory_space<vmem>>, vector<1x16xf32>,
      %swap3A_40 = arith.index_cast %scan3A_29 : i32 to index
      %swap3A_41 = arith.constant 32 : index
      %swap3A_42 = tpu.vector_load %arg10[%swap3A_40, %swap3A_41] {strides = array<i32>} : memref<128x128xf32, #tpu.memory_space<vmem>>, vector<1x16xf32>,
      %swap3A_43 = vector.shape_cast %swap3A_42 : vector<1x16xf32> to vector<16xf32>
      %swap3A_44 = vector.shape_cast %broadcast_in_dim3A_0 : vector<16xf32> to vector<1x16xf32>
      tpu.vector_store %arg10[%swap3A_40, %swap3A_41], %swap3A_44 {strides = array<i32>} : memref<128x128xf32, #tpu.memory_space<vmem>>, vector<1x16xf32>,
      %swap3A_45 = arith.index_cast %scan3A_29 : i32 to index
      %swap3A_46 = arith.constant 48 : index
      %swap3A_47 = tpu.vector_load %arg10[%swap3A_45, %swap3A_46] {strides = array<i32>} : memref<128x128xf32, #tpu.memory_space<vmem>>, vector<1x16xf32>,
      %swap3A_48 = vector.shape_cast %swap3A_47 : vector<1x16xf32> to vector<16xf32>
      %swap3A_49 = vector.shape_cast %broadcast_in_dim3A_0 : vector<16xf32> to vector<1x16xf32>
      tpu.vector_store %arg10[%swap3A_45, %swap3A_46], %swap3A_49 {strides = array<i32>} : memref<128x128xf32, #tpu.memory_space<vmem>>, vector<1x16xf32>,
      %swap3A_50 = arith.index_cast %scan3A_29 : i32 to index
      %swap3A_51 = arith.constant 64 : index
      %swap3A_52 = tpu.vector_load %arg10[%swap3A_50, %swap3A_51] {strides = array<i32>} : memref<128x128xf32, #tpu.memory_space<vmem>>, vector<1x16xf32>,
      %swap3A_53 = vector.shape_cast %swap3A_52 : vector<1x16xf32> to vector<16xf32>
      %swap3A_54 = vector.shape_cast %broadcast_in_dim3A_0 : vector<16xf32> to vector<1x16xf32>
      tpu.vector_store %arg10[%swap3A_50, %swap3A_51], %swap3A_54 {strides = array<i32>} : memref<128x128xf32, #tpu.memory_space<vmem>>, vector<1x16xf32>,
      %swap3A_55 = arith.index_cast %scan3A_29 : i32 to index
      %swap3A_56 = arith.constant 80 : index
      %swap3A_57 = tpu.vector_load %arg10[%swap3A_55, %swap3A_56] {strides = array<i32>} : memref<128x128xf32, #tpu.memory_space<vmem>>, vector<1x16xf32>,
      %swap3A_58 = vector.shape_cast %swap3A_57 : vector<1x16xf32> to vector<16xf32>
      %swap3A_59 = vector.shape_cast %broadcast_in_dim3A_0 : vector<16xf32> to vector<1x16xf32>
      tpu.vector_store %arg10[%swap3A_55, %swap3A_56], %swap3A_59 {strides = array<i32>} : memref<128x128xf32, #tpu.memory_space<vmem>>, vector<1x16xf32>,
      %swap3A_60 = arith.index_cast %scan3A_29 : i32 to index
      %swap3A_61 = arith.constant 96 : index
      %swap3A_62 = tpu.vector_load %arg10[%swap3A_60, %swap3A_61] {strides = array<i32>} : memref<128x128xf32, #tpu.memory_space<vmem>>, vector<1x16xf32>,
      %swap3A_63 = vector.shape_cast %swap3A_62 : vector<1x16xf32> to vector<16xf32>
      %swap3A_64 = vector.shape_cast %broadcast_in_dim3A_0 : vector<16xf32> to vector<1x16xf32>
      tpu.vector_store %arg10[%swap3A_60, %swap3A_61], %swap3A_64 {strides = array<i32>} : memref<128x128xf32, #tpu.memory_space<vmem>>, vector<1x16xf32>,
      %swap3A_65 = arith.index_cast %scan3A_29 : i32 to index
      %swap3A_66 = arith.constant 112 : index
      %swap3A_67 = tpu.vector_load %arg10[%swap3A_65, %swap3A_66] {strides = array<i32>} : memref<128x128xf32, #tpu.memory_space<vmem>>, vector<1x16xf32>,
      %swap3A_68 = vector.shape_cast %swap3A_67 : vector<1x16xf32> to vector<16xf32>
      %swap3A_69 = vector.shape_cast %broadcast_in_dim3A_0 : vector<16xf32> to vector<1x16xf32>
      tpu.vector_store %arg10[%swap3A_65, %swap3A_66], %swap3A_69 {strides = array<i32>} : memref<128x128xf32, #tpu.memory_space<vmem>>, vector<1x16xf32>,
      %scan3A_70 = arith.constant 0 : i32
      scf.yield %scan3A_70 : i32
    }
    %scan3A_6 = arith.constant 128 : i32
    %scan3A_7 = arith.constant 0 : i32
    %scan3A_8 = arith.constant 0 : i32
    %scan3A_9 = arith.constant 5 : i32
    %scan3A_10 = arith.addi %scan3A_8, %scan3A_9 : i32
    %scan3A_11 = arith.constant 1 : i32
    %scan3A_12 = scf.for %scan3A_29 = %scan3A_8 to %scan3A_10 step %scan3A_11 iter_args(%scan3A_30 = %scan3A_7) -> (i32)  : i32 {
      %mul3A = arith.constant 640 : i32
      %mul3A_31 = arith.muli %arg1, %mul3A : i32
      %mul3A_32 = arith.constant 128 : i32
      %mul3A_33 = arith.muli %scan3A_29, %mul3A_32 : i32
      %add3A = arith.addi %mul3A_31, %mul3A_33 : i32
      "tpu.region"() ({
        %run_scoped3A = tpu.sem_alloc : memref<!tpu.dma_semaphore, #tpu.memory_space<semaphore_mem>>
        %dma_start3A = arith.constant 0 : i32
        %dma_start3A_35 = tpu.memref_slice %arg11[%add3A, %dma_start3A] : memref<10240x128xf32, #tpu.memory_space<vmem_shared>> -> memref<128x128xf32, #tpu.memory_space<vmem_shared>>
        %dma_start3A_36 = arith.constant 0 : i32
        %dma_start3A_37 = tpu.memref_slice %arg11[%add3A, %dma_start3A_36] : memref<10240x128xf32, #tpu.memory_space<vmem_shared>> -> memref<128x128xf32, #tpu.memory_space<vmem_shared>>
        tpu.enqueue_dma source(%arg10 : memref<128x128xf32, #tpu.memory_space<vmem>>) target(%dma_start3A_37 : memref<128x128xf32, #tpu.memory_space<vmem_shared>>) target_semaphore(%run_scoped3A : memref<!tpu.dma_semaphore, #tpu.memory_space<semaphore_mem>>)
        %dma_wait3A = arith.constant 0 : i32
        %dma_wait3A_38 = tpu.memref_slice %arg11[%add3A, %dma_wait3A] : memref<10240x128xf32, #tpu.memory_space<vmem_shared>> -> memref<128x128xf32, #tpu.memory_space<vmem_shared>>
        %dma_wait3A_39 = arith.constant 0 : i32
        %dma_wait3A_40 = tpu.memref_slice %arg11[%add3A, %dma_wait3A_39] : memref<10240x128xf32, #tpu.memory_space<vmem_shared>> -> memref<128x128xf32, #tpu.memory_space<vmem_shared>>
        tpu.wait_dma2 semaphore(%run_scoped3A : memref<!tpu.dma_semaphore, #tpu.memory_space<semaphore_mem>>) src(%arg10 : memref<128x128xf32, #tpu.memory_space<vmem>>) dst(%dma_wait3A_40 : memref<128x128xf32, #tpu.memory_space<vmem_shared>>)
        tpu.yield
      }) : () -> ()
      %scan3A_34 = arith.constant 0 : i32
      scf.yield %scan3A_34 : i32
    }
    %scan3A_13 = arith.constant 5 : i32
    %barrier3A = arith.constant 0 : index
    tpu.barrier barrier_id(%barrier3A)
    %eq3A = arith.constant 0 : i32
    %eq3A_14 = arith.cmpi eq, %arg0, %eq3A : i32
    %convert_element_type3A = arith.extui %eq3A_14 : i1 to i32
    %cond3A = arith.constant 0 : i32
    %cond3A_15 = arith.cmpi ne, %convert_element_type3A, %cond3A : i32
    scf.if %cond3A_15 {
      "tpu.region"() ({
        %run_scoped3A = tpu.sem_alloc : memref<!tpu.dma_semaphore, #tpu.memory_space<semaphore_mem>>
        %dma_start3A = arith.constant 0 : i32
        %dma_start3A_36 = arith.constant 0 : i32
        %dma_start3A_37 = tpu.memref_slice %arg3[%arg1, %dma_start3A, %dma_start3A_36] : memref<16x120x128xi32, #tpu.memory_space<hbm>> -> memref<1x120x128xi32, #tpu.memory_space<hbm>>
        %dma_start3A_38 = tpu.memref_squeeze %dma_start3A_37 : memref<1x120x128xi32, #tpu.memory_space<hbm>> -> memref<120x128xi32, #tpu.memory_space<hbm>>
        %dma_start3A_39 = arith.constant 0 : i32
        %dma_start3A_40 = arith.constant 0 : i32
        %dma_start3A_41 = tpu.memref_slice %arg3[%arg1, %dma_start3A_39, %dma_start3A_40] : memref<16x120x128xi32, #tpu.memory_space<hbm>> -> memref<1x120x128xi32, #tpu.memory_space<hbm>>
        %dma_start3A_42 = tpu.memref_squeeze %dma_start3A_41 : memref<1x120x128xi32, #tpu.memory_space<hbm>> -> memref<120x128xi32, #tpu.memory_space<hbm>>
        tpu.enqueue_dma source(%dma_start3A_42 : memref<120x128xi32, #tpu.memory_space<hbm>>) target(%arg8 : memref<120x128xi32, #tpu.memory_space<vmem>>) target_semaphore(%run_scoped3A : memref<!tpu.dma_semaphore, #tpu.memory_space<semaphore_mem>>)
        %dma_wait3A = arith.constant 0 : i32
        %dma_wait3A_43 = arith.constant 0 : i32
        %dma_wait3A_44 = tpu.memref_slice %arg3[%arg1, %dma_wait3A, %dma_wait3A_43] : memref<16x120x128xi32, #tpu.memory_space<hbm>> -> memref<1x120x128xi32, #tpu.memory_space<hbm>>
        %dma_wait3A_45 = tpu.memref_squeeze %dma_wait3A_44 : memref<1x120x128xi32, #tpu.memory_space<hbm>> -> memref<120x128xi32, #tpu.memory_space<hbm>>
        %dma_wait3A_46 = arith.constant 0 : i32
        %dma_wait3A_47 = arith.constant 0 : i32
        %dma_wait3A_48 = tpu.memref_slice %arg3[%arg1, %dma_wait3A_46, %dma_wait3A_47] : memref<16x120x128xi32, #tpu.memory_space<hbm>> -> memref<1x120x128xi32, #tpu.memory_space<hbm>>
        %dma_wait3A_49 = tpu.memref_squeeze %dma_wait3A_48 : memref<1x120x128xi32, #tpu.memory_space<hbm>> -> memref<120x128xi32, #tpu.memory_space<hbm>>
        tpu.wait_dma2 semaphore(%run_scoped3A : memref<!tpu.dma_semaphore, #tpu.memory_space<semaphore_mem>>) src(%dma_wait3A_49 : memref<120x128xi32, #tpu.memory_space<hbm>>) dst(%arg8 : memref<120x128xi32, #tpu.memory_space<vmem>>)
        tpu.yield
      }) : () -> ()
      "tpu.region"() ({
        %run_scoped3A = tpu.sem_alloc : memref<!tpu.dma_semaphore, #tpu.memory_space<semaphore_mem>>
        %dma_start3A = arith.constant 0 : i32
        %dma_start3A_36 = arith.constant 0 : i32
        %dma_start3A_37 = tpu.memref_slice %arg4[%arg1, %dma_start3A, %dma_start3A_36] : memref<16x120x128xi32, #tpu.memory_space<hbm>> -> memref<1x120x128xi32, #tpu.memory_space<hbm>>
        %dma_start3A_38 = tpu.memref_squeeze %dma_start3A_37 : memref<1x120x128xi32, #tpu.memory_space<hbm>> -> memref<120x128xi32, #tpu.memory_space<hbm>>
        %dma_start3A_39 = arith.constant 0 : i32
        %dma_start3A_40 = arith.constant 0 : i32
        %dma_start3A_41 = tpu.memref_slice %arg4[%arg1, %dma_start3A_39, %dma_start3A_40] : memref<16x120x128xi32, #tpu.memory_space<hbm>> -> memref<1x120x128xi32, #tpu.memory_space<hbm>>
        %dma_start3A_42 = tpu.memref_squeeze %dma_start3A_41 : memref<1x120x128xi32, #tpu.memory_space<hbm>> -> memref<120x128xi32, #tpu.memory_space<hbm>>
        tpu.enqueue_dma source(%dma_start3A_42 : memref<120x128xi32, #tpu.memory_space<hbm>>) target(%arg9 : memref<120x128xi32, #tpu.memory_space<vmem>>) target_semaphore(%run_scoped3A : memref<!tpu.dma_semaphore, #tpu.memory_space<semaphore_mem>>)
        %dma_wait3A = arith.constant 0 : i32
        %dma_wait3A_43 = arith.constant 0 : i32
        %dma_wait3A_44 = tpu.memref_slice %arg4[%arg1, %dma_wait3A, %dma_wait3A_43] : memref<16x120x128xi32, #tpu.memory_space<hbm>> -> memref<1x120x128xi32, #tpu.memory_space<hbm>>
        %dma_wait3A_45 = tpu.memref_squeeze %dma_wait3A_44 : memref<1x120x128xi32, #tpu.memory_space<hbm>> -> memref<120x128xi32, #tpu.memory_space<hbm>>
        %dma_wait3A_46 = arith.constant 0 : i32
        %dma_wait3A_47 = arith.constant 0 : i32
        %dma_wait3A_48 = tpu.memref_slice %arg4[%arg1, %dma_wait3A_46, %dma_wait3A_47] : memref<16x120x128xi32, #tpu.memory_space<hbm>> -> memref<1x120x128xi32, #tpu.memory_space<hbm>>
        %dma_wait3A_49 = tpu.memref_squeeze %dma_wait3A_48 : memref<1x120x128xi32, #tpu.memory_space<hbm>> -> memref<120x128xi32, #tpu.memory_space<hbm>>
        tpu.wait_dma2 semaphore(%run_scoped3A : memref<!tpu.dma_semaphore, #tpu.memory_space<semaphore_mem>>) src(%dma_wait3A_49 : memref<120x128xi32, #tpu.memory_space<hbm>>) dst(%arg9 : memref<120x128xi32, #tpu.memory_space<vmem>>)
        tpu.yield
      }) : () -> ()
      %scan3A_29 = arith.constant 0 : i32
      %scan3A_30 = arith.constant 0 : i32
      %scan3A_31 = arith.constant 120 : i32
      %scan3A_32 = arith.addi %scan3A_30, %scan3A_31 : i32
      %scan3A_33 = arith.constant 1 : i32
      %scan3A_34 = scf.for %scan3A_36 = %scan3A_30 to %scan3A_32 step %scan3A_33 iter_args(%scan3A_37 = %scan3A_29) -> (i32)  : i32 {
        %dma_start3A = arith.constant 0 : i32
        %dma_start3A_38 = tpu.memref_slice %arg8[%scan3A_36, %dma_start3A] : memref<120x128xi32, #tpu.memory_space<vmem>> -> memref<1x128xi32, #tpu.memory_space<vmem>>
        %dma_start3A_39 = tpu.memref_squeeze %dma_start3A_38 : memref<1x128xi32, #tpu.memory_space<vmem>> -> memref<128xi32, #tpu.memory_space<vmem>>
        %dma_start3A_40 = arith.constant 0 : i32
        %dma_start3A_41 = arith.constant 0 : i32
        %dma_start3A_42 = tpu.memref_slice %arg2[%dma_start3A_40, %dma_start3A_41] : memref<10240x128xf32, #tpu.memory_space<hbm>> -> memref<10240x128xf32, #tpu.memory_space<hbm>>
        tpu.enqueue_indirect_dma source(%dma_start3A_42 : memref<10240x128xf32, #tpu.memory_space<hbm>>) target(%arg10 : memref<128x128xf32, #tpu.memory_space<vmem>>) offsets(%dma_start3A_39 : memref<128xi32, #tpu.memory_space<vmem>>) semaphore(%arg12 : memref<!tpu.dma_semaphore, #tpu.memory_space<semaphore_mem>>)
        %dma_wait3A = arith.constant 0 : i32
        %dma_wait3A_43 = tpu.memref_slice %arg8[%scan3A_36, %dma_wait3A] : memref<120x128xi32, #tpu.memory_space<vmem>> -> memref<1x128xi32, #tpu.memory_space<vmem>>
        %dma_wait3A_44 = tpu.memref_squeeze %dma_wait3A_43 : memref<1x128xi32, #tpu.memory_space<vmem>> -> memref<128xi32, #tpu.memory_space<vmem>>
        %dma_wait3A_45 = arith.constant 0 : i32
        %dma_wait3A_46 = arith.constant 0 : i32
        %dma_wait3A_47 = tpu.memref_slice %arg2[%dma_wait3A_45, %dma_wait3A_46] : memref<10240x128xf32, #tpu.memory_space<hbm>> -> memref<10240x128xf32, #tpu.memory_space<hbm>>
        tpu.wait_indirect_dma semaphore(%arg12 : memref<!tpu.dma_semaphore, #tpu.memory_space<semaphore_mem>>) src(%dma_wait3A_47 : memref<10240x128xf32, #tpu.memory_space<hbm>>) dst(%arg10 : memref<128x128xf32, #tpu.memory_space<vmem>>)
        "tpu.region"() ({
          %run_scoped3A = tpu.sem_alloc : memref<!tpu.dma_semaphore, #tpu.memory_space<semaphore_mem>>
          %dma_start3A_49 = arith.constant 0 : i32
          %dma_start3A_50 = tpu.memref_slice %arg9[%scan3A_36, %dma_start3A_49] : memref<120x128xi32, #tpu.memory_space<vmem>> -> memref<1x128xi32, #tpu.memory_space<vmem>>
          %dma_start3A_51 = tpu.memref_squeeze %dma_start3A_50 : memref<1x128xi32, #tpu.memory_space<vmem>> -> memref<128xi32, #tpu.memory_space<vmem>>
          %dma_start3A_52 = arith.constant 0 : i32
          %dma_start3A_53 = arith.constant 0 : i32
          %dma_start3A_54 = tpu.memref_slice %arg11[%dma_start3A_52, %dma_start3A_53] : memref<10240x128xf32, #tpu.memory_space<vmem_shared>> -> memref<10240x128xf32, #tpu.memory_space<vmem_shared>>
          tpu.enqueue_indirect_dma source(%arg10 : memref<128x128xf32, #tpu.memory_space<vmem>>) target(%dma_start3A_54 : memref<10240x128xf32, #tpu.memory_space<vmem_shared>>) offsets(%dma_start3A_51 : memref<128xi32, #tpu.memory_space<vmem>>) semaphore(%run_scoped3A : memref<!tpu.dma_semaphore, #tpu.memory_space<semaphore_mem>>) {add = true}
          %dma_wait3A_55 = arith.constant 0 : i32
          %dma_wait3A_56 = tpu.memref_slice %arg9[%scan3A_36, %dma_wait3A_55] : memref<120x128xi32, #tpu.memory_space<vmem>> -> memref<1x128xi32, #tpu.memory_space<vmem>>
          %dma_wait3A_57 = tpu.memref_squeeze %dma_wait3A_56 : memref<1x128xi32, #tpu.memory_space<vmem>> -> memref<128xi32, #tpu.memory_space<vmem>>
          %dma_wait3A_58 = arith.constant 0 : i32
          %dma_wait3A_59 = arith.constant 0 : i32
          %dma_wait3A_60 = tpu.memref_slice %arg11[%dma_wait3A_58, %dma_wait3A_59] : memref<10240x128xf32, #tpu.memory_space<vmem_shared>> -> memref<10240x128xf32, #tpu.memory_space<vmem_shared>>
          tpu.wait_indirect_dma semaphore(%run_scoped3A : memref<!tpu.dma_semaphore, #tpu.memory_space<semaphore_mem>>) src(%arg10 : memref<128x128xf32, #tpu.memory_space<vmem>>) dst(%dma_wait3A_60 : memref<10240x128xf32, #tpu.memory_space<vmem_shared>>)
          tpu.yield
        }) : () -> ()
        %scan3A_48 = arith.constant 0 : i32
        scf.yield %scan3A_48 : i32
      }
      %scan3A_35 = arith.constant 120 : i32
    } else {
    }
    %eq3A_16 = arith.constant 1 : i32
    %eq3A_17 = arith.cmpi eq, %arg0, %eq3A_16 : i32
    %convert_element_type3A_18 = arith.extui %eq3A_17 : i1 to i32
    %cond3A_19 = arith.constant 0 : i32
    %cond3A_20 = arith.cmpi ne, %convert_element_type3A_18, %cond3A_19 : i32
    scf.if %cond3A_20 {
      "tpu.region"() ({
        %run_scoped3A = tpu.sem_alloc : memref<!tpu.dma_semaphore, #tpu.memory_space<semaphore_mem>>
        %dma_start3A = arith.constant 0 : i32
        %dma_start3A_36 = arith.constant 0 : i32
        %dma_start3A_37 = tpu.memref_slice %arg8[%dma_start3A, %dma_start3A_36] : memref<120x128xi32, #tpu.memory_space<vmem>> -> memref<40x128xi32, #tpu.memory_space<vmem>>
        %dma_start3A_38 = arith.constant 0 : i32
        %dma_start3A_39 = arith.constant 0 : i32
        %dma_start3A_40 = tpu.memref_slice %arg5[%arg1, %dma_start3A_38, %dma_start3A_39] : memref<16x40x128xi32, #tpu.memory_space<hbm>> -> memref<1x40x128xi32, #tpu.memory_space<hbm>>
        %dma_start3A_41 = tpu.memref_squeeze %dma_start3A_40 : memref<1x40x128xi32, #tpu.memory_space<hbm>> -> memref<40x128xi32, #tpu.memory_space<hbm>>
        %dma_start3A_42 = arith.constant 0 : i32
        %dma_start3A_43 = arith.constant 0 : i32
        %dma_start3A_44 = tpu.memref_slice %arg8[%dma_start3A_42, %dma_start3A_43] : memref<120x128xi32, #tpu.memory_space<vmem>> -> memref<40x128xi32, #tpu.memory_space<vmem>>
        %dma_start3A_45 = arith.constant 0 : i32
        %dma_start3A_46 = arith.constant 0 : i32
        %dma_start3A_47 = tpu.memref_slice %arg5[%arg1, %dma_start3A_45, %dma_start3A_46] : memref<16x40x128xi32, #tpu.memory_space<hbm>> -> memref<1x40x128xi32, #tpu.memory_space<hbm>>
        %dma_start3A_48 = tpu.memref_squeeze %dma_start3A_47 : memref<1x40x128xi32, #tpu.memory_space<hbm>> -> memref<40x128xi32, #tpu.memory_space<hbm>>
        tpu.enqueue_dma source(%dma_start3A_48 : memref<40x128xi32, #tpu.memory_space<hbm>>) target(%dma_start3A_44 : memref<40x128xi32, #tpu.memory_space<vmem>>) target_semaphore(%run_scoped3A : memref<!tpu.dma_semaphore, #tpu.memory_space<semaphore_mem>>)
        %dma_wait3A = arith.constant 0 : i32
        %dma_wait3A_49 = arith.constant 0 : i32
        %dma_wait3A_50 = tpu.memref_slice %arg8[%dma_wait3A, %dma_wait3A_49] : memref<120x128xi32, #tpu.memory_space<vmem>> -> memref<40x128xi32, #tpu.memory_space<vmem>>
        %dma_wait3A_51 = arith.constant 0 : i32
        %dma_wait3A_52 = arith.constant 0 : i32
        %dma_wait3A_53 = tpu.memref_slice %arg5[%arg1, %dma_wait3A_51, %dma_wait3A_52] : memref<16x40x128xi32, #tpu.memory_space<hbm>> -> memref<1x40x128xi32, #tpu.memory_space<hbm>>
        %dma_wait3A_54 = tpu.memref_squeeze %dma_wait3A_53 : memref<1x40x128xi32, #tpu.memory_space<hbm>> -> memref<40x128xi32, #tpu.memory_space<hbm>>
        %dma_wait3A_55 = arith.constant 0 : i32
        %dma_wait3A_56 = arith.constant 0 : i32
        %dma_wait3A_57 = tpu.memref_slice %arg8[%dma_wait3A_55, %dma_wait3A_56] : memref<120x128xi32, #tpu.memory_space<vmem>> -> memref<40x128xi32, #tpu.memory_space<vmem>>
        %dma_wait3A_58 = arith.constant 0 : i32
        %dma_wait3A_59 = arith.constant 0 : i32
        %dma_wait3A_60 = tpu.memref_slice %arg5[%arg1, %dma_wait3A_58, %dma_wait3A_59] : memref<16x40x128xi32, #tpu.memory_space<hbm>> -> memref<1x40x128xi32, #tpu.memory_space<hbm>>
        %dma_wait3A_61 = tpu.memref_squeeze %dma_wait3A_60 : memref<1x40x128xi32, #tpu.memory_space<hbm>> -> memref<40x128xi32, #tpu.memory_space<hbm>>
        tpu.wait_dma2 semaphore(%run_scoped3A : memref<!tpu.dma_semaphore, #tpu.memory_space<semaphore_mem>>) src(%dma_wait3A_61 : memref<40x128xi32, #tpu.memory_space<hbm>>) dst(%dma_wait3A_57 : memref<40x128xi32, #tpu.memory_space<vmem>>)
        tpu.yield
      }) : () -> ()
      "tpu.region"() ({
        %run_scoped3A = tpu.sem_alloc : memref<!tpu.dma_semaphore, #tpu.memory_space<semaphore_mem>>
        %dma_start3A = arith.constant 0 : i32
        %dma_start3A_36 = arith.constant 0 : i32
        %dma_start3A_37 = tpu.memref_slice %arg9[%dma_start3A, %dma_start3A_36] : memref<120x128xi32, #tpu.memory_space<vmem>> -> memref<40x128xi32, #tpu.memory_space<vmem>>
        %dma_start3A_38 = arith.constant 0 : i32
        %dma_start3A_39 = arith.constant 0 : i32
        %dma_start3A_40 = tpu.memref_slice %arg6[%arg1, %dma_start3A_38, %dma_start3A_39] : memref<16x40x128xi32, #tpu.memory_space<hbm>> -> memref<1x40x128xi32, #tpu.memory_space<hbm>>
        %dma_start3A_41 = tpu.memref_squeeze %dma_start3A_40 : memref<1x40x128xi32, #tpu.memory_space<hbm>> -> memref<40x128xi32, #tpu.memory_space<hbm>>
        %dma_start3A_42 = arith.constant 0 : i32
        %dma_start3A_43 = arith.constant 0 : i32
        %dma_start3A_44 = tpu.memref_slice %arg9[%dma_start3A_42, %dma_start3A_43] : memref<120x128xi32, #tpu.memory_space<vmem>> -> memref<40x128xi32, #tpu.memory_space<vmem>>
        %dma_start3A_45 = arith.constant 0 : i32
        %dma_start3A_46 = arith.constant 0 : i32
        %dma_start3A_47 = tpu.memref_slice %arg6[%arg1, %dma_start3A_45, %dma_start3A_46] : memref<16x40x128xi32, #tpu.memory_space<hbm>> -> memref<1x40x128xi32, #tpu.memory_space<hbm>>
        %dma_start3A_48 = tpu.memref_squeeze %dma_start3A_47 : memref<1x40x128xi32, #tpu.memory_space<hbm>> -> memref<40x128xi32, #tpu.memory_space<hbm>>
        tpu.enqueue_dma source(%dma_start3A_48 : memref<40x128xi32, #tpu.memory_space<hbm>>) target(%dma_start3A_44 : memref<40x128xi32, #tpu.memory_space<vmem>>) target_semaphore(%run_scoped3A : memref<!tpu.dma_semaphore, #tpu.memory_space<semaphore_mem>>)
        %dma_wait3A = arith.constant 0 : i32
        %dma_wait3A_49 = arith.constant 0 : i32
        %dma_wait3A_50 = tpu.memref_slice %arg9[%dma_wait3A, %dma_wait3A_49] : memref<120x128xi32, #tpu.memory_space<vmem>> -> memref<40x128xi32, #tpu.memory_space<vmem>>
        %dma_wait3A_51 = arith.constant 0 : i32
        %dma_wait3A_52 = arith.constant 0 : i32
        %dma_wait3A_53 = tpu.memref_slice %arg6[%arg1, %dma_wait3A_51, %dma_wait3A_52] : memref<16x40x128xi32, #tpu.memory_space<hbm>> -> memref<1x40x128xi32, #tpu.memory_space<hbm>>
        %dma_wait3A_54 = tpu.memref_squeeze %dma_wait3A_53 : memref<1x40x128xi32, #tpu.memory_space<hbm>> -> memref<40x128xi32, #tpu.memory_space<hbm>>
        %dma_wait3A_55 = arith.constant 0 : i32
        %dma_wait3A_56 = arith.constant 0 : i32
        %dma_wait3A_57 = tpu.memref_slice %arg9[%dma_wait3A_55, %dma_wait3A_56] : memref<120x128xi32, #tpu.memory_space<vmem>> -> memref<40x128xi32, #tpu.memory_space<vmem>>
        %dma_wait3A_58 = arith.constant 0 : i32
        %dma_wait3A_59 = arith.constant 0 : i32
        %dma_wait3A_60 = tpu.memref_slice %arg6[%arg1, %dma_wait3A_58, %dma_wait3A_59] : memref<16x40x128xi32, #tpu.memory_space<hbm>> -> memref<1x40x128xi32, #tpu.memory_space<hbm>>
        %dma_wait3A_61 = tpu.memref_squeeze %dma_wait3A_60 : memref<1x40x128xi32, #tpu.memory_space<hbm>> -> memref<40x128xi32, #tpu.memory_space<hbm>>
        tpu.wait_dma2 semaphore(%run_scoped3A : memref<!tpu.dma_semaphore, #tpu.memory_space<semaphore_mem>>) src(%dma_wait3A_61 : memref<40x128xi32, #tpu.memory_space<hbm>>) dst(%dma_wait3A_57 : memref<40x128xi32, #tpu.memory_space<vmem>>)
        tpu.yield
      }) : () -> ()
      %scan3A_29 = arith.constant 0 : i32
      %scan3A_30 = arith.constant 0 : i32
      %scan3A_31 = arith.constant 40 : i32
      %scan3A_32 = arith.addi %scan3A_30, %scan3A_31 : i32
      %scan3A_33 = arith.constant 1 : i32
      %scan3A_34 = scf.for %scan3A_36 = %scan3A_30 to %scan3A_32 step %scan3A_33 iter_args(%scan3A_37 = %scan3A_29) -> (i32)  : i32 {
        %dma_start3A = arith.constant 0 : i32
        %dma_start3A_38 = tpu.memref_slice %arg8[%scan3A_36, %dma_start3A] : memref<120x128xi32, #tpu.memory_space<vmem>> -> memref<1x128xi32, #tpu.memory_space<vmem>>
        %dma_start3A_39 = tpu.memref_squeeze %dma_start3A_38 : memref<1x128xi32, #tpu.memory_space<vmem>> -> memref<128xi32, #tpu.memory_space<vmem>>
        %dma_start3A_40 = arith.constant 0 : i32
        %dma_start3A_41 = arith.constant 0 : i32
        %dma_start3A_42 = tpu.memref_slice %arg2[%dma_start3A_40, %dma_start3A_41] : memref<10240x128xf32, #tpu.memory_space<hbm>> -> memref<10240x128xf32, #tpu.memory_space<hbm>>
        tpu.enqueue_indirect_dma source(%dma_start3A_42 : memref<10240x128xf32, #tpu.memory_space<hbm>>) target(%arg10 : memref<128x128xf32, #tpu.memory_space<vmem>>) offsets(%dma_start3A_39 : memref<128xi32, #tpu.memory_space<vmem>>) semaphore(%arg12 : memref<!tpu.dma_semaphore, #tpu.memory_space<semaphore_mem>>)
        %dma_wait3A = arith.constant 0 : i32
        %dma_wait3A_43 = tpu.memref_slice %arg8[%scan3A_36, %dma_wait3A] : memref<120x128xi32, #tpu.memory_space<vmem>> -> memref<1x128xi32, #tpu.memory_space<vmem>>
        %dma_wait3A_44 = tpu.memref_squeeze %dma_wait3A_43 : memref<1x128xi32, #tpu.memory_space<vmem>> -> memref<128xi32, #tpu.memory_space<vmem>>
        %dma_wait3A_45 = arith.constant 0 : i32
        %dma_wait3A_46 = arith.constant 0 : i32
        %dma_wait3A_47 = tpu.memref_slice %arg2[%dma_wait3A_45, %dma_wait3A_46] : memref<10240x128xf32, #tpu.memory_space<hbm>> -> memref<10240x128xf32, #tpu.memory_space<hbm>>
        tpu.wait_indirect_dma semaphore(%arg12 : memref<!tpu.dma_semaphore, #tpu.memory_space<semaphore_mem>>) src(%dma_wait3A_47 : memref<10240x128xf32, #tpu.memory_space<hbm>>) dst(%arg10 : memref<128x128xf32, #tpu.memory_space<vmem>>)
        "tpu.region"() ({
          %run_scoped3A = tpu.sem_alloc : memref<!tpu.dma_semaphore, #tpu.memory_space<semaphore_mem>>
          %dma_start3A_49 = arith.constant 0 : i32
          %dma_start3A_50 = tpu.memref_slice %arg9[%scan3A_36, %dma_start3A_49] : memref<120x128xi32, #tpu.memory_space<vmem>> -> memref<1x128xi32, #tpu.memory_space<vmem>>
          %dma_start3A_51 = tpu.memref_squeeze %dma_start3A_50 : memref<1x128xi32, #tpu.memory_space<vmem>> -> memref<128xi32, #tpu.memory_space<vmem>>
          %dma_start3A_52 = arith.constant 0 : i32
          %dma_start3A_53 = arith.constant 0 : i32
          %dma_start3A_54 = tpu.memref_slice %arg11[%dma_start3A_52, %dma_start3A_53] : memref<10240x128xf32, #tpu.memory_space<vmem_shared>> -> memref<10240x128xf32, #tpu.memory_space<vmem_shared>>
          tpu.enqueue_indirect_dma source(%arg10 : memref<128x128xf32, #tpu.memory_space<vmem>>) target(%dma_start3A_54 : memref<10240x128xf32, #tpu.memory_space<vmem_shared>>) offsets(%dma_start3A_51 : memref<128xi32, #tpu.memory_space<vmem>>) semaphore(%run_scoped3A : memref<!tpu.dma_semaphore, #tpu.memory_space<semaphore_mem>>) {add = true}
          %dma_wait3A_55 = arith.constant 0 : i32
          %dma_wait3A_56 = tpu.memref_slice %arg9[%scan3A_36, %dma_wait3A_55] : memref<120x128xi32, #tpu.memory_space<vmem>> -> memref<1x128xi32, #tpu.memory_space<vmem>>
          %dma_wait3A_57 = tpu.memref_squeeze %dma_wait3A_56 : memref<1x128xi32, #tpu.memory_space<vmem>> -> memref<128xi32, #tpu.memory_space<vmem>>
          %dma_wait3A_58 = arith.constant 0 : i32
          %dma_wait3A_59 = arith.constant 0 : i32
          %dma_wait3A_60 = tpu.memref_slice %arg11[%dma_wait3A_58, %dma_wait3A_59] : memref<10240x128xf32, #tpu.memory_space<vmem_shared>> -> memref<10240x128xf32, #tpu.memory_space<vmem_shared>>
          tpu.wait_indirect_dma semaphore(%run_scoped3A : memref<!tpu.dma_semaphore, #tpu.memory_space<semaphore_mem>>) src(%arg10 : memref<128x128xf32, #tpu.memory_space<vmem>>) dst(%dma_wait3A_60 : memref<10240x128xf32, #tpu.memory_space<vmem_shared>>)
          tpu.yield
        }) : () -> ()
        %scan3A_48 = arith.constant 0 : i32
        scf.yield %scan3A_48 : i32
      }
      %scan3A_35 = arith.constant 40 : i32
    } else {
    }
    %barrier3A_21 = arith.constant 0 : index
    tpu.barrier barrier_id(%barrier3A_21)
    %scan3A_22 = arith.constant 0 : i32
    %scan3A_23 = arith.constant 0 : i32
    %scan3A_24 = arith.constant 5 : i32
    %scan3A_25 = arith.addi %scan3A_23, %scan3A_24 : i32
    %scan3A_26 = arith.constant 1 : i32
    %scan3A_27 = scf.for %scan3A_29 = %scan3A_23 to %scan3A_25 step %scan3A_26 iter_args(%scan3A_30 = %scan3A_22) -> (i32)  : i32 {
      %mul3A = arith.constant 640 : i32
      %mul3A_31 = arith.muli %arg1, %mul3A : i32
      %mul3A_32 = arith.constant 128 : i32
      %mul3A_33 = arith.muli %scan3A_29, %mul3A_32 : i32
      %add3A = arith.addi %mul3A_31, %mul3A_33 : i32
      "tpu.region"() ({
        %run_scoped3A = tpu.sem_alloc : memref<!tpu.dma_semaphore, #tpu.memory_space<semaphore_mem>>
        %dma_start3A = arith.constant 0 : i32
        %dma_start3A_35 = tpu.memref_slice %arg7[%arg0, %add3A, %dma_start3A] : memref<2x10240x128xf32, #tpu.memory_space<hbm>> -> memref<1x128x128xf32, #tpu.memory_space<hbm>>
        %dma_start3A_36 = tpu.memref_squeeze %dma_start3A_35 : memref<1x128x128xf32, #tpu.memory_space<hbm>> -> memref<128x128xf32, #tpu.memory_space<hbm>>
        %dma_start3A_37 = arith.constant 0 : i32
        %dma_start3A_38 = tpu.memref_slice %arg11[%add3A, %dma_start3A_37] : memref<10240x128xf32, #tpu.memory_space<vmem_shared>> -> memref<128x128xf32, #tpu.memory_space<vmem_shared>>
        tpu.enqueue_dma source(%dma_start3A_38 : memref<128x128xf32, #tpu.memory_space<vmem_shared>>) target(%dma_start3A_36 : memref<128x128xf32, #tpu.memory_space<hbm>>) target_semaphore(%run_scoped3A : memref<!tpu.dma_semaphore, #tpu.memory_space<semaphore_mem>>)
        %dma_wait3A = arith.constant 0 : i32
        %dma_wait3A_39 = tpu.memref_slice %arg7[%arg0, %add3A, %dma_wait3A] : memref<2x10240x128xf32, #tpu.memory_space<hbm>> -> memref<1x128x128xf32, #tpu.memory_space<hbm>>
        %dma_wait3A_40 = tpu.memref_squeeze %dma_wait3A_39 : memref<1x128x128xf32, #tpu.memory_space<hbm>> -> memref<128x128xf32, #tpu.memory_space<hbm>>
        %dma_wait3A_41 = arith.constant 0 : i32
        %dma_wait3A_42 = tpu.memref_slice %arg11[%add3A, %dma_wait3A_41] : memref<10240x128xf32, #tpu.memory_space<vmem_shared>> -> memref<128x128xf32, #tpu.memory_space<vmem_shared>>
        tpu.wait_dma2 semaphore(%run_scoped3A : memref<!tpu.dma_semaphore, #tpu.memory_space<semaphore_mem>>) src(%dma_wait3A_42 : memref<128x128xf32, #tpu.memory_space<vmem_shared>>) dst(%dma_wait3A_40 : memref<128x128xf32, #tpu.memory_space<hbm>>)
        tpu.yield
      }) : () -> ()
      %scan3A_34 = arith.constant 0 : i32
      scf.yield %scan3A_34 : i32
    }
    %scan3A_28 = arith.constant 5 : i32
    return
  }
}

module attributes {stable_mosaic.version = 14 : i64} {
  func.func @_tc_prep_body(%arg0: i32, %arg1: memref<1024xf32, #tpu.memory_space<vmem>>, %arg2: memref<1024xf32, #tpu.memory_space<vmem>>, %arg3: memref<1024x128xf32, #tpu.memory_space<vmem>>, %arg4: memref<1024xf32, #tpu.memory_space<vmem>>, %arg5: memref<1024x128xf32, #tpu.memory_space<vmem>>) attributes {dimension_semantics = [#tpu.dimension_semantics<arbitrary>], iteration_bounds = array<i64: 10>, scalar_prefetch = 0 : i64, scratch_operands = 0 : i64, tpu.core_type = #tpu.core_type<tc>, window_params = [{transform_indices = @transform_0, window_bounds = array<i64: 1024>}, {transform_indices = @transform_1, window_bounds = array<i64: 1024>}, {transform_indices = @transform_2, window_bounds = array<i64: 1024, 128>}, {transform_indices = @transform_3, window_bounds = array<i64: 1024>}, {transform_indices = @transform_4, window_bounds = array<i64: 1024, 128>}]} {
    %get3A = arith.constant 0 : index
    %get3A_0 = vector.load %arg1[%get3A] : memref<1024xf32, #tpu.memory_space<vmem>>, vector<1024xf32>
    %get3A_1 = arith.constant 0 : index
    %get3A_2 = vector.load %arg2[%get3A_1] : memref<1024xf32, #tpu.memory_space<vmem>>, vector<1024xf32>
    %add3A = arith.addf %get3A_0, %get3A_2 : vector<1024xf32>
    %add3A_3 = arith.constant 1.000000e+00 : f32
    %add3A_4 = vector.broadcast %add3A_3 : f32 to vector<1024xf32>
    %add3A_5 = arith.addf %add3A, %add3A_4 : vector<1024xf32>
    %rsqrt3A = math.rsqrt %add3A_5 : vector<1024xf32>
    %swap3A = arith.constant 0 : index
    %swap3A_6 = vector.load %arg4[%swap3A] : memref<1024xf32, #tpu.memory_space<vmem>>, vector<1024xf32>
    tpu.vector_store %arg4[%swap3A], %rsqrt3A {strides = array<i32>} : memref<1024xf32, #tpu.memory_space<vmem>>, vector<1024xf32>,
    %get3A_7 = arith.constant 0 : index
    %get3A_8 = arith.constant 0 : index
    %get3A_9 = vector.load %arg3[%get3A_7, %get3A_8] : memref<1024x128xf32, #tpu.memory_space<vmem>>, vector<1024x128xf32>
    %broadcast_in_dim3A = vector.shape_cast %rsqrt3A : vector<1024xf32> to vector<1024x1xf32>
    %mul3A = vector.broadcast %broadcast_in_dim3A : vector<1024x1xf32> to vector<1024x128xf32>
    %mul3A_10 = arith.mulf %get3A_9, %mul3A : vector<1024x128xf32>
    %swap3A_11 = arith.constant 0 : index
    %swap3A_12 = arith.constant 0 : index
    %swap3A_13 = vector.load %arg5[%swap3A_11, %swap3A_12] : memref<1024x128xf32, #tpu.memory_space<vmem>>, vector<1024x128xf32>
    tpu.vector_store %arg5[%swap3A_11, %swap3A_12], %mul3A_10 {strides = array<i32>} : memref<1024x128xf32, #tpu.memory_space<vmem>>, vector<1024x128xf32>,
    return
  }
  func.func @transform_0(%arg0: i32) -> i32 {
    %c0_i32 = arith.constant 0 : i32
    return %arg0 : i32
  }
  func.func @transform_1(%arg0: i32) -> i32 {
    %c0_i32 = arith.constant 0 : i32
    return %arg0 : i32
  }
  func.func @transform_2(%arg0: i32) -> (i32, i32) {
    %c0_i32 = arith.constant 0 : i32
    %c0_i32_0 = arith.constant 0 : i32
    return %arg0, %c0_i32 : i32, i32
  }
  func.func @transform_3(%arg0: i32) -> i32 {
    %c0_i32 = arith.constant 0 : i32
    return %arg0 : i32
  }
  func.func @transform_4(%arg0: i32) -> (i32, i32) {
    %c0_i32 = arith.constant 0 : i32
    %c0_i32_0 = arith.constant 0 : i32
    return %arg0, %c0_i32 : i32, i32
  }
}

module attributes {stable_mosaic.version = 14 : i64} {
  func.func @_tc_l1l2_body(%arg0: i32, %arg1: memref<1024x128xf32, #tpu.memory_space<vmem>>, %arg2: memref<1024x128xf32, #tpu.memory_space<vmem>>, %arg3: memref<1024x128xf32, #tpu.memory_space<vmem>>, %arg4: memref<1024xf32, #tpu.memory_space<vmem>>, %arg5: memref<128x128xf32, #tpu.memory_space<vmem>>, %arg6: memref<128xf32, #tpu.memory_space<vmem>>, %arg7: memref<128x128xf32, #tpu.memory_space<vmem>>, %arg8: memref<1024x128xf32, #tpu.memory_space<vmem>>) attributes {dimension_semantics = [#tpu.dimension_semantics<arbitrary>], iteration_bounds = array<i64: 10>, scalar_prefetch = 0 : i64, scratch_operands = 0 : i64, tpu.core_type = #tpu.core_type<tc>, window_params = [{transform_indices = @transform_0, window_bounds = array<i64: 1024, 128>}, {transform_indices = @transform_1, window_bounds = array<i64: 1024, 128>}, {transform_indices = @transform_2, window_bounds = array<i64: 1024, 128>}, {transform_indices = @transform_3, window_bounds = array<i64: 1024>}, {pipeline_mode = #tpu.pipeline_mode<synchronous>, transform_indices = @transform_4, window_bounds = array<i64: 128, 128>}, {pipeline_mode = #tpu.pipeline_mode<synchronous>, transform_indices = @transform_5, window_bounds = array<i64: 128>}, {pipeline_mode = #tpu.pipeline_mode<synchronous>, transform_indices = @transform_6, window_bounds = array<i64: 128, 128>}, {transform_indices = @transform_7, window_bounds = array<i64: 1024, 128>}]} {
    %get3A = arith.constant 0 : index
    %get3A_0 = vector.load %arg4[%get3A] : memref<1024xf32, #tpu.memory_space<vmem>>, vector<1024xf32>
    %broadcast_in_dim3A = vector.shape_cast %get3A_0 : vector<1024xf32> to vector<1024x1xf32>
    %get3A_1 = arith.constant 0 : index
    %get3A_2 = arith.constant 0 : index
    %get3A_3 = vector.load %arg1[%get3A_1, %get3A_2] : memref<1024x128xf32, #tpu.memory_space<vmem>>, vector<1024x128xf32>
    %get3A_4 = arith.constant 0 : index
    %get3A_5 = arith.constant 0 : index
    %get3A_6 = vector.load %arg2[%get3A_4, %get3A_5] : memref<1024x128xf32, #tpu.memory_space<vmem>>, vector<1024x128xf32>
    %add3A = arith.addf %get3A_3, %get3A_6 : vector<1024x128xf32>
    %get3A_7 = arith.constant 0 : index
    %get3A_8 = arith.constant 0 : index
    %get3A_9 = vector.load %arg3[%get3A_7, %get3A_8] : memref<1024x128xf32, #tpu.memory_space<vmem>>, vector<1024x128xf32>
    %add3A_10 = arith.addf %add3A, %get3A_9 : vector<1024x128xf32>
    %mul3A = vector.broadcast %broadcast_in_dim3A : vector<1024x1xf32> to vector<1024x128xf32>
    %mul3A_11 = arith.mulf %add3A_10, %mul3A : vector<1024x128xf32>
    %get3A_12 = arith.constant 0 : index
    %get3A_13 = arith.constant 0 : index
    %get3A_14 = vector.load %arg5[%get3A_12, %get3A_13] : memref<128x128xf32, #tpu.memory_space<vmem>>, vector<128x128xf32>
    %dot_general3A = arith.constant dense<0.000000e+00> : vector<1024x128xf32>
    %dot_general3A_15 = tpu.matmul %mul3A_11, %get3A_14, %dot_general3A {dimension_numbers = #tpu.dot_dimension_numbers<[1], [1], [0], [0], [0, 0, 1, 0], [], []>, transpose_lhs_hint = false} : vector<1024x128xf32>, vector<128x128xf32>, vector<1024x128xf32> -> vector<1024x128xf32>
    %get3A_16 = arith.constant 0 : index
    %get3A_17 = vector.load %arg6[%get3A_16] : memref<128xf32, #tpu.memory_space<vmem>>, vector<128xf32>
    %broadcast_in_dim3A_18 = vector.shape_cast %get3A_17 : vector<128xf32> to vector<1x128xf32>
    %add3A_19 = vector.broadcast %broadcast_in_dim3A_18 : vector<1x128xf32> to vector<1024x128xf32>
    %add3A_20 = arith.addf %dot_general3A_15, %add3A_19 : vector<1024x128xf32>
    %max3A = arith.constant 0.000000e+00 : f32
    %max3A_21 = vector.broadcast %max3A : f32 to vector<1024x128xf32>
    %max3A_22 = arith.maximumf %add3A_20, %max3A_21 : vector<1024x128xf32>
    %get3A_23 = arith.constant 0 : index
    %get3A_24 = arith.constant 0 : index
    %get3A_25 = vector.load %arg7[%get3A_23, %get3A_24] : memref<128x128xf32, #tpu.memory_space<vmem>>, vector<128x128xf32>
    %dot_general3A_26 = arith.constant dense<0.000000e+00> : vector<1024x128xf32>
    %dot_general3A_27 = tpu.matmul %max3A_22, %get3A_25, %dot_general3A_26 {dimension_numbers = #tpu.dot_dimension_numbers<[1], [1], [0], [0], [0, 0, 1, 0], [], []>, transpose_lhs_hint = false} : vector<1024x128xf32>, vector<128x128xf32>, vector<1024x128xf32> -> vector<1024x128xf32>
    %mul3A_28 = vector.broadcast %broadcast_in_dim3A : vector<1024x1xf32> to vector<1024x128xf32>
    %mul3A_29 = arith.mulf %dot_general3A_27, %mul3A_28 : vector<1024x128xf32>
    %swap3A = arith.constant 0 : index
    %swap3A_30 = arith.constant 0 : index
    %swap3A_31 = vector.load %arg8[%swap3A, %swap3A_30] : memref<1024x128xf32, #tpu.memory_space<vmem>>, vector<1024x128xf32>
    tpu.vector_store %arg8[%swap3A, %swap3A_30], %mul3A_29 {strides = array<i32>} : memref<1024x128xf32, #tpu.memory_space<vmem>>, vector<1024x128xf32>,
    return
  }
  func.func @transform_0(%arg0: i32) -> (i32, i32) {
    %c0_i32 = arith.constant 0 : i32
    %c0_i32_0 = arith.constant 0 : i32
    return %arg0, %c0_i32 : i32, i32
  }
  func.func @transform_1(%arg0: i32) -> (i32, i32) {
    %c0_i32 = arith.constant 0 : i32
    %c0_i32_0 = arith.constant 0 : i32
    return %arg0, %c0_i32 : i32, i32
  }
  func.func @transform_2(%arg0: i32) -> (i32, i32) {
    %c0_i32 = arith.constant 0 : i32
    %c0_i32_0 = arith.constant 0 : i32
    return %arg0, %c0_i32 : i32, i32
  }
  func.func @transform_3(%arg0: i32) -> i32 {
    %c0_i32 = arith.constant 0 : i32
    return %arg0 : i32
  }
  func.func @transform_4(%arg0: i32) -> (i32, i32) {
    %c0_i32 = arith.constant 0 : i32
    %c0_i32_0 = arith.constant 0 : i32
    %c0_i32_1 = arith.constant 0 : i32
    return %c0_i32, %c0_i32_0 : i32, i32
  }
  func.func @transform_5(%arg0: i32) -> i32 {
    %c0_i32 = arith.constant 0 : i32
    %c0_i32_0 = arith.constant 0 : i32
    return %c0_i32 : i32
  }
  func.func @transform_6(%arg0: i32) -> (i32, i32) {
    %c0_i32 = arith.constant 0 : i32
    %c0_i32_0 = arith.constant 0 : i32
    %c0_i32_1 = arith.constant 0 : i32
    return %c0_i32, %c0_i32_0 : i32, i32
  }
  func.func @transform_7(%arg0: i32) -> (i32, i32) {
    %c0_i32 = arith.constant 0 : i32
    %c0_i32_0 = arith.constant 0 : i32
    return %arg0, %c0_i32 : i32, i32
  }
}

module attributes {stable_mosaic.version = 14 : i64} {
  func.func @_tc_l2fin_body(%arg0: i32, %arg1: memref<1024x128xf32, #tpu.memory_space<vmem>>, %arg2: memref<1024x128xf32, #tpu.memory_space<vmem>>, %arg3: memref<1024x128xf32, #tpu.memory_space<vmem>>, %arg4: memref<1024xf32, #tpu.memory_space<vmem>>, %arg5: memref<64xf32, #tpu.memory_space<vmem>>, %arg6: memref<1024x64xf32, #tpu.memory_space<vmem>>, %arg7: memref<1024x128xf32, #tpu.memory_space<vmem>>) attributes {dimension_semantics = [#tpu.dimension_semantics<arbitrary>], iteration_bounds = array<i64: 10>, scalar_prefetch = 0 : i64, scratch_operands = 0 : i64, tpu.core_type = #tpu.core_type<tc>, window_params = [{transform_indices = @transform_0, window_bounds = array<i64: 1024, 128>}, {transform_indices = @transform_1, window_bounds = array<i64: 1024, 128>}, {transform_indices = @transform_2, window_bounds = array<i64: 1024, 128>}, {transform_indices = @transform_3, window_bounds = array<i64: 1024>}, {pipeline_mode = #tpu.pipeline_mode<synchronous>, transform_indices = @transform_4, window_bounds = array<i64: 64>}, {transform_indices = @transform_5, window_bounds = array<i64: 1024, 64>}, {transform_indices = @transform_6, window_bounds = array<i64: 1024, 128>}]} {
    %get3A = arith.constant 0 : index
    %get3A_0 = vector.load %arg4[%get3A] : memref<1024xf32, #tpu.memory_space<vmem>>, vector<1024xf32>
    %broadcast_in_dim3A = vector.shape_cast %get3A_0 : vector<1024xf32> to vector<1024x1xf32>
    %get3A_1 = arith.constant 0 : index
    %get3A_2 = arith.constant 0 : index
    %get3A_3 = vector.load %arg1[%get3A_1, %get3A_2] : memref<1024x128xf32, #tpu.memory_space<vmem>>, vector<1024x128xf32>
    %get3A_4 = arith.constant 0 : index
    %get3A_5 = arith.constant 0 : index
    %get3A_6 = vector.load %arg2[%get3A_4, %get3A_5] : memref<1024x128xf32, #tpu.memory_space<vmem>>, vector<1024x128xf32>
    %add3A = arith.addf %get3A_3, %get3A_6 : vector<1024x128xf32>
    %get3A_7 = arith.constant 0 : index
    %get3A_8 = arith.constant 0 : index
    %get3A_9 = vector.load %arg3[%get3A_7, %get3A_8] : memref<1024x128xf32, #tpu.memory_space<vmem>>, vector<1024x128xf32>
    %add3A_10 = arith.addf %add3A, %get3A_9 : vector<1024x128xf32>
    %mul3A = vector.broadcast %broadcast_in_dim3A : vector<1024x1xf32> to vector<1024x128xf32>
    %mul3A_11 = arith.mulf %add3A_10, %mul3A : vector<1024x128xf32>
    %slice3A = vector.extract_strided_slice %mul3A_11 {offsets = [0, 0], sizes = [1024, 64], strides = [1, 1]} : vector<1024x128xf32> to vector<1024x64xf32>
    %get3A_12 = arith.constant 0 : index
    %get3A_13 = vector.load %arg5[%get3A_12] : memref<64xf32, #tpu.memory_space<vmem>>, vector<64xf32>
    %broadcast_in_dim3A_14 = vector.shape_cast %get3A_13 : vector<64xf32> to vector<1x64xf32>
    %add3A_15 = vector.broadcast %broadcast_in_dim3A_14 : vector<1x64xf32> to vector<1024x64xf32>
    %add3A_16 = arith.addf %slice3A, %add3A_15 : vector<1024x64xf32>
    %max3A = arith.constant 0.000000e+00 : f32
    %max3A_17 = vector.broadcast %max3A : f32 to vector<1024x64xf32>
    %max3A_18 = arith.maximumf %add3A_16, %max3A_17 : vector<1024x64xf32>
    %swap3A = arith.constant 0 : index
    %swap3A_19 = arith.constant 0 : index
    %swap3A_20 = vector.load %arg6[%swap3A, %swap3A_19] : memref<1024x64xf32, #tpu.memory_space<vmem>>, vector<1024x64xf32>
    tpu.vector_store %arg6[%swap3A, %swap3A_19], %max3A_18 {strides = array<i32>} : memref<1024x64xf32, #tpu.memory_space<vmem>>, vector<1024x64xf32>,
    %mul3A_21 = vector.broadcast %broadcast_in_dim3A : vector<1024x1xf32> to vector<1024x64xf32>
    %mul3A_22 = arith.mulf %max3A_18, %mul3A_21 : vector<1024x64xf32>
    %broadcast_in_dim3A_23 = arith.constant 0.000000e+00 : f32
    %broadcast_in_dim3A_24 = vector.broadcast %broadcast_in_dim3A_23 : f32 to vector<1024x64xf32>
    %concatenate3A = tpu.concatenate %mul3A_22, %broadcast_in_dim3A_24 in 1 : vector<1024x64xf32>, vector<1024x64xf32> -> vector<1024x128xf32>
    %swap3A_25 = arith.constant 0 : index
    %swap3A_26 = arith.constant 0 : index
    %swap3A_27 = vector.load %arg7[%swap3A_25, %swap3A_26] : memref<1024x128xf32, #tpu.memory_space<vmem>>, vector<1024x128xf32>
    tpu.vector_store %arg7[%swap3A_25, %swap3A_26], %concatenate3A {strides = array<i32>} : memref<1024x128xf32, #tpu.memory_space<vmem>>, vector<1024x128xf32>,
    return
  }
  func.func @transform_0(%arg0: i32) -> (i32, i32) {
    %c0_i32 = arith.constant 0 : i32
    %c0_i32_0 = arith.constant 0 : i32
    return %arg0, %c0_i32 : i32, i32
  }
  func.func @transform_1(%arg0: i32) -> (i32, i32) {
    %c0_i32 = arith.constant 0 : i32
    %c0_i32_0 = arith.constant 0 : i32
    return %arg0, %c0_i32 : i32, i32
  }
  func.func @transform_2(%arg0: i32) -> (i32, i32) {
    %c0_i32 = arith.constant 0 : i32
    %c0_i32_0 = arith.constant 0 : i32
    return %arg0, %c0_i32 : i32, i32
  }
  func.func @transform_3(%arg0: i32) -> i32 {
    %c0_i32 = arith.constant 0 : i32
    return %arg0 : i32
  }
  func.func @transform_4(%arg0: i32) -> i32 {
    %c0_i32 = arith.constant 0 : i32
    %c0_i32_0 = arith.constant 0 : i32
    return %c0_i32 : i32
  }
  func.func @transform_5(%arg0: i32) -> (i32, i32) {
    %c0_i32 = arith.constant 0 : i32
    %c0_i32_0 = arith.constant 0 : i32
    return %arg0, %c0_i32 : i32, i32
  }
  func.func @transform_6(%arg0: i32) -> (i32, i32) {
    %c0_i32 = arith.constant 0 : i32
    %c0_i32_0 = arith.constant 0 : i32
    return %arg0, %c0_i32 : i32, i32
  }
}

module attributes {stable_mosaic.version = 14 : i64} {
  func.func @_tc_l3l5_body(%arg0: i32, %arg1: memref<1024x128xf32, #tpu.memory_space<vmem>>, %arg2: memref<1024x128xf32, #tpu.memory_space<vmem>>, %arg3: memref<1024x128xf32, #tpu.memory_space<vmem>>, %arg4: memref<1024xf32, #tpu.memory_space<vmem>>, %arg5: memref<128x64xf32, #tpu.memory_space<vmem>>, %arg6: memref<128xf32, #tpu.memory_space<vmem>>, %arg7: memref<64x64xf32, #tpu.memory_space<vmem>>, %arg8: memref<64xf32, #tpu.memory_space<vmem>>, %arg9: memref<128x128xf32, #tpu.memory_space<vmem>>, %arg10: memref<1024x64xf32, #tpu.memory_space<vmem>>, %arg11: memref<1024x128xf32, #tpu.memory_space<vmem>>) attributes {dimension_semantics = [#tpu.dimension_semantics<arbitrary>], iteration_bounds = array<i64: 10>, scalar_prefetch = 0 : i64, scratch_operands = 0 : i64, tpu.core_type = #tpu.core_type<tc>, window_params = [{transform_indices = @transform_0, window_bounds = array<i64: 1024, 128>}, {transform_indices = @transform_1, window_bounds = array<i64: 1024, 128>}, {transform_indices = @transform_2, window_bounds = array<i64: 1024, 128>}, {transform_indices = @transform_3, window_bounds = array<i64: 1024>}, {pipeline_mode = #tpu.pipeline_mode<synchronous>, transform_indices = @transform_4, window_bounds = array<i64: 128, 64>}, {pipeline_mode = #tpu.pipeline_mode<synchronous>, transform_indices = @transform_5, window_bounds = array<i64: 128>}, {pipeline_mode = #tpu.pipeline_mode<synchronous>, transform_indices = @transform_6, window_bounds = array<i64: 64, 64>}, {pipeline_mode = #tpu.pipeline_mode<synchronous>, transform_indices = @transform_7, window_bounds = array<i64: 64>}, {pipeline_mode = #tpu.pipeline_mode<synchronous>, transform_indices = @transform_8, window_bounds = array<i64: 128, 128>}, {transform_indices = @transform_9, window_bounds = array<i64: 1024, 64>}, {transform_indices = @transform_10, window_bounds = array<i64: 1024, 128>}]} {
    %get3A = arith.constant 0 : index
    %get3A_0 = vector.load %arg4[%get3A] : memref<1024xf32, #tpu.memory_space<vmem>>, vector<1024xf32>
    %broadcast_in_dim3A = vector.shape_cast %get3A_0 : vector<1024xf32> to vector<1024x1xf32>
    %get3A_1 = arith.constant 0 : index
    %get3A_2 = arith.constant 0 : index
    %get3A_3 = vector.load %arg1[%get3A_1, %get3A_2] : memref<1024x128xf32, #tpu.memory_space<vmem>>, vector<1024x128xf32>
    %get3A_4 = arith.constant 0 : index
    %get3A_5 = arith.constant 0 : index
    %get3A_6 = vector.load %arg2[%get3A_4, %get3A_5] : memref<1024x128xf32, #tpu.memory_space<vmem>>, vector<1024x128xf32>
    %add3A = arith.addf %get3A_3, %get3A_6 : vector<1024x128xf32>
    %get3A_7 = arith.constant 0 : index
    %get3A_8 = arith.constant 0 : index
    %get3A_9 = vector.load %arg3[%get3A_7, %get3A_8] : memref<1024x128xf32, #tpu.memory_space<vmem>>, vector<1024x128xf32>
    %add3A_10 = arith.addf %add3A, %get3A_9 : vector<1024x128xf32>
    %mul3A = vector.broadcast %broadcast_in_dim3A : vector<1024x1xf32> to vector<1024x128xf32>
    %mul3A_11 = arith.mulf %add3A_10, %mul3A : vector<1024x128xf32>
    %slice3A = vector.extract_strided_slice %mul3A_11 {offsets = [0, 0], sizes = [1024, 64], strides = [1, 1]} : vector<1024x128xf32> to vector<1024x64xf32>
    %get3A_12 = arith.constant 0 : index
    %get3A_13 = arith.constant 0 : index
    %get3A_14 = vector.load %arg5[%get3A_12, %get3A_13] : memref<128x64xf32, #tpu.memory_space<vmem>>, vector<128x64xf32>
    %dot_general3A = arith.constant dense<0.000000e+00> : vector<1024x128xf32>
    %dot_general3A_15 = tpu.matmul %slice3A, %get3A_14, %dot_general3A {dimension_numbers = #tpu.dot_dimension_numbers<[1], [1], [0], [0], [0, 0, 1, 0], [], []>, transpose_lhs_hint = false} : vector<1024x64xf32>, vector<128x64xf32>, vector<1024x128xf32> -> vector<1024x128xf32>
    %get3A_16 = arith.constant 0 : index
    %get3A_17 = vector.load %arg6[%get3A_16] : memref<128xf32, #tpu.memory_space<vmem>>, vector<128xf32>
    %broadcast_in_dim3A_18 = vector.shape_cast %get3A_17 : vector<128xf32> to vector<1x128xf32>
    %add3A_19 = vector.broadcast %broadcast_in_dim3A_18 : vector<1x128xf32> to vector<1024x128xf32>
    %add3A_20 = arith.addf %dot_general3A_15, %add3A_19 : vector<1024x128xf32>
    %max3A = arith.constant 0.000000e+00 : f32
    %max3A_21 = vector.broadcast %max3A : f32 to vector<1024x128xf32>
    %max3A_22 = arith.maximumf %add3A_20, %max3A_21 : vector<1024x128xf32>
    %get3A_23 = arith.constant 0 : index
    %get3A_24 = arith.constant 0 : index
    %get3A_25 = vector.load %arg7[%get3A_23, %get3A_24] : memref<64x64xf32, #tpu.memory_space<vmem>>, vector<64x64xf32>
    %dot_general3A_26 = arith.constant dense<0.000000e+00> : vector<1024x64xf32>
    %dot_general3A_27 = tpu.matmul %slice3A, %get3A_25, %dot_general3A_26 {dimension_numbers = #tpu.dot_dimension_numbers<[1], [1], [0], [0], [0, 0, 1, 0], [], []>, transpose_lhs_hint = false} : vector<1024x64xf32>, vector<64x64xf32>, vector<1024x64xf32> -> vector<1024x64xf32>
    %get3A_28 = arith.constant 0 : index
    %get3A_29 = vector.load %arg8[%get3A_28] : memref<64xf32, #tpu.memory_space<vmem>>, vector<64xf32>
    %broadcast_in_dim3A_30 = vector.shape_cast %get3A_29 : vector<64xf32> to vector<1x64xf32>
    %add3A_31 = vector.broadcast %broadcast_in_dim3A_30 : vector<1x64xf32> to vector<1024x64xf32>
    %add3A_32 = arith.addf %dot_general3A_27, %add3A_31 : vector<1024x64xf32>
    %max3A_33 = arith.constant 0.000000e+00 : f32
    %max3A_34 = vector.broadcast %max3A_33 : f32 to vector<1024x64xf32>
    %max3A_35 = arith.maximumf %add3A_32, %max3A_34 : vector<1024x64xf32>
    %swap3A = arith.constant 0 : index
    %swap3A_36 = arith.constant 0 : index
    %swap3A_37 = vector.load %arg10[%swap3A, %swap3A_36] : memref<1024x64xf32, #tpu.memory_space<vmem>>, vector<1024x64xf32>
    tpu.vector_store %arg10[%swap3A, %swap3A_36], %max3A_35 {strides = array<i32>} : memref<1024x64xf32, #tpu.memory_space<vmem>>, vector<1024x64xf32>,
    %get3A_38 = arith.constant 0 : index
    %get3A_39 = arith.constant 0 : index
    %get3A_40 = vector.load %arg9[%get3A_38, %get3A_39] : memref<128x128xf32, #tpu.memory_space<vmem>>, vector<128x128xf32>
    %dot_general3A_41 = arith.constant dense<0.000000e+00> : vector<1024x128xf32>
    %dot_general3A_42 = tpu.matmul %max3A_22, %get3A_40, %dot_general3A_41 {dimension_numbers = #tpu.dot_dimension_numbers<[1], [1], [0], [0], [0, 0, 1, 0], [], []>, transpose_lhs_hint = false} : vector<1024x128xf32>, vector<128x128xf32>, vector<1024x128xf32> -> vector<1024x128xf32>
    %mul3A_43 = vector.broadcast %broadcast_in_dim3A : vector<1024x1xf32> to vector<1024x128xf32>
    %mul3A_44 = arith.mulf %dot_general3A_42, %mul3A_43 : vector<1024x128xf32>
    %swap3A_45 = arith.constant 0 : index
    %swap3A_46 = arith.constant 0 : index
    %swap3A_47 = vector.load %arg11[%swap3A_45, %swap3A_46] : memref<1024x128xf32, #tpu.memory_space<vmem>>, vector<1024x128xf32>
    tpu.vector_store %arg11[%swap3A_45, %swap3A_46], %mul3A_44 {strides = array<i32>} : memref<1024x128xf32, #tpu.memory_space<vmem>>, vector<1024x128xf32>,
    return
  }
  func.func @transform_0(%arg0: i32) -> (i32, i32) {
    %c0_i32 = arith.constant 0 : i32
    %c0_i32_0 = arith.constant 0 : i32
    return %arg0, %c0_i32 : i32, i32
  }
  func.func @transform_1(%arg0: i32) -> (i32, i32) {
    %c0_i32 = arith.constant 0 : i32
    %c0_i32_0 = arith.constant 0 : i32
    return %arg0, %c0_i32 : i32, i32
  }
  func.func @transform_2(%arg0: i32) -> (i32, i32) {
    %c0_i32 = arith.constant 0 : i32
    %c0_i32_0 = arith.constant 0 : i32
    return %arg0, %c0_i32 : i32, i32
  }
  func.func @transform_3(%arg0: i32) -> i32 {
    %c0_i32 = arith.constant 0 : i32
    return %arg0 : i32
  }
  func.func @transform_4(%arg0: i32) -> (i32, i32) {
    %c0_i32 = arith.constant 0 : i32
    %c0_i32_0 = arith.constant 0 : i32
    %c0_i32_1 = arith.constant 0 : i32
    return %c0_i32, %c0_i32_0 : i32, i32
  }
  func.func @transform_5(%arg0: i32) -> i32 {
    %c0_i32 = arith.constant 0 : i32
    %c0_i32_0 = arith.constant 0 : i32
    return %c0_i32 : i32
  }
  func.func @transform_6(%arg0: i32) -> (i32, i32) {
    %c0_i32 = arith.constant 0 : i32
    %c0_i32_0 = arith.constant 0 : i32
    %c0_i32_1 = arith.constant 0 : i32
    return %c0_i32, %c0_i32_0 : i32, i32
  }
  func.func @transform_7(%arg0: i32) -> i32 {
    %c0_i32 = arith.constant 0 : i32
    %c0_i32_0 = arith.constant 0 : i32
    return %c0_i32 : i32
  }
  func.func @transform_8(%arg0: i32) -> (i32, i32) {
    %c0_i32 = arith.constant 0 : i32
    %c0_i32_0 = arith.constant 0 : i32
    %c0_i32_1 = arith.constant 0 : i32
    return %c0_i32, %c0_i32_0 : i32, i32
  }
  func.func @transform_9(%arg0: i32) -> (i32, i32) {
    %c0_i32 = arith.constant 0 : i32
    %c0_i32_0 = arith.constant 0 : i32
    return %arg0, %c0_i32 : i32, i32
  }
  func.func @transform_10(%arg0: i32) -> (i32, i32) {
    %c0_i32 = arith.constant 0 : i32
    %c0_i32_0 = arith.constant 0 : i32
    return %arg0, %c0_i32 : i32, i32
  }
}

module attributes {stable_mosaic.version = 14 : i64} {
  func.func @_tc_ahat_body(%arg0: i32, %arg1: i32, %arg2: memref<1024x64xf32, #tpu.memory_space<vmem>>, %arg3: memref<1024x64xf32, #tpu.memory_space<vmem>>, %arg4: memref<1024x1024xf32, #tpu.memory_space<vmem>>) attributes {dimension_semantics = [#tpu.dimension_semantics<arbitrary>, #tpu.dimension_semantics<arbitrary>], iteration_bounds = array<i64: 10, 10>, scalar_prefetch = 0 : i64, scratch_operands = 0 : i64, tpu.core_type = #tpu.core_type<tc>, window_params = [{transform_indices = @transform_0, window_bounds = array<i64: 1024, 64>}, {transform_indices = @transform_1, window_bounds = array<i64: 1024, 64>}, {transform_indices = @transform_2, window_bounds = array<i64: 1024, 1024>}]} {
    %get3A = arith.constant 0 : index
    %get3A_0 = arith.constant 0 : index
    %get3A_1 = vector.load %arg2[%get3A, %get3A_0] : memref<1024x64xf32, #tpu.memory_space<vmem>>, vector<1024x64xf32>
    %get3A_2 = arith.constant 0 : index
    %get3A_3 = arith.constant 0 : index
    %get3A_4 = vector.load %arg3[%get3A_2, %get3A_3] : memref<1024x64xf32, #tpu.memory_space<vmem>>, vector<1024x64xf32>
    %dot_general3A = arith.constant dense<0.000000e+00> : vector<1024x1024xf32>
    %dot_general3A_5 = tpu.matmul %get3A_1, %get3A_4, %dot_general3A {dimension_numbers = #tpu.dot_dimension_numbers<[1], [1], [0], [0], [0, 0, 1, 0], [], []>, transpose_lhs_hint = false} : vector<1024x64xf32>, vector<1024x64xf32>, vector<1024x1024xf32> -> vector<1024x1024xf32>
    %swap3A = arith.constant 0 : index
    %swap3A_6 = arith.constant 0 : index
    %swap3A_7 = vector.load %arg4[%swap3A, %swap3A_6] : memref<1024x1024xf32, #tpu.memory_space<vmem>>, vector<1024x1024xf32>
    tpu.vector_store %arg4[%swap3A, %swap3A_6], %dot_general3A_5 {strides = array<i32>} : memref<1024x1024xf32, #tpu.memory_space<vmem>>, vector<1024x1024xf32>,
    return
  }
  func.func @transform_0(%arg0: i32, %arg1: i32) -> (i32, i32) {
    %c0_i32 = arith.constant 0 : i32
    %c0_i32_0 = arith.constant 0 : i32
    return %arg0, %c0_i32 : i32, i32
  }
  func.func @transform_1(%arg0: i32, %arg1: i32) -> (i32, i32) {
    %c0_i32 = arith.constant 0 : i32
    %c0_i32_0 = arith.constant 0 : i32
    return %arg1, %c0_i32 : i32, i32
  }
  func.func @transform_2(%arg0: i32, %arg1: i32) -> (i32, i32) {
    %c0_i32 = arith.constant 0 : i32
    return %arg0, %arg1 : i32, i32
  }
}

module attributes {stable_mosaic.version = 14 : i64} {
  func.func @_tc_l4fin_body(%arg0: i32, %arg1: memref<1024x128xf32, #tpu.memory_space<vmem>>, %arg2: memref<1024x128xf32, #tpu.memory_space<vmem>>, %arg3: memref<1024x128xf32, #tpu.memory_space<vmem>>, %arg4: memref<1024xf32, #tpu.memory_space<vmem>>, %arg5: memref<128xf32, #tpu.memory_space<vmem>>, %arg6: memref<1024x128xf32, #tpu.memory_space<vmem>>) attributes {dimension_semantics = [#tpu.dimension_semantics<arbitrary>], iteration_bounds = array<i64: 10>, scalar_prefetch = 0 : i64, scratch_operands = 0 : i64, tpu.core_type = #tpu.core_type<tc>, window_params = [{transform_indices = @transform_0, window_bounds = array<i64: 1024, 128>}, {transform_indices = @transform_1, window_bounds = array<i64: 1024, 128>}, {transform_indices = @transform_2, window_bounds = array<i64: 1024, 128>}, {transform_indices = @transform_3, window_bounds = array<i64: 1024>}, {pipeline_mode = #tpu.pipeline_mode<synchronous>, transform_indices = @transform_4, window_bounds = array<i64: 128>}, {transform_indices = @transform_5, window_bounds = array<i64: 1024, 128>}]} {
    %get3A = arith.constant 0 : index
    %get3A_0 = vector.load %arg4[%get3A] : memref<1024xf32, #tpu.memory_space<vmem>>, vector<1024xf32>
    %broadcast_in_dim3A = vector.shape_cast %get3A_0 : vector<1024xf32> to vector<1024x1xf32>
    %get3A_1 = arith.constant 0 : index
    %get3A_2 = arith.constant 0 : index
    %get3A_3 = vector.load %arg1[%get3A_1, %get3A_2] : memref<1024x128xf32, #tpu.memory_space<vmem>>, vector<1024x128xf32>
    %get3A_4 = arith.constant 0 : index
    %get3A_5 = arith.constant 0 : index
    %get3A_6 = vector.load %arg2[%get3A_4, %get3A_5] : memref<1024x128xf32, #tpu.memory_space<vmem>>, vector<1024x128xf32>
    %add3A = arith.addf %get3A_3, %get3A_6 : vector<1024x128xf32>
    %get3A_7 = arith.constant 0 : index
    %get3A_8 = arith.constant 0 : index
    %get3A_9 = vector.load %arg3[%get3A_7, %get3A_8] : memref<1024x128xf32, #tpu.memory_space<vmem>>, vector<1024x128xf32>
    %add3A_10 = arith.addf %add3A, %get3A_9 : vector<1024x128xf32>
    %mul3A = vector.broadcast %broadcast_in_dim3A : vector<1024x1xf32> to vector<1024x128xf32>
    %mul3A_11 = arith.mulf %add3A_10, %mul3A : vector<1024x128xf32>
    %get3A_12 = arith.constant 0 : index
    %get3A_13 = vector.load %arg5[%get3A_12] : memref<128xf32, #tpu.memory_space<vmem>>, vector<128xf32>
    %broadcast_in_dim3A_14 = vector.shape_cast %get3A_13 : vector<128xf32> to vector<1x128xf32>
    %add3A_15 = vector.broadcast %broadcast_in_dim3A_14 : vector<1x128xf32> to vector<1024x128xf32>
    %add3A_16 = arith.addf %mul3A_11, %add3A_15 : vector<1024x128xf32>
    %swap3A = arith.constant 0 : index
    %swap3A_17 = arith.constant 0 : index
    %swap3A_18 = vector.load %arg6[%swap3A, %swap3A_17] : memref<1024x128xf32, #tpu.memory_space<vmem>>, vector<1024x128xf32>
    tpu.vector_store %arg6[%swap3A, %swap3A_17], %add3A_16 {strides = array<i32>} : memref<1024x128xf32, #tpu.memory_space<vmem>>, vector<1024x128xf32>,
    return
  }
  func.func @transform_0(%arg0: i32) -> (i32, i32) {
    %c0_i32 = arith.constant 0 : i32
    %c0_i32_0 = arith.constant 0 : i32
    return %arg0, %c0_i32 : i32, i32
  }
  func.func @transform_1(%arg0: i32) -> (i32, i32) {
    %c0_i32 = arith.constant 0 : i32
    %c0_i32_0 = arith.constant 0 : i32
    return %arg0, %c0_i32 : i32, i32
  }
  func.func @transform_2(%arg0: i32) -> (i32, i32) {
    %c0_i32 = arith.constant 0 : i32
    %c0_i32_0 = arith.constant 0 : i32
    return %arg0, %c0_i32 : i32, i32
  }
  func.func @transform_3(%arg0: i32) -> i32 {
    %c0_i32 = arith.constant 0 : i32
    return %arg0 : i32
  }
  func.func @transform_4(%arg0: i32) -> i32 {
    %c0_i32 = arith.constant 0 : i32
    %c0_i32_0 = arith.constant 0 : i32
    return %c0_i32 : i32
  }
  func.func @transform_5(%arg0: i32) -> (i32, i32) {
    %c0_i32 = arith.constant 0 : i32
    %c0_i32_0 = arith.constant 0 : i32
    return %arg0, %c0_i32 : i32, i32
  }
}

</mosaic_0001>

<sc_bundles>
// kernel: kernel.13.cloned.1.call-start
scs
__scs_entry_jumppad:
0x0: {  	(pc) =	sbr.rel $0x88, $3  }
0x1: {  	(tag) =	ssettag $0x0;
	lr =	simm.s32 $0x1  }
0x2: {  	[smem:$0x3F95] =	sst lr;
	_ =	strace $0xD0000000  }
0x3: {  	_ = 	snop  }
0x4: {  	_ = 	snop  }
0x5: {  	_ = 	snop  }
0x6: {  	_ = 	snop  }
0x7: {  	_ = 	snop  }
__scs_overlays_trampoline_lowered:
0x8: {  	[smem:$0x3FA4] =	sst s0  }
0x9: {  	[smem:$0x3FA5] =	sst s1  }
0xa: {  	[smem:$0x3FA6] =	sst s2  }
0xb: {  	[smem:$0x3FA7] =	sst s3  }
0xc: {  	[smem:$0x3FA8] =	sst s4  }
0xd: {  	[smem:$0x3FA9] =	sst s5  }
0xe: {  	[smem:$0x3FAA] =	sst s6  }
0xf: {  	[smem:$0x3FAB] =	sst s7  }
0x10: {  	[smem:$0x3FAC] =	sst s8  }
0x11: {  	[smem:$0x3FAD] =	sst s9;
	s0 =	simm.s32 @!p0 $0x0  }
0x12: {  	s1 =	sld [smem:$0x3F93];
	s0 =	simm.s32 @p0 $0x1  }
0x13: {  	[smem:$0x3FAE] =	sst s0;
	s0 =	simm.s32 @!p1 $0x0  }
0x14: {  	s2 =	sld [smem:$0x3F92];
	s0 =	simm.s32 @p1 $0x1  }
0x15: {  	[smem:$0x3FAF] =	sst s0;
	s0 =	simm.s32 @!p2 $0x0  }
0x16: {  	s3 =	sld [smem:$0x3FDB];
	s0 =	simm.s32 @p2 $0x1  }
0x17: {  	s4 =	simm.s32 $0x1BF5;
	[smem:$0x3FB1] =	sst s0  }
0x18: {  	s0 =	sld [smem:$0x3F94];
	_ =	swait.ge [sflag:s4], $0x0  }
0x19: {  	s7 =	sld [smem:$0x3F95]  }
0x1a: {  	s8 =	sadd.s32 $0xFFFFE003, lr  }
0x1b: {  	s9 =	sadd.s32 $0xFFFFFEF7, lr;
	s5 =	simm.s32 $0xFFFFFFFF;
	p2 =	slt.u32 s8, $0xFFFFF086  }
0x1c: {  	p1 =	slt.u32 s9, $0xF7A;
	s5 =	simm.s32 @!p2 $0x0  }
0x1d: {  	s5 =	simm.s32 @p1 $0x1;
	p0 =	seq.s32 s7, s2  }
0x1e: {  	s7 =	smul.u32 @!p0 $0xF7A, s2;
	p2 =	seq.s32 @!p0 s5, $0x0  }
0x1f: {  	s9 =	smul.u32 $0xF7A, s1;
	s8 =	simm.s32 @!p0 $0x1BF5;
	p2 =	por !p2, p0  }
0x20: {  	[sflag:s8] =	ssyncset.s32 @!p0 $0xFFFFF086;
	s6 =	sadd.s32 @!p0 s3, s7;
	s7 =	simm.s32 @!p0 $0x108  }
0x21: {  	s3 =	sadd.s32 s3, s9;
	s6 =	sadd.s32 @!p0 $0x88, s6;
	s7 =	simm.s32 @p2 $0x1082  }
0x22: {  	[simem:s7], [sflag:s8] =	dma.local @!p0 [hbm:s6], $0xF7A  }
0x23: {  	s9 =	sor.u32 $0xD0000000, s2;
	s6 =	simm.s32 $0x108;
	_ =	swait.ge @!p0 [sflag:s8], $0x0  }
0x24: {  	s3 =	sadd.s32 $0x88, s3;
	s6 =	simm.s32 @!p1 $0x1082;
	[sflag:s4] =	ssyncset.s32 $0xFFFFF086  }
0x25: {  	[simem:s6], [sflag:s4] =	dma.local [hbm:s3], $0xF7A  }
0x26: {  	[smem:$0x3F95] =	sst s1;
	(tag) =	ssettag s2;
	_ =	strace s9  }
0x27: {  	s1 =	sld [smem:$0x3FA5]  }
0x28: {  	s2 =	sld [smem:$0x3FA6]  }
0x29: {  	s4 =	sld [smem:$0x3FA8]  }
0x2a: {  	p0 =	seq.s32 s5, $0x0;
	s5 =	sld [smem:$0x3FA9]  }
0x2b: {  	s6 =	sld [smem:$0x3FAA]  }
0x2c: {  	s7 =	sld [smem:$0x3FAB]  }
0x2d: {  	s3 =	simm.s32 $0x108;
	s8 =	sld [smem:$0x3FAC]  }
0x2e: {  	s3 =	simm.s32 @!p0 $0x1082;
	s9 =	sld [smem:$0x3FAD]  }
0x2f: {  	lr =	sadd.s32 s0, s3;
	s0 =	sld [smem:$0x3FA4]  }
0x30: {  	s3 =	sld [smem:$0x3FA7]  }
0x31: {  	[smem:$0x3FB0] =	sst s10  }
0x32: {  	s10 =	sld [smem:$0x3FAE];
	_ =	sdelay $0x3  }
0x33: {  	p0 =	seq.s32 s10, $0x1;
	s10 =	sld [smem:$0x3FB0];
	_ =	sdelay $0x3  }
0x34: {  	[smem:$0x3FB0] =	sst s10  }
0x35: {  	s10 =	sld [smem:$0x3FAF];
	_ =	sdelay $0x3  }
0x36: {  	p1 =	seq.s32 s10, $0x1;
	s10 =	sld [smem:$0x3FB0];
	_ =	sdelay $0x3  }
0x37: {  	[smem:$0x3FB0] =	sst s10  }
0x38: {  	s10 =	sld [smem:$0x3FB1]  }
0x39: {  	_ = 	snop;
	(pc) =	sbr.ind lr, $3  }
0x3a: {  	_ = 	snop  }
0x3b: {  	_ = 	snop  }
0x3c: {  	p2 =	seq.s32 s10, $0x1;
	s10 =	sld [smem:$0x3FB0]  }
0x3d: {  	_ =	shalt  }
0x3e: {  	_ =	shalt  }
0x3f: {  	_ =	shalt  }
0x40: {  	_ =	shalt  }
0x41: {  	_ =	shalt  }
0x42: {  	_ =	shalt  }
0x43: {  	_ =	shalt  }
0x44: {  	_ =	shalt  }
0x45: {  	_ =	shalt  }
0x46: {  	_ =	shalt  }
0x47: {  	_ =	shalt  }
0x48: {  	_ =	shalt  }
0x49: {  	_ =	shalt  }
0x4a: {  	_ =	shalt  }
0x4b: {  	_ =	shalt  }
0x4c: {  	_ =	shalt  }
0x4d: {  	_ =	shalt  }
0x4e: {  	_ =	shalt  }
0x4f: {  	_ =	shalt  }
0x50: {  	_ =	shalt  }
0x51: {  	_ =	shalt  }
0x52: {  	_ =	shalt  }
0x53: {  	_ =	shalt  }
0x54: {  	_ =	shalt  }
0x55: {  	_ =	shalt  }
0x56: {  	_ =	shalt  }
0x57: {  	_ =	shalt  }
0x58: {  	_ =	shalt  }
0x59: {  	_ =	shalt  }
0x5a: {  	_ =	shalt  }
0x5b: {  	_ =	shalt  }
0x5c: {  	_ =	shalt  }
0x5d: {  	_ =	shalt  }
0x5e: {  	_ =	shalt  }
0x5f: {  	_ =	shalt  }
0x60: {  	_ =	shalt  }
0x61: {  	_ =	shalt  }
0x62: {  	_ =	shalt  }
0x63: {  	_ =	shalt  }
0x64: {  	_ =	shalt  }
0x65: {  	_ =	shalt  }
0x66: {  	_ =	shalt  }
0x67: {  	_ =	shalt  }
0x68: {  	_ =	shalt  }
0x69: {  	_ =	shalt  }
0x6a: {  	_ =	shalt  }
0x6b: {  	_ =	shalt  }
0x6c: {  	_ =	shalt  }
0x6d: {  	_ =	shalt  }
0x6e: {  	_ =	shalt  }
0x6f: {  	_ =	shalt  }
0x70: {  	_ =	shalt  }
0x71: {  	_ =	shalt  }
0x72: {  	_ =	shalt  }
0x73: {  	_ =	shalt  }
0x74: {  	_ =	shalt  }
0x75: {  	_ =	shalt  }
0x76: {  	_ =	shalt  }
0x77: {  	_ =	shalt  }
0x78: {  	_ =	shalt  }
0x79: {  	_ =	shalt  }
0x7a: {  	_ =	shalt  }
0x7b: {  	_ =	shalt  }
0x7c: {  	_ =	shalt  }
0x7d: {  	_ =	shalt  }
0x7e: {  	_ =	shalt  }
0x7f: {  	_ =	shalt  }
0x80: {  	_ =	shalt  }
0x81: {  	_ =	shalt  }
0x82: {  	_ =	shalt  }
0x83: {  	_ =	shalt  }
0x84: {  	_ =	shalt  }
0x85: {  	_ =	shalt  }
0x86: {  	_ =	shalt  }
0x87: {  	_ =	shalt  }
.Lfunc_end0:
.L_simem_size_0:
called_computation_lowered:
.L_overlay_start_0:
0x88: {  	s2 =	sld [smem:$0x3FD9]  }
0x89: {  	s3 =	sld [smem:$0x3FFE];
	_ =	sdelay $0x1  }
0x8a: {  	s1 =	srdreg.scid  }
0x8b: {  	s0 =	sand.u32 $0x1, s1  }
0x8c: {  	s14 =	sshll.u32 s0, $0xA;
	s2 =	sadd.s32 s3, s2  }
0x8d: {  	s2 =	sadd.s32 s2, s14  }
0x8e: {  	[smem:$0x3FBC] =	sst s2  }
0x8f: {  	_ = 	snop  }
0x90: {  	s2 =	sld [smem:$0x3FD0];
	_ =	sdelay $0x2  }
0x91: {  	s15 =	simm.s32 $0xA;
	s4 =	simm.s32 $0x10  }
0x92: {  	[smem:s4], [sflag:s15] =	dma.local [hbm:s2], $0x1  }
0x93: {  	_ =	swait.eq [sflag:s15], $0x1  }
0x94: {  	[sflag:s15] =	ssyncset.done $0x0  }
0x95: {  	[sflag:s15] =	ssyncadd.s32 $0xFFFFFFFF  }
0x96: {  	s16 =	sld [smem:$0x12];
	(tm) =	ssettm $0x1  }
0x97: {  	s17 =	sld [smem:$0x3FFB];
	_ =	sdelay $0x3  }
0x98: {  	_ =	strace s17  }
0x99: {  	s3 =	sld [smem:$0x3FFC];
	_ =	sdelay $0x3  }
0x9a: {  	_ =	strace s3  }
0x9b: {  	s3 =	sld [smem:$0x3FFD];
	_ =	sdelay $0x3  }
0x9c: {  	_ =	strace s3  }
0x9d: {  	_ =	strace $0x8FFFFFFF  }
0x9e: {  	s18 =	sld [smem:$0x3FDB];
	_ =	sdelay $0x1  }
0x9f: {  	s19 =	simm.s32 $_scs_section_size  }
0xa0: {  	s5 =	simm.s32 $_size__tile_overlayer_lowered;
	s6 =	simm.s32 $_tile_overlayer_lowered  }
0xa1: {  	s22 =	simm.s32 $0x1BFF;
	s21 =	sshll.u32 s6, $0x1;
	s3 =	sadd.s32 s19, s18  }
0xa2: {  	s7 =	simm.s32 $0x0;
	s20 =	sshll.u32 s5, $0x1;
	s5 =	sadd.s32 s21, s3  }
0xa3: {  	[timem:s7], [sflag:s22] =	dma.local [hbm:s5], s20  }
0xa4: {  	_ =	swait.ge [sflag:s22], s20  }
0xa5: {  	s4 =	ssub.s32 $0x0, s20;
	[sflag:s22] =	ssyncset.done $0x0  }
0xa6: {  	[sflag:s22] =	ssyncadd.s32 s4;
	_ =	sdelay $0x1  }
0xa7: {  	s23 =	simm.s32 $0x1B8B  }
0xa8: {  	_ =	swait.ge [sflag:s23], $0x1  }
0xa9: {  	[sflag:s23] =	ssyncset.done $0x0  }
0xaa: {  	s25 =	simm.s32 $0x1B8E;
	s24 =	sld [smem:$0x3FFE];
	[sflag:s23] =	ssyncadd.s32 $0xFFFFFFFF  }
0xab: {  	s26 =	simm.s32 $execute0_lowered;
	[smem:$0x3FD2] =	sst s25  }
0xac: {  	s5 =	sshll.u32 s26, $0x1;
	_ =	strace $0x80000046;
	[dreg:$0x1] =	wrdreg $0xFFFFFFFF  }
0xad: {  	s28 =	simm.s32 $_size_execute0_lowered;
	s3 =	sadd.s32 s3, s5;
	[dreg:$0x0] =	wrdreg $0x0  }
0xae: {  	s5 =	sshll.u32 s28, $0x1;
	[dreg:$0x2] =	wrdreg s3  }
0xaf: {  	[dreg:$0x3] =	wrdreg s5  }
0xb0: {  	[dreg:$0x4] =	wrdreg $0xC0  }
0xb1: {  	_ =	task [dreg:s7], $0x5FFFF  }
0xb2: {  	[dreg:$0x1] =	wrdreg $0xFFFFFFFF  }
0xb3: {  	[dreg:$0x0] =	wrdreg $0x60  }
0xb4: {  	[dreg:$0x2] =	wrdreg s24  }
0xb5: {  	[dreg:$0x3] =	wrdreg s16  }
0xb6: {  	[dreg:$0x4] =	wrdreg $0x3C800  }
0xb7: {  	[dreg:$0x5] =	wrdreg $0x9  }
0xb8: {  	_ =	task.clear_ibuf [dreg:s7], $0x6FFFF;
	_ =	strace $0x90000046  }
0xb9: {  	s29 =	simm.s32 $0x9;
	_ =	strace $0x80000048  }
0xba: {  	_ =	swait.ge [sflag:s29], $0x1  }
0xbb: {  	[sflag:s29] =	ssyncadd.s32 $0xFFFFFFFF  }
0xbc: {  	_ =	strace $0x90000048  }
0xbd: {  	_ =	sfence  }
0xbe: {  	s30 =	sld [smem:$0x0];
	_ =	sdelay $0x2  }
0xbf: {  	s31 =	sshll.u32 s1, $0xD;
	s1 =	sshrl.u32 s1, $0x2  }
0xc0: {  	s3 =	sand.u32 $0x4000, s31;
	s1 =	sadd.s32 s1, s30  }
0xc1: {  	s0 =	sor.u32 s3, s0;
	s1 =	sshll.u32 s1, $0x11  }
0xc2: {  	s0 =	sor.u32 s1, s0  }
0xc3: {  	s0 =	sadd.s32 $0x8F2B, s0  }
0xc4: {  	[sflag:s0] =	ssyncadd.remote.s32 $0x1  }
0xc5: {  	_ =	sfence.sel $0xFFFF  }
0xc6: {  	[dreg:$0x0] =	wrdreg $0xFFFFFFFF;
	(pc) =	sbr.abs _section_cstart, $3  }
0xc7: {  	[dreg:$0x1] =	wrdreg $0xFFFFFFFF  }
0xc8: {  	_ =	task.clear_ibuf [dreg:s7], $0x2FFFF;
	_ =	strace $0x9FFFFFFF  }
0xc9: {  	(tm) =	ssettm $0x7FFFFFFF  }
tec
execute0_lowered:
.L_overlay_start_1:
0x0: {  	(tag) =	ssettag $0x1  }
0x1: {  	s4 =	rddreg [dreg:$0x0]  }
0x2: {  	s6 =	rddreg [dreg:$0x1];
	s1 =	stileid.u32  }
0x3: {  	s2 =	rddreg [dreg:$0x2];
	s5 =	smul.u32 $0x780, s1  }
0x4: {  	s0 =	rddreg [dreg:$0x3];
	s3 =	simm.s32 $0x0;
	s8 =	smul.u32 $0x280, s1  }
0x5: {  	s7 =	srdreg.scid;
	s19 =	simm.s32 $0x80;
	s11 =	smul.u32 $0x5, s1  }
0x6: {  	[smem:$0x7FF] =	sst s3;
	s7 =	sand.u32 $0x1, s7;
	s10 =	smul.u32 $0xA0, s1  }
0x7: {  	s28 =	smul.u32 $0xA00, s1;
	_ =	strace $0x80000047;
	s9 =	ssub.s32 $0x2, s7  }
0x8: {  	p0 =	seq.s32 s7, $0x1;
	s7 =	sshll.u32 s7, $0x4;
	s5 =	sadd.s32 s5, s4  }
0x9: {  	s8 =	sadd.s32 s8, s4;
	s26 =	sshrl.u32 s9, $0x1;
	s16 =	sadd.s32 s6, s7  }
0xa: {  	s12 =	sadd.s32 $0x1, s11;
	s14 =	sadd.s32 $0x2, s11;
	s15 =	sadd.s32 $0x3, s11  }
0xb: {  	s17 =	sadd.s32 $0x4, s11;
	s9 =	ssub.s32 s9, s26;
	s4 =	sadd.s32 $0x5400, s5  }
0xc: {  	s5 =	sadd.s32 $0xCC00, s8;
	s6 =	sadd.s32 s10, s16;
	s8 =	sshrl.u32 s28, $0x2  }
0xd: {  	s29 =	sshll.u32 s12, $0x7;
	s30 =	sshll.u32 s14, $0x7;
	s31 =	sshll.u32 s15, $0x7  }
0xe: {  	s13 =	sshll.u32 s17, $0x7;
	s18 =	sshll.u32 s12, $0x5;
	s14 =	sshll.u32 s14, $0x5  }
.Ltmp0:
0xf: {  	s15 =	sshll.u32 s15, $0x5;
	s17 =	sshll.u32 s17, $0x5;
	(pc) =	sbr.rel .LBB2_1-.Ltmp0, $4  }
0x10: {  	s7 =	smax.u32 s9, $0x1;
	s8 =	sadd.s32 s8, s2;
	s9 =	sadd.s32 s29, s2  }
0x11: {  	s10 =	sadd.s32 s30, s2;
	s11 =	sadd.s32 s31, s2;
	s12 =	sadd.s32 s13, s2  }
0x12: {  	s13 =	sadd.s32 s18, s16;
	s14 =	sadd.s32 s14, s16;
	s15 =	sadd.s32 s15, s16  }
0x13: {  	v0 =	vimm.f32 $0.0e+00;
	v1 =	vimm.f32 $1.000000000e+00;
	s16 =	sadd.s32 s17, s16;
	s17 =	simm.s32 $0x3C00;
	s18 =	simm.s32 $0x1  }
.LBB2_7:
0x14: {  	[sflag:s18] =	ssyncadd.s32 $0xFFFFFF80  }
.LBB2_8:
0x15: {  	s20 =	sshll.u32 s1, $0x6  }
0x16: {  	[bflag:$0x0] =	sbarrier.arrive $0xFFFF;
	s21 =	sshrl.u32 s8, $0x3;
	s20 =	sor.u32 $0x1C01, s20  }
0x17: {  	[hbm:s6], [sflag:s20] =	dma.local [spmem:s21], $0x10  }
0x18: {  	_ =	swait.ge [sflag:s18], $0x10  }
0x19: {  	[sflag:s18] =	ssyncset.done $0x0  }
0x1a: {  	s28 =	sshrl.u32 s9, $0x3;
	[sflag:s18] =	ssyncadd.s32 $0xFFFFFFF0  }
0x1b: {  	[hbm:s13], [sflag:s20] =	dma.local [spmem:s28], $0x10  }
0x1c: {  	_ =	swait.ge [sflag:s18], $0x10  }
0x1d: {  	[sflag:s18] =	ssyncset.done $0x0  }
0x1e: {  	s29 =	sshrl.u32 s10, $0x3;
	[sflag:s18] =	ssyncadd.s32 $0xFFFFFFF0  }
0x1f: {  	[hbm:s14], [sflag:s20] =	dma.local [spmem:s29], $0x10  }
0x20: {  	_ =	swait.ge [sflag:s18], $0x10  }
0x21: {  	[sflag:s18] =	ssyncset.done $0x0  }
0x22: {  	s30 =	sshrl.u32 s11, $0x3;
	[sflag:s18] =	ssyncadd.s32 $0xFFFFFFF0  }
0x23: {  	[hbm:s15], [sflag:s20] =	dma.local [spmem:s30], $0x10  }
0x24: {  	s3 =	sadd.s32 $0x1, s3;
	_ =	swait.ge [sflag:s18], $0x10  }
0x25: {  	p1 =	sne.s32 s3, s7;
	[sflag:s18] =	ssyncset.done $0x0  }
.Ltmp1:
0x26: {  	s31 =	sshrl.u32 s12, $0x3;
	[sflag:s18] =	ssyncadd.s32 $0xFFFFFFF0;
	(pc) =	sbr.rel @!p1 .LBB2_9-.Ltmp1, $4  }
0x27: {  	[hbm:s16], [sflag:s20] =	dma.local [spmem:s31], $0x10  }
0x28: {  	_ =	swait.ge [sflag:s18], $0x10  }
0x29: {  	[sflag:s18] =	ssyncset.done $0x0  }
0x2a: {  	[sflag:s18] =	ssyncadd.s32 $0xFFFFFFF0  }
.LBB2_1:
0x2b: {  	[tilespmem:$0x3C00] =	vst v0  }
0x2c: {  	[tilespmem:$0x3C10] =	vst v0  }
0x2d: {  	[tilespmem:$0x3C20] =	vst v0  }
0x2e: {  	[tilespmem:$0x3C30] =	vst v0  }
0x2f: {  	[tilespmem:$0x3C40] =	vst v0  }
0x30: {  	[tilespmem:$0x3C50] =	vst v0  }
0x31: {  	[tilespmem:$0x3C60] =	vst v0  }
0x32: {  	[tilespmem:$0x3C70] =	vst v0  }
0x33: {  	[spmem:s8] =	stream.linear.scatter [tilespmem:s17], [sflag:$0x1], $0x80, $0x38;
	[tilespmem:$0x3F00] =	vst v63  }
0x34: {  	_ =	swait.ge [sflag:s18], $0x80  }
0x35: {  	[sflag:s18] =	ssyncset.done $0x0  }
0x36: {  	[sflag:s18] =	ssyncadd.s32 $0xFFFFFF80  }
0x37: {  	[spmem:s9] =	stream.linear.scatter [tilespmem:s17], [sflag:$0x1], $0x80, $0x38;
	[tilespmem:$0x3F00] =	vst v63  }
0x38: {  	_ =	swait.ge [sflag:s18], $0x80  }
0x39: {  	[sflag:s18] =	ssyncset.done $0x0  }
0x3a: {  	[sflag:s18] =	ssyncadd.s32 $0xFFFFFF80  }
0x3b: {  	[spmem:s10] =	stream.linear.scatter [tilespmem:s17], [sflag:$0x1], $0x80, $0x38;
	[tilespmem:$0x3F00] =	vst v63  }
0x3c: {  	_ =	swait.ge [sflag:s18], $0x80  }
0x3d: {  	[sflag:s18] =	ssyncset.done $0x0  }
0x3e: {  	[sflag:s18] =	ssyncadd.s32 $0xFFFFFF80  }
0x3f: {  	[spmem:s11] =	stream.linear.scatter [tilespmem:s17], [sflag:$0x1], $0x80, $0x38;
	[tilespmem:$0x3F00] =	vst v63  }
0x40: {  	_ =	swait.ge [sflag:s18], $0x80  }
0x41: {  	[sflag:s18] =	ssyncset.done $0x0  }
0x42: {  	[sflag:s18] =	ssyncadd.s32 $0xFFFFFF80  }
0x43: {  	[spmem:s12] =	stream.linear.scatter [tilespmem:s17], [sflag:$0x1], $0x80, $0x38;
	[tilespmem:$0x3F00] =	vst v63  }
0x44: {  	_ =	swait.ge [sflag:s18], $0x80  }
0x45: {  	[sflag:s18] =	ssyncset.done $0x0  }
0x46: {  	[sflag:s18] =	ssyncadd.s32 $0xFFFFFF80  }
0x47: {  	[bflag:$0x0] =	sbarrier.arrive $0xFFFF  }
0x48: {  	[tilespmem:$0x3C00] =	vst v1  }
0x49: {  	[tilespmem:$0x3C10] =	vst v1  }
0x4a: {  	[tilespmem:$0x3C20] =	vst v1  }
.Ltmp2:
0x4b: {  	[tilespmem:$0x3C30] =	vst v1;
	(pc) =	sbr.rel @!p0 .LBB2_2-.Ltmp2, $4  }
0x4c: {  	[tilespmem:$0x3C40] =	vst v1  }
0x4d: {  	[tilespmem:$0x3C50] =	vst v1  }
0x4e: {  	[tilespmem:$0x3C60] =	vst v1  }
0x4f: {  	s20 =	simm.s32 $0x0;
	[tilespmem:$0x3C70] =	vst v1  }
0x50: {  	[tilespmem:s20], [sflag:$0x1] =	stream.linear.gather [hbm4b:s5+s20], $0x1400, $0x38;
	[tilespmem:$0x3F00] =	vst v63  }
0x51: {  	_ =	swait.ge [sflag:s18], $0x1400  }
0x52: {  	[sflag:s18] =	ssyncset.done $0x0  }
0x53: {  	s31 =	simm.s32 $0x0;
	[sflag:s18] =	ssyncadd.s32 $0xFFFFEC00  }
0x54: {  	[spmem:s2] =	stream.indirect.scatter.add.f32 [tilespmem:s17], [sflag:$0x1], $0x1, s31, s19, $0xb8;
	[tilespmem:$0x3F00] =	vst v63  }
0x55: {  	_ =	swait.ge [sflag:s18], $0x80  }
0x56: {  	s20 =	simm.s32 $0x200;
	[sflag:s18] =	ssyncset.done $0x0  }
.LBB2_6:
0x57: {  	s21 =	sshra.s32 s20, $0x2;
	[sflag:s18] =	ssyncadd.s32 $0xFFFFFF80;
	p1 =	sne.s32 s20, $0x4E00  }
0x58: {  	[spmem:s2] =	stream.indirect.scatter.add.f32 [tilespmem:s17], [sflag:$0x1], $0x1, s21, s19, $0xb8;
	[tilespmem:$0x3F00] =	vst v63  }
.Ltmp3:
0x59: {  	_ = 	snop;
	(pc) =	sbr.rel @p1 .LBB2_6-.Ltmp3, $4  }
0x5a: {  	_ = 	snop  }
0x5b: {  	s20 =	sadd.s32 $0x200, s20  }
0x5c: {  	_ =	swait.ge [sflag:s18], $0x80  }
0x5d: {  	[sflag:s18] =	ssyncset.done $0x0  }
.Ltmp4:
0x5e: {  	_ = 	snop;
	(pc) =	sbr.rel .LBB2_7-.Ltmp4, $1  }
0x5f: {  	_ =	sdelay $0x3  }
.LBB2_2:
0x60: {  	[tilespmem:s20], [sflag:$0x1] =	stream.linear.gather [hbm4b:s4+s20], $0x3C00, $0x38;
	[tilespmem:$0x3F00] =	vst v63  }
0x61: {  	_ =	swait.ge [sflag:s18], $0x3C00  }
0x62: {  	[sflag:s18] =	ssyncset.done $0x0  }
0x63: {  	s31 =	simm.s32 $0x0;
	[sflag:s18] =	ssyncadd.s32 $0xFFFFC400  }
0x64: {  	[spmem:s2] =	stream.indirect.scatter.add.f32 [tilespmem:s17], [sflag:$0x1], $0x1, s31, s19, $0xb8;
	[tilespmem:$0x3F00] =	vst v63  }
0x65: {  	_ =	swait.ge [sflag:s18], $0x80  }
0x66: {  	s20 =	simm.s32 $0x200;
	[sflag:s18] =	ssyncset.done $0x0  }
.LBB2_3:
0x67: {  	s21 =	sshra.s32 s20, $0x2;
	[sflag:s18] =	ssyncadd.s32 $0xFFFFFF80;
	p1 =	seq.s32 s20, $0xEE00  }
0x68: {  	[spmem:s2] =	stream.indirect.scatter.add.f32 [tilespmem:s17], [sflag:$0x1], $0x1, s21, s19, $0xb8;
	[tilespmem:$0x3F00] =	vst v63  }
.Ltmp5:
0x69: {  	_ = 	snop;
	(pc) =	sbr.rel @!p1 .LBB2_3-.Ltmp5, $4  }
0x6a: {  	_ = 	snop  }
0x6b: {  	s20 =	sadd.s32 $0x200, s20  }
0x6c: {  	_ =	swait.ge [sflag:s18], $0x80  }
0x6d: {  	[sflag:s18] =	ssyncset.done $0x0  }
.Ltmp6:
0x6e: {  	(pc) =	sbr.rel .LBB2_8-.Ltmp6, $2  }
0x6f: {  	_ =	sdelay $0x2  }
0x70: {  	[sflag:s18] =	ssyncadd.s32 $0xFFFFFF80  }
.LBB2_9:
0x71: {  	_ =	sfence.sel $0x180000  }
0x72: {  	[bflag:$0x0] =	sbarrier.arrive $0xFFFF  }
0x73: {  	p0 =	sne.s32 s1, $0x0;
	_ =	strace $0x90000047  }
0x74: {  	s0 =	sadd.s32 @!p0 $0x100000, s0;
	[bflag:$0x2] =	sbarrier.arrive $0xFFFF  }
0x75: {  	[sflag:s0] =	ssyncadd.tile.s32 @!p0 $0x1;
	_ =	shalt  }
.Lfunc_end2:
_tile_overlayer_lowered:
.L_overlay_start_2:
0x76: {  	(tag) =	ssettag $0x2  }
0x77: {  	s0 =	rddreg [dreg:$0x0];
	s2 =	stileid.u32  }
0x78: {  	s1 =	rddreg [dreg:$0x1];
	p0 =	sne.s32 s2, $0x0  }
0x79: {  	s3 =	rddreg [dreg:$0x2];
	[bflag:$0x3] =	sbarrier.arrive $0xFFFF;
	s2 =	simm.s32 @!p0 $0x1C01  }
0x7a: {  	[timem:s3], [sflag:s2] =	dma.local @!p0 [hbm:s0], s1  }
0x7b: {  	s0 =	simm.s32 @!p0 $0x1  }
0x7c: {  	_ =	swait.ge @!p0 [sflag:s0], s1  }
0x7d: {  	s1 =	ssub.s32 @!p0 $0x0, s1;
	[sflag:s0] =	ssyncset.done @!p0 $0x0  }
0x7e: {  	[sflag:s0] =	ssyncadd.s32 @!p0 s1  }
0x7f: {  	[bflag:$0x3] =	sbarrier.arrive $0xFFFF  }
0x80: {  	_ =	shalt  }

// kernel: kernel.16.cloned.1.call-start
scs
__scs_entry_jumppad:
0x0: {  	(pc) =	sbr.rel $0x88, $3  }
0x1: {  	(tag) =	ssettag $0x0;
	lr =	simm.s32 $0x1  }
0x2: {  	[smem:$0x3F95] =	sst lr;
	_ =	strace $0xD0000000  }
0x3: {  	_ = 	snop  }
0x4: {  	_ = 	snop  }
0x5: {  	_ = 	snop  }
0x6: {  	_ = 	snop  }
0x7: {  	_ = 	snop  }
__scs_overlays_trampoline_lowered:
0x8: {  	[smem:$0x3FA4] =	sst s0  }
0x9: {  	[smem:$0x3FA5] =	sst s1  }
0xa: {  	[smem:$0x3FA6] =	sst s2  }
0xb: {  	[smem:$0x3FA7] =	sst s3  }
0xc: {  	[smem:$0x3FA8] =	sst s4  }
0xd: {  	[smem:$0x3FA9] =	sst s5  }
0xe: {  	[smem:$0x3FAA] =	sst s6  }
0xf: {  	[smem:$0x3FAB] =	sst s7  }
0x10: {  	[smem:$0x3FAC] =	sst s8  }
0x11: {  	[smem:$0x3FAD] =	sst s9;
	s0 =	simm.s32 @!p0 $0x0  }
0x12: {  	s1 =	sld [smem:$0x3F93];
	s0 =	simm.s32 @p0 $0x1  }
0x13: {  	[smem:$0x3FAE] =	sst s0;
	s0 =	simm.s32 @!p1 $0x0  }
0x14: {  	s2 =	sld [smem:$0x3F92];
	s0 =	simm.s32 @p1 $0x1  }
0x15: {  	[smem:$0x3FAF] =	sst s0;
	s0 =	simm.s32 @!p2 $0x0  }
0x16: {  	s3 =	sld [smem:$0x3FDB];
	s0 =	simm.s32 @p2 $0x1  }
0x17: {  	s4 =	simm.s32 $0x1BF5;
	[smem:$0x3FB1] =	sst s0  }
0x18: {  	s0 =	sld [smem:$0x3F94];
	_ =	swait.ge [sflag:s4], $0x0  }
0x19: {  	s7 =	sld [smem:$0x3F95]  }
0x1a: {  	s8 =	sadd.s32 $0xFFFFE003, lr  }
0x1b: {  	s9 =	sadd.s32 $0xFFFFFEF7, lr;
	s5 =	simm.s32 $0xFFFFFFFF;
	p2 =	slt.u32 s8, $0xFFFFF086  }
0x1c: {  	p1 =	slt.u32 s9, $0xF7A;
	s5 =	simm.s32 @!p2 $0x0  }
0x1d: {  	s5 =	simm.s32 @p1 $0x1;
	p0 =	seq.s32 s7, s2  }
0x1e: {  	s7 =	smul.u32 @!p0 $0xF7A, s2;
	p2 =	seq.s32 @!p0 s5, $0x0  }
0x1f: {  	s9 =	smul.u32 $0xF7A, s1;
	s8 =	simm.s32 @!p0 $0x1BF5;
	p2 =	por !p2, p0  }
0x20: {  	[sflag:s8] =	ssyncset.s32 @!p0 $0xFFFFF086;
	s6 =	sadd.s32 @!p0 s3, s7;
	s7 =	simm.s32 @!p0 $0x108  }
0x21: {  	s3 =	sadd.s32 s3, s9;
	s6 =	sadd.s32 @!p0 $0x88, s6;
	s7 =	simm.s32 @p2 $0x1082  }
0x22: {  	[simem:s7], [sflag:s8] =	dma.local @!p0 [hbm:s6], $0xF7A  }
0x23: {  	s9 =	sor.u32 $0xD0000000, s2;
	s6 =	simm.s32 $0x108;
	_ =	swait.ge @!p0 [sflag:s8], $0x0  }
0x24: {  	s3 =	sadd.s32 $0x88, s3;
	s6 =	simm.s32 @!p1 $0x1082;
	[sflag:s4] =	ssyncset.s32 $0xFFFFF086  }
0x25: {  	[simem:s6], [sflag:s4] =	dma.local [hbm:s3], $0xF7A  }
0x26: {  	[smem:$0x3F95] =	sst s1;
	(tag) =	ssettag s2;
	_ =	strace s9  }
0x27: {  	s1 =	sld [smem:$0x3FA5]  }
0x28: {  	s2 =	sld [smem:$0x3FA6]  }
0x29: {  	s4 =	sld [smem:$0x3FA8]  }
0x2a: {  	p0 =	seq.s32 s5, $0x0;
	s5 =	sld [smem:$0x3FA9]  }
0x2b: {  	s6 =	sld [smem:$0x3FAA]  }
0x2c: {  	s7 =	sld [smem:$0x3FAB]  }
0x2d: {  	s3 =	simm.s32 $0x108;
	s8 =	sld [smem:$0x3FAC]  }
0x2e: {  	s3 =	simm.s32 @!p0 $0x1082;
	s9 =	sld [smem:$0x3FAD]  }
0x2f: {  	lr =	sadd.s32 s0, s3;
	s0 =	sld [smem:$0x3FA4]  }
0x30: {  	s3 =	sld [smem:$0x3FA7]  }
0x31: {  	[smem:$0x3FB0] =	sst s10  }
0x32: {  	s10 =	sld [smem:$0x3FAE];
	_ =	sdelay $0x3  }
0x33: {  	p0 =	seq.s32 s10, $0x1;
	s10 =	sld [smem:$0x3FB0];
	_ =	sdelay $0x3  }
0x34: {  	[smem:$0x3FB0] =	sst s10  }
0x35: {  	s10 =	sld [smem:$0x3FAF];
	_ =	sdelay $0x3  }
0x36: {  	p1 =	seq.s32 s10, $0x1;
	s10 =	sld [smem:$0x3FB0];
	_ =	sdelay $0x3  }
0x37: {  	[smem:$0x3FB0] =	sst s10  }
0x38: {  	s10 =	sld [smem:$0x3FB1]  }
0x39: {  	_ = 	snop;
	(pc) =	sbr.ind lr, $3  }
0x3a: {  	_ = 	snop  }
0x3b: {  	_ = 	snop  }
0x3c: {  	p2 =	seq.s32 s10, $0x1;
	s10 =	sld [smem:$0x3FB0]  }
0x3d: {  	_ =	shalt  }
0x3e: {  	_ =	shalt  }
0x3f: {  	_ =	shalt  }
0x40: {  	_ =	shalt  }
0x41: {  	_ =	shalt  }
0x42: {  	_ =	shalt  }
0x43: {  	_ =	shalt  }
0x44: {  	_ =	shalt  }
0x45: {  	_ =	shalt  }
0x46: {  	_ =	shalt  }
0x47: {  	_ =	shalt  }
0x48: {  	_ =	shalt  }
0x49: {  	_ =	shalt  }
0x4a: {  	_ =	shalt  }
0x4b: {  	_ =	shalt  }
0x4c: {  	_ =	shalt  }
0x4d: {  	_ =	shalt  }
0x4e: {  	_ =	shalt  }
0x4f: {  	_ =	shalt  }
0x50: {  	_ =	shalt  }
0x51: {  	_ =	shalt  }
0x52: {  	_ =	shalt  }
0x53: {  	_ =	shalt  }
0x54: {  	_ =	shalt  }
0x55: {  	_ =	shalt  }
0x56: {  	_ =	shalt  }
0x57: {  	_ =	shalt  }
0x58: {  	_ =	shalt  }
0x59: {  	_ =	shalt  }
0x5a: {  	_ =	shalt  }
0x5b: {  	_ =	shalt  }
0x5c: {  	_ =	shalt  }
0x5d: {  	_ =	shalt  }
0x5e: {  	_ =	shalt  }
0x5f: {  	_ =	shalt  }
0x60: {  	_ =	shalt  }
0x61: {  	_ =	shalt  }
0x62: {  	_ =	shalt  }
0x63: {  	_ =	shalt  }
0x64: {  	_ =	shalt  }
0x65: {  	_ =	shalt  }
0x66: {  	_ =	shalt  }
0x67: {  	_ =	shalt  }
0x68: {  	_ =	shalt  }
0x69: {  	_ =	shalt  }
0x6a: {  	_ =	shalt  }
0x6b: {  	_ =	shalt  }
0x6c: {  	_ =	shalt  }
0x6d: {  	_ =	shalt  }
0x6e: {  	_ =	shalt  }
0x6f: {  	_ =	shalt  }
0x70: {  	_ =	shalt  }
0x71: {  	_ =	shalt  }
0x72: {  	_ =	shalt  }
0x73: {  	_ =	shalt  }
0x74: {  	_ =	shalt  }
0x75: {  	_ =	shalt  }
0x76: {  	_ =	shalt  }
0x77: {  	_ =	shalt  }
0x78: {  	_ =	shalt  }
0x79: {  	_ =	shalt  }
0x7a: {  	_ =	shalt  }
0x7b: {  	_ =	shalt  }
0x7c: {  	_ =	shalt  }
0x7d: {  	_ =	shalt  }
0x7e: {  	_ =	shalt  }
0x7f: {  	_ =	shalt  }
0x80: {  	_ =	shalt  }
0x81: {  	_ =	shalt  }
0x82: {  	_ =	shalt  }
0x83: {  	_ =	shalt  }
0x84: {  	_ =	shalt  }
0x85: {  	_ =	shalt  }
0x86: {  	_ =	shalt  }
0x87: {  	_ =	shalt  }
.Lfunc_end0:
.L_simem_size_0:
called_computation.1_lowered:
.L_overlay_start_0:
0x88: {  	s2 =	sld [smem:$0x3FD9]  }
0x89: {  	s3 =	sld [smem:$0x3FFE];
	_ =	sdelay $0x1  }
0x8a: {  	s1 =	srdreg.scid  }
0x8b: {  	s0 =	sand.u32 $0x1, s1  }
0x8c: {  	s14 =	sshll.u32 s0, $0xA;
	s2 =	sadd.s32 s3, s2  }
0x8d: {  	s2 =	sadd.s32 s2, s14  }
0x8e: {  	[smem:$0x3FBC] =	sst s2  }
0x8f: {  	_ = 	snop  }
0x90: {  	s2 =	sld [smem:$0x3FD0];
	_ =	sdelay $0x2  }
0x91: {  	s15 =	simm.s32 $0xA;
	s4 =	simm.s32 $0x10  }
0x92: {  	[smem:s4], [sflag:s15] =	dma.local [hbm:s2], $0x1  }
0x93: {  	_ =	swait.eq [sflag:s15], $0x1  }
0x94: {  	[sflag:s15] =	ssyncset.done $0x0  }
0x95: {  	s16 =	sld [smem:$0x10];
	[sflag:s15] =	ssyncadd.s32 $0xFFFFFFFF  }
0x96: {  	s17 =	sld [smem:$0x11];
	(tm) =	ssettm $0x1  }
0x97: {  	s18 =	sld [smem:$0x3FFB];
	_ =	sdelay $0x3  }
0x98: {  	_ =	strace s18  }
0x99: {  	s4 =	sld [smem:$0x3FFC];
	_ =	sdelay $0x3  }
0x9a: {  	_ =	strace s4  }
0x9b: {  	s4 =	sld [smem:$0x3FFD];
	_ =	sdelay $0x3  }
0x9c: {  	_ =	strace s4  }
0x9d: {  	_ =	strace $0x8FFFFFFF  }
0x9e: {  	s19 =	sld [smem:$0x3FDB];
	_ =	sdelay $0x1  }
0x9f: {  	s5 =	simm.s32 $_scs_section_size  }
0xa0: {  	s6 =	simm.s32 $_size__tile_overlayer_lowered;
	s7 =	simm.s32 $_tile_overlayer_lowered  }
0xa1: {  	s22 =	simm.s32 $0x1BFF;
	s21 =	sshll.u32 s7, $0x1;
	s4 =	sadd.s32 s5, s19  }
0xa2: {  	s8 =	simm.s32 $0x0;
	s20 =	sshll.u32 s6, $0x1;
	s6 =	sadd.s32 s21, s4  }
0xa3: {  	[timem:s8], [sflag:s22] =	dma.local [hbm:s6], s20  }
0xa4: {  	_ =	swait.ge [sflag:s22], s20  }
0xa5: {  	s5 =	ssub.s32 $0x0, s20;
	[sflag:s22] =	ssyncset.done $0x0  }
0xa6: {  	[sflag:s22] =	ssyncadd.s32 s5;
	_ =	sdelay $0x1  }
0xa7: {  	s23 =	simm.s32 $0x1B8B  }
0xa8: {  	_ =	swait.ge [sflag:s23], $0x1  }
0xa9: {  	[sflag:s23] =	ssyncset.done $0x0  }
0xaa: {  	s25 =	simm.s32 $0x1B8E;
	s24 =	sld [smem:$0x3FFE];
	[sflag:s23] =	ssyncadd.s32 $0xFFFFFFFF  }
0xab: {  	s26 =	simm.s32 $execute0_lowered;
	[smem:$0x3FD2] =	sst s25  }
0xac: {  	s6 =	sshll.u32 s26, $0x1;
	_ =	strace $0x80000049;
	[dreg:$0x1] =	wrdreg $0xFFFFFFFF  }
0xad: {  	s28 =	simm.s32 $_size_execute0_lowered;
	s4 =	sadd.s32 s4, s6;
	[dreg:$0x0] =	wrdreg $0x0  }
0xae: {  	s6 =	sshll.u32 s28, $0x1;
	[dreg:$0x2] =	wrdreg s4  }
0xaf: {  	[dreg:$0x3] =	wrdreg s6  }
0xb0: {  	[dreg:$0x4] =	wrdreg $0xC0  }
0xb1: {  	_ =	task [dreg:s8], $0x5FFFF  }
0xb2: {  	[dreg:$0x1] =	wrdreg $0xFFFFFFFF  }
0xb3: {  	[dreg:$0x0] =	wrdreg $0x60  }
0xb4: {  	[dreg:$0x2] =	wrdreg s24  }
0xb5: {  	[dreg:$0x3] =	wrdreg s16  }
0xb6: {  	[dreg:$0x4] =	wrdreg s17  }
0xb7: {  	[dreg:$0x5] =	wrdreg $0xB8000  }
0xb8: {  	[dreg:$0x6] =	wrdreg $0x9  }
0xb9: {  	_ =	task.clear_ibuf [dreg:s8], $0x7FFFF;
	_ =	strace $0x90000049  }
0xba: {  	s29 =	simm.s32 $0x9;
	_ =	strace $0x8000004B  }
0xbb: {  	_ =	swait.ge [sflag:s29], $0x1  }
0xbc: {  	[sflag:s29] =	ssyncadd.s32 $0xFFFFFFFF  }
0xbd: {  	_ =	strace $0x9000004B  }
0xbe: {  	_ =	sfence  }
0xbf: {  	s30 =	sld [smem:$0x0];
	_ =	sdelay $0x2  }
0xc0: {  	s31 =	sshll.u32 s1, $0xD;
	s1 =	sshrl.u32 s1, $0x2  }
0xc1: {  	s3 =	sand.u32 $0x4000, s31;
	s1 =	sadd.s32 s1, s30  }
0xc2: {  	s0 =	sor.u32 s3, s0;
	s1 =	sshll.u32 s1, $0x11  }
0xc3: {  	s0 =	sor.u32 s1, s0  }
0xc4: {  	s0 =	sadd.s32 $0x8F2B, s0  }
0xc5: {  	[sflag:s0] =	ssyncadd.remote.s32 $0x1  }
0xc6: {  	_ =	sfence.sel $0xFFFF  }
0xc7: {  	[dreg:$0x0] =	wrdreg $0xFFFFFFFF;
	(pc) =	sbr.abs _section_cstart, $3  }
0xc8: {  	[dreg:$0x1] =	wrdreg $0xFFFFFFFF  }
0xc9: {  	_ =	task.clear_ibuf [dreg:s8], $0x2FFFF;
	_ =	strace $0x9FFFFFFF  }
0xca: {  	(tm) =	ssettm $0x7FFFFFFF  }
0xcb: {  	_ =	shalt  }
tec
execute0_lowered:
.L_overlay_start_1:
0x0: {  	(tag) =	ssettag $0x1  }
0x1: {  	s5 =	rddreg [dreg:$0x0]  }
0x2: {  	s6 =	rddreg [dreg:$0x1]  }
0x3: {  	s19 =	rddreg [dreg:$0x2]  }
0x4: {  	s2 =	rddreg [dreg:$0x3];
	s1 =	stileid.u32  }
0x5: {  	s3 =	simm.s32 $0x0;
	s8 =	srdreg.scid;
	s7 =	smul.u32 $0x780, s1  }
0x6: {  	s28 =	simm.s32 $0x80;
	s29 =	simm.s32 $0x1;
	s9 =	smul.u32 $0x280, s1  }
0x7: {  	[smem:$0x7FF] =	sst s3;
	s4 =	sadd.s32 $0x11C00, s5;
	s11 =	smul.u32 $0x50000, s1  }
0x8: {  	s8 =	sand.u32 $0x1, s8;
	s14 =	smul.u32 $0x14000, s1;
	_ =	strace $0x8000004A  }
0x9: {  	s26 =	ssub.s32 $0x2, s8;
	s18 =	smul.u32 $0x140000, s8;
	p0 =	seq.s32 s8, $0x1  }
0xa: {  	s10 =	sadd.s32 s7, s5;
	s12 =	sadd.s32 s9, s5;
	s13 =	sshrl.u32 s26, $0x1  }
0xb: {  	s11 =	sshrl.u32 s11, $0x2;
	s0 =	sadd.s32 s6, s7;
	s17 =	sshll.u32 s9, $0x7  }
0xc: {  	s13 =	ssub.s32 s26, s13;
	s5 =	sadd.s32 s11, s2;
	[dreg:$0x5] =	wrdreg s0  }
0xd: {  	s7 =	sadd.s32 $0x5400, s10;
	s30 =	sadd.s32 s18, s14;
	s8 =	sadd.s32 $0xF400, s12  }
0xe: {  	s9 =	sadd.s32 $0xCC00, s12;
	s20 =	sadd.s32 $0x4000, s17;
	s21 =	sadd.s32 $0x8000, s17  }
0xf: {  	s23 =	sadd.s32 $0xC000, s17;
	s25 =	sadd.s32 $0x10000, s17;
	s10 =	sshrl.u32 s30, $0x3  }
0x10: {  	s11 =	smax.u32 s13, $0x1;
	s12 =	sadd.s32 $0x4000, s5;
	s15 =	sadd.s32 s18, s20  }
0x11: {  	s13 =	sadd.s32 $0x8000, s5;
	s14 =	sadd.s32 $0xC000, s5;
	s22 =	sadd.s32 s20, s2  }
0x12: {  	s31 =	sadd.s32 s18, s21;
	s24 =	sadd.s32 s18, s23;
	s6 =	sadd.s32 s18, s25  }
0x13: {  	s26 =	sadd.s32 s21, s2;
	s25 =	sadd.s32 s25, s2;
	s21 =	simm.s32 $0x2  }
0x14: {  	s10 =	sadd.s32 s19, s10;
	s16 =	sshrl.u32 s15, $0x3;
	s15 =	sadd.s32 $0x10000, s5  }
.Ltmp0:
0x15: {  	s20 =	sshrl.u32 s31, $0x3;
	s0 =	sshrl.u32 s24, $0x3;
	(pc) =	sbr.rel .LBB2_1-.Ltmp0, $4  }
0x16: {  	s30 =	sshrl.u32 s6, $0x3;
	s31 =	sadd.s32 s23, s2;
	s22 =	sshrl.u32 s22, $0x3  }
0x17: {  	s23 =	sshrl.u32 s26, $0x3;
	s25 =	sshrl.u32 s25, $0x3;
	s26 =	simm.s32 $0x3C00  }
0x18: {  	s16 =	sadd.s32 s19, s16;
	s17 =	sadd.s32 s19, s20;
	s18 =	sadd.s32 s19, s0  }
0x19: {  	v0 =	vimm.f32 $0.0e+00;
	s19 =	sadd.s32 s19, s30;
	s20 =	simm.s32 $0x7800;
	s24 =	sshrl.u32 s31, $0x3  }
.LBB2_6:
0x1a: {  	s0 =	sshra.s32 s30, $0x2;
	[sflag:s21] =	ssyncadd.s32 $0xFFFFC000  }
0x1b: {  	[tilespmem:s20], [sflag:$0x1] =	stream.indirect.gather [hbm4b:s4+s28], $0x80, s0, s28, $0xb8;
	[tilespmem:$0x1F800] =	vst v63  }
0x1c: {  	_ =	swait.ge [sflag:s29], $0x4000  }
0x1d: {  	[sflag:s29] =	ssyncset.done $0x0  }
0x1e: {  	s0 =	sadd.s32 $0x3C00, s0;
	[sflag:s29] =	ssyncadd.s32 $0xFFFFC000  }
0x1f: {  	[spmem:s2] =	stream.indirect.scatter.add.f32 [tilespmem:s20], [sflag:$0x2], $0x80, s0, s28, $0xb8;
	[tilespmem:$0x1F800] =	vst v63  }
0x20: {  	_ =	swait.ge [sflag:s21], $0x4000  }
0x21: {  	[sflag:s21] =	ssyncset.done $0x0  }
0x22: {  	[sflag:s21] =	ssyncadd.s32 $0xFFFFC000  }
.LBB2_10:
0x23: {  	s0 =	sshll.u32 s1, $0x6  }
0x24: {  	[bflag:$0x0] =	sbarrier.arrive $0xFFFF;
	s6 =	sshrl.u32 s5, $0x3;
	s0 =	sor.u32 $0x1C02, s0  }
0x25: {  	[hbm:s10], [sflag:s0] =	dma.local [spmem:s6], $0x800  }
0x26: {  	_ =	swait.ge [sflag:s21], $0x800  }
0x27: {  	[sflag:s21] =	ssyncset.done $0x0  }
0x28: {  	[sflag:s21] =	ssyncadd.s32 $0xFFFFF800  }
0x29: {  	[hbm:s16], [sflag:s0] =	dma.local [spmem:s22], $0x800  }
0x2a: {  	_ =	swait.ge [sflag:s21], $0x800  }
0x2b: {  	[sflag:s21] =	ssyncset.done $0x0  }
0x2c: {  	[sflag:s21] =	ssyncadd.s32 $0xFFFFF800  }
0x2d: {  	[hbm:s17], [sflag:s0] =	dma.local [spmem:s23], $0x800  }
0x2e: {  	_ =	swait.ge [sflag:s21], $0x800  }
0x2f: {  	[sflag:s21] =	ssyncset.done $0x0  }
0x30: {  	[sflag:s21] =	ssyncadd.s32 $0xFFFFF800  }
0x31: {  	[hbm:s18], [sflag:s0] =	dma.local [spmem:s24], $0x800  }
0x32: {  	s3 =	sadd.s32 $0x1, s3;
	_ =	swait.ge [sflag:s21], $0x800  }
0x33: {  	p1 =	sne.s32 s3, s11;
	[sflag:s21] =	ssyncset.done $0x0  }
.Ltmp1:
0x34: {  	[sflag:s21] =	ssyncadd.s32 $0xFFFFF800;
	(pc) =	sbr.rel @!p1 .LBB2_11-.Ltmp1, $4  }
0x35: {  	[hbm:s19], [sflag:s0] =	dma.local [spmem:s25], $0x800  }
0x36: {  	_ =	swait.ge [sflag:s21], $0x800  }
0x37: {  	[sflag:s21] =	ssyncset.done $0x0  }
0x38: {  	[sflag:s21] =	ssyncadd.s32 $0xFFFFF800  }
.LBB2_1:
0x39: {  	s30 =	simm.s32 $0x0;
	s31 =	simm.s32 $0x200  }
.LBB2_2:
0x3a: {  	p1 =	sne.s32 s31, $0xFE00;
	[tilespmem:s30+$0x7870] =	vst v0  }
0x3b: {  	[tilespmem:s30+$0x7800] =	vst v0  }
0x3c: {  	[tilespmem:s30+$0x7810] =	vst v0  }
.Ltmp2:
0x3d: {  	[tilespmem:s30+$0x7820] =	vst v0;
	(pc) =	sbr.rel @p1 .LBB2_2-.Ltmp2, $4  }
0x3e: {  	[tilespmem:s30+$0x7830] =	vst v0  }
0x3f: {  	[tilespmem:s30+$0x7840] =	vst v0  }
0x40: {  	[tilespmem:s30+$0x7850] =	vst v0  }
0x41: {  	[tilespmem:s30+$0x7860] =	vst v0;
	s30 =	sshra.s32 s31, $0x2;
	s31 =	sadd.s32 $0x200, s31  }
0x42: {  	[tilespmem:s30+$0x7870] =	vst v0  }
0x43: {  	[tilespmem:s30+$0x7800] =	vst v0  }
0x44: {  	[tilespmem:s30+$0x7810] =	vst v0  }
0x45: {  	[tilespmem:s30+$0x7820] =	vst v0  }
0x46: {  	[tilespmem:s30+$0x7830] =	vst v0  }
0x47: {  	[tilespmem:s30+$0x7840] =	vst v0  }
0x48: {  	[tilespmem:s30+$0x7850] =	vst v0  }
0x49: {  	[tilespmem:s30+$0x7860] =	vst v0  }
0x4a: {  	[spmem:s5] =	stream.linear.scatter [tilespmem:s20], [sflag:$0x2], $0x4000, $0x38;
	[tilespmem:$0x1F800] =	vst v63  }
0x4b: {  	_ =	swait.ge [sflag:s21], $0x4000  }
0x4c: {  	[sflag:s21] =	ssyncset.done $0x0  }
0x4d: {  	[sflag:s21] =	ssyncadd.s32 $0xFFFFC000  }
0x4e: {  	[spmem:s12] =	stream.linear.scatter [tilespmem:s20], [sflag:$0x2], $0x4000, $0x38;
	[tilespmem:$0x1F800] =	vst v63  }
0x4f: {  	_ =	swait.ge [sflag:s21], $0x4000  }
0x50: {  	[sflag:s21] =	ssyncset.done $0x0  }
0x51: {  	[sflag:s21] =	ssyncadd.s32 $0xFFFFC000  }
0x52: {  	[spmem:s13] =	stream.linear.scatter [tilespmem:s20], [sflag:$0x2], $0x4000, $0x38;
	[tilespmem:$0x1F800] =	vst v63  }
0x53: {  	_ =	swait.ge [sflag:s21], $0x4000  }
0x54: {  	[sflag:s21] =	ssyncset.done $0x0  }
0x55: {  	[sflag:s21] =	ssyncadd.s32 $0xFFFFC000  }
0x56: {  	[spmem:s14] =	stream.linear.scatter [tilespmem:s20], [sflag:$0x2], $0x4000, $0x38;
	[tilespmem:$0x1F800] =	vst v63  }
0x57: {  	_ =	swait.ge [sflag:s21], $0x4000  }
0x58: {  	[sflag:s21] =	ssyncset.done $0x0  }
0x59: {  	[sflag:s21] =	ssyncadd.s32 $0xFFFFC000  }
0x5a: {  	[spmem:s15] =	stream.linear.scatter [tilespmem:s20], [sflag:$0x2], $0x4000, $0x38;
	[tilespmem:$0x1F800] =	vst v63  }
.Ltmp3:
0x5b: {  	_ =	swait.ge [sflag:s21], $0x4000;
	(pc) =	sbr.rel @!p0 .LBB2_4-.Ltmp3, $3  }
0x5c: {  	[sflag:s21] =	ssyncset.done $0x0  }
0x5d: {  	[sflag:s21] =	ssyncadd.s32 $0xFFFFC000  }
0x5e: {  	[bflag:$0x0] =	sbarrier.arrive $0xFFFF;
	_ =	sdelay $0x1  }
0x5f: {  	s0 =	simm.s32 $0x0  }
0x60: {  	[tilespmem:s0], [sflag:$0x2] =	stream.linear.gather [hbm4b:s8+s0], $0x1400, $0x38;
	[tilespmem:$0x1F800] =	vst v63  }
0x61: {  	_ =	swait.ge [sflag:s21], $0x1400  }
0x62: {  	[sflag:s21] =	ssyncset.done $0x0  }
0x63: {  	[sflag:s21] =	ssyncadd.s32 $0xFFFFEC00  }
0x64: {  	[tilespmem:s26], [sflag:$0x2] =	stream.linear.gather [hbm4b:s9+s0], $0x1400, $0x38;
	[tilespmem:$0x1F800] =	vst v63  }
0x65: {  	_ =	swait.ge [sflag:s21], $0x1400  }
0x66: {  	[sflag:s21] =	ssyncset.done $0x0  }
0x67: {  	s6 =	simm.s32 $0x0;
	[sflag:s21] =	ssyncadd.s32 $0xFFFFEC00  }
0x68: {  	[tilespmem:s20], [sflag:$0x1] =	stream.indirect.gather [hbm4b:s4+s28], $0x80, s6, s28, $0xb8;
	[tilespmem:$0x1F800] =	vst v63  }
0x69: {  	_ =	swait.ge [sflag:s29], $0x4000  }
0x6a: {  	[sflag:s29] =	ssyncset.done $0x0  }
0x6b: {  	s6 =	simm.s32 $0x3C00;
	[sflag:s29] =	ssyncadd.s32 $0xFFFFC000  }
0x6c: {  	[spmem:s2] =	stream.indirect.scatter.add.f32 [tilespmem:s20], [sflag:$0x2], $0x80, s6, s28, $0xb8;
	[tilespmem:$0x1F800] =	vst v63  }
0x6d: {  	_ =	swait.ge [sflag:s21], $0x4000  }
0x6e: {  	s30 =	simm.s32 $0x200;
	s31 =	simm.s32 $0x400;
	[sflag:s21] =	ssyncset.done $0x0  }
.LBB2_8:
0x6f: {  	s0 =	sshra.s32 s30, $0x2  }
0x70: {  	[sflag:s21] =	ssyncadd.s32 $0xFFFFC000;
	s30 =	smov.u32 s31;
	s6 =	sadd.s32 $0x200, s31  }
0x71: {  	[tilespmem:s20], [sflag:$0x1] =	stream.indirect.gather [hbm4b:s4+s28], $0x80, s0, s28, $0xb8;
	[tilespmem:$0x1F800] =	vst v63  }
0x72: {  	p1 =	sne.s32 s31, $0x4E00;
	_ =	swait.ge [sflag:s29], $0x4000  }
.Ltmp4:
0x73: {  	[sflag:s29] =	ssyncset.done $0x0;
	(pc) =	sbr.rel @p1 .LBB2_8-.Ltmp4, $4  }
0x74: {  	s0 =	sadd.s32 $0x3C00, s0;
	[sflag:s29] =	ssyncadd.s32 $0xFFFFC000  }
0x75: {  	[spmem:s2] =	stream.indirect.scatter.add.f32 [tilespmem:s20], [sflag:$0x2], $0x80, s0, s28, $0xb8;
	[tilespmem:$0x1F800] =	vst v63  }
0x76: {  	_ =	swait.ge [sflag:s21], $0x4000  }
0x77: {  	s31 =	smov.u32 s6;
	[sflag:s21] =	ssyncset.done $0x0  }
0x78: {  	s0 =	sshra.s32 s30, $0x2;
	[sflag:s21] =	ssyncadd.s32 $0xFFFFC000  }
0x79: {  	[tilespmem:s20], [sflag:$0x1] =	stream.indirect.gather [hbm4b:s4+s28], $0x80, s0, s28, $0xb8;
	[tilespmem:$0x1F800] =	vst v63  }
0x7a: {  	_ =	swait.ge [sflag:s29], $0x4000  }
0x7b: {  	[sflag:s29] =	ssyncset.done $0x0  }
.Ltmp5:
0x7c: {  	s0 =	sadd.s32 $0x3C00, s0;
	[sflag:s29] =	ssyncadd.s32 $0xFFFFC000;
	(pc) =	sbr.rel .LBB2_10-.Ltmp5, $4  }
0x7d: {  	[spmem:s2] =	stream.indirect.scatter.add.f32 [tilespmem:s20], [sflag:$0x2], $0x80, s0, s28, $0xb8;
	[tilespmem:$0x1F800] =	vst v63  }
0x7e: {  	_ =	swait.ge [sflag:s21], $0x4000  }
0x7f: {  	[sflag:s21] =	ssyncset.done $0x0  }
0x80: {  	[sflag:s21] =	ssyncadd.s32 $0xFFFFC000  }
.LBB2_4:
0x81: {  	s30 =	simm.s32 $0x0;
	s0 =	rddreg [dreg:$0x5]  }
0x82: {  	[tilespmem:s30], [sflag:$0x2] =	stream.linear.gather [hbm4b:s0+s30], $0x3C00, $0x38;
	[tilespmem:$0x1F800] =	vst v63  }
0x83: {  	_ =	swait.ge [sflag:s21], $0x3C00  }
0x84: {  	[sflag:s21] =	ssyncset.done $0x0  }
0x85: {  	[sflag:s21] =	ssyncadd.s32 $0xFFFFC400  }
0x86: {  	[tilespmem:s26], [sflag:$0x2] =	stream.linear.gather [hbm4b:s7+s30], $0x3C00, $0x38;
	[tilespmem:$0x1F800] =	vst v63  }
0x87: {  	_ =	swait.ge [sflag:s21], $0x3C00  }
0x88: {  	[sflag:s21] =	ssyncset.done $0x0  }
0x89: {  	s30 =	simm.s32 $0x0;
	[sflag:s21] =	ssyncadd.s32 $0xFFFFC400  }
0x8a: {  	[tilespmem:s20], [sflag:$0x1] =	stream.indirect.gather [hbm4b:s4+s28], $0x80, s30, s28, $0xb8;
	[tilespmem:$0x1F800] =	vst v63  }
0x8b: {  	_ =	swait.ge [sflag:s29], $0x4000  }
0x8c: {  	[sflag:s29] =	ssyncset.done $0x0  }
0x8d: {  	s30 =	simm.s32 $0x3C00;
	[sflag:s29] =	ssyncadd.s32 $0xFFFFC000  }
0x8e: {  	[spmem:s2] =	stream.indirect.scatter.add.f32 [tilespmem:s20], [sflag:$0x2], $0x80, s30, s28, $0xb8;
	[tilespmem:$0x1F800] =	vst v63  }
0x8f: {  	_ =	swait.ge [sflag:s21], $0x4000  }
0x90: {  	s31 =	simm.s32 $0x400;
	s30 =	simm.s32 $0x200;
	[sflag:s21] =	ssyncset.done $0x0  }
.LBB2_5:
0x91: {  	s0 =	sshra.s32 s30, $0x2  }
0x92: {  	[sflag:s21] =	ssyncadd.s32 $0xFFFFC000;
	s30 =	smov.u32 s31;
	s6 =	sadd.s32 $0x200, s31  }
0x93: {  	[tilespmem:s20], [sflag:$0x1] =	stream.indirect.gather [hbm4b:s4+s28], $0x80, s0, s28, $0xb8;
	[tilespmem:$0x1F800] =	vst v63  }
0x94: {  	p1 =	seq.s32 s31, $0xEE00;
	_ =	swait.ge [sflag:s29], $0x4000  }
.Ltmp6:
0x95: {  	[sflag:s29] =	ssyncset.done $0x0;
	(pc) =	sbr.rel @!p1 .LBB2_5-.Ltmp6, $4  }
0x96: {  	s0 =	sadd.s32 $0x3C00, s0;
	[sflag:s29] =	ssyncadd.s32 $0xFFFFC000  }
0x97: {  	[spmem:s2] =	stream.indirect.scatter.add.f32 [tilespmem:s20], [sflag:$0x2], $0x80, s0, s28, $0xb8;
	[tilespmem:$0x1F800] =	vst v63  }
0x98: {  	_ =	swait.ge [sflag:s21], $0x4000  }
0x99: {  	s31 =	smov.u32 s6;
	[sflag:s21] =	ssyncset.done $0x0  }
.Ltmp7:
0x9a: {  	_ = 	snop;
	(pc) =	sbr.rel .LBB2_6-.Ltmp7, $1  }
0x9b: {  	_ =	sdelay $0x3  }
.LBB2_11:
0x9c: {  	_ =	sfence.sel $0x180000  }
0x9d: {  	[bflag:$0x0] =	sbarrier.arrive $0xFFFF  }
0x9e: {  	_ =	strace $0x9000004A  }
0x9f: {  	[bflag:$0x2] =	sbarrier.arrive $0xFFFF  }
0xa0: {  	p0 =	sne.s32 s1, $0x0;
	s0 =	rddreg [dreg:$0x4]  }
0xa1: {  	s0 =	sadd.s32 @!p0 $0x100000, s0  }
0xa2: {  	[sflag:s0] =	ssyncadd.tile.s32 @!p0 $0x1;
	_ =	shalt  }
.Lfunc_end2:
_tile_overlayer_lowered:
.L_overlay_start_2:
0xa3: {  	(tag) =	ssettag $0x2  }
0xa4: {  	s0 =	rddreg [dreg:$0x0];
	s2 =	stileid.u32  }
0xa5: {  	s1 =	rddreg [dreg:$0x1];
	p0 =	sne.s32 s2, $0x0  }
0xa6: {  	s3 =	rddreg [dreg:$0x2];
	[bflag:$0x3] =	sbarrier.arrive $0xFFFF;
	s2 =	simm.s32 @!p0 $0x1C02  }
0xa7: {  	[timem:s3], [sflag:s2] =	dma.local @!p0 [hbm:s0], s1  }
0xa8: {  	s0 =	simm.s32 @!p0 $0x2  }
0xa9: {  	_ =	swait.ge @!p0 [sflag:s0], s1  }
0xaa: {  	s1 =	ssub.s32 @!p0 $0x0, s1;
	[sflag:s0] =	ssyncset.done @!p0 $0x0  }
0xab: {  	[sflag:s0] =	ssyncadd.s32 @!p0 s1  }
0xac: {  	[bflag:$0x3] =	sbarrier.arrive $0xFFFF  }
0xad: {  	_ =	shalt  }

// kernel: kernel.19.cloned.1.call-start
scs
__scs_entry_jumppad:
0x0: {  	(pc) =	sbr.rel $0x88, $3  }
0x1: {  	(tag) =	ssettag $0x0;
	lr =	simm.s32 $0x1  }
0x2: {  	[smem:$0x3F95] =	sst lr;
	_ =	strace $0xD0000000  }
0x3: {  	_ = 	snop  }
0x4: {  	_ = 	snop  }
0x5: {  	_ = 	snop  }
0x6: {  	_ = 	snop  }
0x7: {  	_ = 	snop  }
__scs_overlays_trampoline_lowered:
0x8: {  	[smem:$0x3FA4] =	sst s0  }
0x9: {  	[smem:$0x3FA5] =	sst s1  }
0xa: {  	[smem:$0x3FA6] =	sst s2  }
0xb: {  	[smem:$0x3FA7] =	sst s3  }
0xc: {  	[smem:$0x3FA8] =	sst s4  }
0xd: {  	[smem:$0x3FA9] =	sst s5  }
0xe: {  	[smem:$0x3FAA] =	sst s6  }
0xf: {  	[smem:$0x3FAB] =	sst s7  }
0x10: {  	[smem:$0x3FAC] =	sst s8  }
0x11: {  	[smem:$0x3FAD] =	sst s9;
	s0 =	simm.s32 @!p0 $0x0  }
0x12: {  	s1 =	sld [smem:$0x3F93];
	s0 =	simm.s32 @p0 $0x1  }
0x13: {  	[smem:$0x3FAE] =	sst s0;
	s0 =	simm.s32 @!p1 $0x0  }
0x14: {  	s2 =	sld [smem:$0x3F92];
	s0 =	simm.s32 @p1 $0x1  }
0x15: {  	[smem:$0x3FAF] =	sst s0;
	s0 =	simm.s32 @!p2 $0x0  }
0x16: {  	s3 =	sld [smem:$0x3FDB];
	s0 =	simm.s32 @p2 $0x1  }
0x17: {  	s4 =	simm.s32 $0x1BF5;
	[smem:$0x3FB1] =	sst s0  }
0x18: {  	s0 =	sld [smem:$0x3F94];
	_ =	swait.ge [sflag:s4], $0x0  }
0x19: {  	s7 =	sld [smem:$0x3F95]  }
0x1a: {  	s8 =	sadd.s32 $0xFFFFE003, lr  }
0x1b: {  	s9 =	sadd.s32 $0xFFFFFEF7, lr;
	s5 =	simm.s32 $0xFFFFFFFF;
	p2 =	slt.u32 s8, $0xFFFFF086  }
0x1c: {  	p1 =	slt.u32 s9, $0xF7A;
	s5 =	simm.s32 @!p2 $0x0  }
0x1d: {  	s5 =	simm.s32 @p1 $0x1;
	p0 =	seq.s32 s7, s2  }
0x1e: {  	s7 =	smul.u32 @!p0 $0xF7A, s2;
	p2 =	seq.s32 @!p0 s5, $0x0  }
0x1f: {  	s9 =	smul.u32 $0xF7A, s1;
	s8 =	simm.s32 @!p0 $0x1BF5;
	p2 =	por !p2, p0  }
0x20: {  	[sflag:s8] =	ssyncset.s32 @!p0 $0xFFFFF086;
	s6 =	sadd.s32 @!p0 s3, s7;
	s7 =	simm.s32 @!p0 $0x108  }
0x21: {  	s3 =	sadd.s32 s3, s9;
	s6 =	sadd.s32 @!p0 $0x88, s6;
	s7 =	simm.s32 @p2 $0x1082  }
0x22: {  	[simem:s7], [sflag:s8] =	dma.local @!p0 [hbm:s6], $0xF7A  }
0x23: {  	s9 =	sor.u32 $0xD0000000, s2;
	s6 =	simm.s32 $0x108;
	_ =	swait.ge @!p0 [sflag:s8], $0x0  }
0x24: {  	s3 =	sadd.s32 $0x88, s3;
	s6 =	simm.s32 @!p1 $0x1082;
	[sflag:s4] =	ssyncset.s32 $0xFFFFF086  }
0x25: {  	[simem:s6], [sflag:s4] =	dma.local [hbm:s3], $0xF7A  }
0x26: {  	[smem:$0x3F95] =	sst s1;
	(tag) =	ssettag s2;
	_ =	strace s9  }
0x27: {  	s1 =	sld [smem:$0x3FA5]  }
0x28: {  	s2 =	sld [smem:$0x3FA6]  }
0x29: {  	s4 =	sld [smem:$0x3FA8]  }
0x2a: {  	p0 =	seq.s32 s5, $0x0;
	s5 =	sld [smem:$0x3FA9]  }
0x2b: {  	s6 =	sld [smem:$0x3FAA]  }
0x2c: {  	s7 =	sld [smem:$0x3FAB]  }
0x2d: {  	s3 =	simm.s32 $0x108;
	s8 =	sld [smem:$0x3FAC]  }
0x2e: {  	s3 =	simm.s32 @!p0 $0x1082;
	s9 =	sld [smem:$0x3FAD]  }
0x2f: {  	lr =	sadd.s32 s0, s3;
	s0 =	sld [smem:$0x3FA4]  }
0x30: {  	s3 =	sld [smem:$0x3FA7]  }
0x31: {  	[smem:$0x3FB0] =	sst s10  }
0x32: {  	s10 =	sld [smem:$0x3FAE];
	_ =	sdelay $0x3  }
0x33: {  	p0 =	seq.s32 s10, $0x1;
	s10 =	sld [smem:$0x3FB0];
	_ =	sdelay $0x3  }
0x34: {  	[smem:$0x3FB0] =	sst s10  }
0x35: {  	s10 =	sld [smem:$0x3FAF];
	_ =	sdelay $0x3  }
0x36: {  	p1 =	seq.s32 s10, $0x1;
	s10 =	sld [smem:$0x3FB0];
	_ =	sdelay $0x3  }
0x37: {  	[smem:$0x3FB0] =	sst s10  }
0x38: {  	s10 =	sld [smem:$0x3FB1]  }
0x39: {  	_ = 	snop;
	(pc) =	sbr.ind lr, $3  }
0x3a: {  	_ = 	snop  }
0x3b: {  	_ = 	snop  }
0x3c: {  	p2 =	seq.s32 s10, $0x1;
	s10 =	sld [smem:$0x3FB0]  }
0x3d: {  	_ =	shalt  }
0x3e: {  	_ =	shalt  }
0x3f: {  	_ =	shalt  }
0x40: {  	_ =	shalt  }
0x41: {  	_ =	shalt  }
0x42: {  	_ =	shalt  }
0x43: {  	_ =	shalt  }
0x44: {  	_ =	shalt  }
0x45: {  	_ =	shalt  }
0x46: {  	_ =	shalt  }
0x47: {  	_ =	shalt  }
0x48: {  	_ =	shalt  }
0x49: {  	_ =	shalt  }
0x4a: {  	_ =	shalt  }
0x4b: {  	_ =	shalt  }
0x4c: {  	_ =	shalt  }
0x4d: {  	_ =	shalt  }
0x4e: {  	_ =	shalt  }
0x4f: {  	_ =	shalt  }
0x50: {  	_ =	shalt  }
0x51: {  	_ =	shalt  }
0x52: {  	_ =	shalt  }
0x53: {  	_ =	shalt  }
0x54: {  	_ =	shalt  }
0x55: {  	_ =	shalt  }
0x56: {  	_ =	shalt  }
0x57: {  	_ =	shalt  }
0x58: {  	_ =	shalt  }
0x59: {  	_ =	shalt  }
0x5a: {  	_ =	shalt  }
0x5b: {  	_ =	shalt  }
0x5c: {  	_ =	shalt  }
0x5d: {  	_ =	shalt  }
0x5e: {  	_ =	shalt  }
0x5f: {  	_ =	shalt  }
0x60: {  	_ =	shalt  }
0x61: {  	_ =	shalt  }
0x62: {  	_ =	shalt  }
0x63: {  	_ =	shalt  }
0x64: {  	_ =	shalt  }
0x65: {  	_ =	shalt  }
0x66: {  	_ =	shalt  }
0x67: {  	_ =	shalt  }
0x68: {  	_ =	shalt  }
0x69: {  	_ =	shalt  }
0x6a: {  	_ =	shalt  }
0x6b: {  	_ =	shalt  }
0x6c: {  	_ =	shalt  }
0x6d: {  	_ =	shalt  }
0x6e: {  	_ =	shalt  }
0x6f: {  	_ =	shalt  }
0x70: {  	_ =	shalt  }
0x71: {  	_ =	shalt  }
0x72: {  	_ =	shalt  }
0x73: {  	_ =	shalt  }
0x74: {  	_ =	shalt  }
0x75: {  	_ =	shalt  }
0x76: {  	_ =	shalt  }
0x77: {  	_ =	shalt  }
0x78: {  	_ =	shalt  }
0x79: {  	_ =	shalt  }
0x7a: {  	_ =	shalt  }
0x7b: {  	_ =	shalt  }
0x7c: {  	_ =	shalt  }
0x7d: {  	_ =	shalt  }
0x7e: {  	_ =	shalt  }
0x7f: {  	_ =	shalt  }
0x80: {  	_ =	shalt  }
0x81: {  	_ =	shalt  }
0x82: {  	_ =	shalt  }
0x83: {  	_ =	shalt  }
0x84: {  	_ =	shalt  }
0x85: {  	_ =	shalt  }
0x86: {  	_ =	shalt  }
0x87: {  	_ =	shalt  }
.Lfunc_end0:
.L_simem_size_0:
called_computation.2_lowered:
.L_overlay_start_0:
0x88: {  	s2 =	sld [smem:$0x3FD9]  }
0x89: {  	s3 =	sld [smem:$0x3FFE];
	_ =	sdelay $0x1  }
0x8a: {  	s1 =	srdreg.scid  }
0x8b: {  	s0 =	sand.u32 $0x1, s1  }
0x8c: {  	s14 =	sshll.u32 s0, $0xA;
	s2 =	sadd.s32 s3, s2  }
0x8d: {  	s2 =	sadd.s32 s2, s14  }
0x8e: {  	[smem:$0x3FBC] =	sst s2  }
0x8f: {  	_ = 	snop  }
0x90: {  	s2 =	sld [smem:$0x3FD0];
	_ =	sdelay $0x2  }
0x91: {  	s15 =	simm.s32 $0xA;
	s4 =	simm.s32 $0x10  }
0x92: {  	[smem:s4], [sflag:s15] =	dma.local [hbm:s2], $0x1  }
0x93: {  	_ =	swait.eq [sflag:s15], $0x1  }
0x94: {  	[sflag:s15] =	ssyncset.done $0x0  }
0x95: {  	s16 =	sld [smem:$0x10];
	[sflag:s15] =	ssyncadd.s32 $0xFFFFFFFF  }
0x96: {  	s17 =	sld [smem:$0x11];
	(tm) =	ssettm $0x1  }
0x97: {  	s18 =	sld [smem:$0x3FFB];
	_ =	sdelay $0x3  }
0x98: {  	_ =	strace s18  }
0x99: {  	s4 =	sld [smem:$0x3FFC];
	_ =	sdelay $0x3  }
0x9a: {  	_ =	strace s4  }
0x9b: {  	s4 =	sld [smem:$0x3FFD];
	_ =	sdelay $0x3  }
0x9c: {  	_ =	strace s4  }
0x9d: {  	_ =	strace $0x8FFFFFFF  }
0x9e: {  	s19 =	sld [smem:$0x3FDB];
	_ =	sdelay $0x1  }
0x9f: {  	s5 =	simm.s32 $_scs_section_size  }
0xa0: {  	s6 =	simm.s32 $_size__tile_overlayer_lowered;
	s7 =	simm.s32 $_tile_overlayer_lowered  }
0xa1: {  	s22 =	simm.s32 $0x1BFF;
	s21 =	sshll.u32 s7, $0x1;
	s4 =	sadd.s32 s5, s19  }
0xa2: {  	s8 =	simm.s32 $0x0;
	s20 =	sshll.u32 s6, $0x1;
	s6 =	sadd.s32 s21, s4  }
0xa3: {  	[timem:s8], [sflag:s22] =	dma.local [hbm:s6], s20  }
0xa4: {  	_ =	swait.ge [sflag:s22], s20  }
0xa5: {  	s5 =	ssub.s32 $0x0, s20;
	[sflag:s22] =	ssyncset.done $0x0  }
0xa6: {  	[sflag:s22] =	ssyncadd.s32 s5;
	_ =	sdelay $0x1  }
0xa7: {  	s23 =	simm.s32 $0x1B8B  }
0xa8: {  	_ =	swait.ge [sflag:s23], $0x1  }
0xa9: {  	[sflag:s23] =	ssyncset.done $0x0  }
0xaa: {  	s25 =	simm.s32 $0x1B8E;
	s24 =	sld [smem:$0x3FFE];
	[sflag:s23] =	ssyncadd.s32 $0xFFFFFFFF  }
0xab: {  	s26 =	simm.s32 $execute0_lowered;
	[smem:$0x3FD2] =	sst s25  }
0xac: {  	s6 =	sshll.u32 s26, $0x1;
	_ =	strace $0x8000004C;
	[dreg:$0x1] =	wrdreg $0xFFFFFFFF  }
0xad: {  	s28 =	simm.s32 $_size_execute0_lowered;
	s4 =	sadd.s32 s4, s6;
	[dreg:$0x0] =	wrdreg $0x0  }
0xae: {  	s6 =	sshll.u32 s28, $0x1;
	[dreg:$0x2] =	wrdreg s4  }
0xaf: {  	[dreg:$0x3] =	wrdreg s6  }
0xb0: {  	[dreg:$0x4] =	wrdreg $0xC0  }
0xb1: {  	_ =	task [dreg:s8], $0x5FFFF  }
0xb2: {  	[dreg:$0x1] =	wrdreg $0xFFFFFFFF  }
0xb3: {  	[dreg:$0x0] =	wrdreg $0x60  }
0xb4: {  	[dreg:$0x2] =	wrdreg s24  }
0xb5: {  	[dreg:$0x3] =	wrdreg s16  }
0xb6: {  	[dreg:$0x4] =	wrdreg s17  }
0xb7: {  	[dreg:$0x5] =	wrdreg $0xB8000  }
0xb8: {  	[dreg:$0x6] =	wrdreg $0x9  }
0xb9: {  	_ =	task.clear_ibuf [dreg:s8], $0x7FFFF;
	_ =	strace $0x9000004C  }
0xba: {  	s29 =	simm.s32 $0x9;
	_ =	strace $0x8000004E  }
0xbb: {  	_ =	swait.ge [sflag:s29], $0x1  }
0xbc: {  	[sflag:s29] =	ssyncadd.s32 $0xFFFFFFFF  }
0xbd: {  	_ =	strace $0x9000004E  }
0xbe: {  	_ =	sfence  }
0xbf: {  	s30 =	sld [smem:$0x0];
	_ =	sdelay $0x2  }
0xc0: {  	s31 =	sshll.u32 s1, $0xD;
	s1 =	sshrl.u32 s1, $0x2  }
0xc1: {  	s3 =	sand.u32 $0x4000, s31;
	s1 =	sadd.s32 s1, s30  }
0xc2: {  	s0 =	sor.u32 s3, s0;
	s1 =	sshll.u32 s1, $0x11  }
0xc3: {  	s0 =	sor.u32 s1, s0  }
0xc4: {  	s0 =	sadd.s32 $0x8F2B, s0  }
0xc5: {  	[sflag:s0] =	ssyncadd.remote.s32 $0x1  }
0xc6: {  	_ =	sfence.sel $0xFFFF  }
0xc7: {  	[dreg:$0x0] =	wrdreg $0xFFFFFFFF;
	(pc) =	sbr.abs _section_cstart, $3  }
0xc8: {  	[dreg:$0x1] =	wrdreg $0xFFFFFFFF  }
0xc9: {  	_ =	task.clear_ibuf [dreg:s8], $0x2FFFF;
	_ =	strace $0x9FFFFFFF  }
0xca: {  	(tm) =	ssettm $0x7FFFFFFF  }
0xcb: {  	_ =	shalt  }
tec
execute0_lowered:
.L_overlay_start_1:
0x0: {  	(tag) =	ssettag $0x1  }
0x1: {  	s5 =	rddreg [dreg:$0x0]  }
0x2: {  	s6 =	rddreg [dreg:$0x1]  }
0x3: {  	s19 =	rddreg [dreg:$0x2]  }
0x4: {  	s2 =	rddreg [dreg:$0x3];
	s1 =	stileid.u32  }
0x5: {  	s3 =	simm.s32 $0x0;
	s8 =	srdreg.scid;
	s7 =	smul.u32 $0x780, s1  }
0x6: {  	s28 =	simm.s32 $0x80;
	s29 =	simm.s32 $0x1;
	s9 =	smul.u32 $0x280, s1  }
0x7: {  	[smem:$0x7FF] =	sst s3;
	s4 =	sadd.s32 $0x11C00, s5;
	s11 =	smul.u32 $0x50000, s1  }
0x8: {  	s8 =	sand.u32 $0x1, s8;
	s14 =	smul.u32 $0x14000, s1;
	_ =	strace $0x8000004D  }
0x9: {  	s26 =	ssub.s32 $0x2, s8;
	s18 =	smul.u32 $0x140000, s8;
	p0 =	seq.s32 s8, $0x1  }
0xa: {  	s10 =	sadd.s32 s7, s5;
	s12 =	sadd.s32 s9, s5;
	s13 =	sshrl.u32 s26, $0x1  }
0xb: {  	s11 =	sshrl.u32 s11, $0x2;
	s0 =	sadd.s32 s6, s7;
	s17 =	sshll.u32 s9, $0x7  }
0xc: {  	s13 =	ssub.s32 s26, s13;
	s5 =	sadd.s32 s11, s2;
	[dreg:$0x5] =	wrdreg s0  }
0xd: {  	s7 =	sadd.s32 $0x5400, s10;
	s30 =	sadd.s32 s18, s14;
	s8 =	sadd.s32 $0xF400, s12  }
0xe: {  	s9 =	sadd.s32 $0xCC00, s12;
	s20 =	sadd.s32 $0x4000, s17;
	s21 =	sadd.s32 $0x8000, s17  }
0xf: {  	s23 =	sadd.s32 $0xC000, s17;
	s25 =	sadd.s32 $0x10000, s17;
	s10 =	sshrl.u32 s30, $0x3  }
0x10: {  	s11 =	smax.u32 s13, $0x1;
	s12 =	sadd.s32 $0x4000, s5;
	s15 =	sadd.s32 s18, s20  }
0x11: {  	s13 =	sadd.s32 $0x8000, s5;
	s14 =	sadd.s32 $0xC000, s5;
	s22 =	sadd.s32 s20, s2  }
0x12: {  	s31 =	sadd.s32 s18, s21;
	s24 =	sadd.s32 s18, s23;
	s6 =	sadd.s32 s18, s25  }
0x13: {  	s26 =	sadd.s32 s21, s2;
	s25 =	sadd.s32 s25, s2;
	s21 =	simm.s32 $0x2  }
0x14: {  	s10 =	sadd.s32 s19, s10;
	s16 =	sshrl.u32 s15, $0x3;
	s15 =	sadd.s32 $0x10000, s5  }
.Ltmp0:
0x15: {  	s20 =	sshrl.u32 s31, $0x3;
	s0 =	sshrl.u32 s24, $0x3;
	(pc) =	sbr.rel .LBB2_1-.Ltmp0, $4  }
0x16: {  	s30 =	sshrl.u32 s6, $0x3;
	s31 =	sadd.s32 s23, s2;
	s22 =	sshrl.u32 s22, $0x3  }
0x17: {  	s23 =	sshrl.u32 s26, $0x3;
	s25 =	sshrl.u32 s25, $0x3;
	s26 =	simm.s32 $0x3C00  }
0x18: {  	s16 =	sadd.s32 s19, s16;
	s17 =	sadd.s32 s19, s20;
	s18 =	sadd.s32 s19, s0  }
0x19: {  	v0 =	vimm.f32 $0.0e+00;
	s19 =	sadd.s32 s19, s30;
	s20 =	simm.s32 $0x7800;
	s24 =	sshrl.u32 s31, $0x3  }
.LBB2_6:
0x1a: {  	s0 =	sshra.s32 s30, $0x2;
	[sflag:s21] =	ssyncadd.s32 $0xFFFFC000  }
0x1b: {  	[tilespmem:s20], [sflag:$0x1] =	stream.indirect.gather [hbm4b:s4+s28], $0x80, s0, s28, $0xb8;
	[tilespmem:$0x1F800] =	vst v63  }
0x1c: {  	_ =	swait.ge [sflag:s29], $0x4000  }
0x1d: {  	[sflag:s29] =	ssyncset.done $0x0  }
0x1e: {  	s0 =	sadd.s32 $0x3C00, s0;
	[sflag:s29] =	ssyncadd.s32 $0xFFFFC000  }
0x1f: {  	[spmem:s2] =	stream.indirect.scatter.add.f32 [tilespmem:s20], [sflag:$0x2], $0x80, s0, s28, $0xb8;
	[tilespmem:$0x1F800] =	vst v63  }
0x20: {  	_ =	swait.ge [sflag:s21], $0x4000  }
0x21: {  	[sflag:s21] =	ssyncset.done $0x0  }
0x22: {  	[sflag:s21] =	ssyncadd.s32 $0xFFFFC000  }
.LBB2_10:
0x23: {  	s0 =	sshll.u32 s1, $0x6  }
0x24: {  	[bflag:$0x0] =	sbarrier.arrive $0xFFFF;
	s6 =	sshrl.u32 s5, $0x3;
	s0 =	sor.u32 $0x1C02, s0  }
0x25: {  	[hbm:s10], [sflag:s0] =	dma.local [spmem:s6], $0x800  }
0x26: {  	_ =	swait.ge [sflag:s21], $0x800  }
0x27: {  	[sflag:s21] =	ssyncset.done $0x0  }
0x28: {  	[sflag:s21] =	ssyncadd.s32 $0xFFFFF800  }
0x29: {  	[hbm:s16], [sflag:s0] =	dma.local [spmem:s22], $0x800  }
0x2a: {  	_ =	swait.ge [sflag:s21], $0x800  }
0x2b: {  	[sflag:s21] =	ssyncset.done $0x0  }
0x2c: {  	[sflag:s21] =	ssyncadd.s32 $0xFFFFF800  }
0x2d: {  	[hbm:s17], [sflag:s0] =	dma.local [spmem:s23], $0x800  }
0x2e: {  	_ =	swait.ge [sflag:s21], $0x800  }
0x2f: {  	[sflag:s21] =	ssyncset.done $0x0  }
0x30: {  	[sflag:s21] =	ssyncadd.s32 $0xFFFFF800  }
0x31: {  	[hbm:s18], [sflag:s0] =	dma.local [spmem:s24], $0x800  }
0x32: {  	s3 =	sadd.s32 $0x1, s3;
	_ =	swait.ge [sflag:s21], $0x800  }
0x33: {  	p1 =	sne.s32 s3, s11;
	[sflag:s21] =	ssyncset.done $0x0  }
.Ltmp1:
0x34: {  	[sflag:s21] =	ssyncadd.s32 $0xFFFFF800;
	(pc) =	sbr.rel @!p1 .LBB2_11-.Ltmp1, $4  }
0x35: {  	[hbm:s19], [sflag:s0] =	dma.local [spmem:s25], $0x800  }
0x36: {  	_ =	swait.ge [sflag:s21], $0x800  }
0x37: {  	[sflag:s21] =	ssyncset.done $0x0  }
0x38: {  	[sflag:s21] =	ssyncadd.s32 $0xFFFFF800  }
.LBB2_1:
0x39: {  	s30 =	simm.s32 $0x0;
	s31 =	simm.s32 $0x200  }
.LBB2_2:
0x3a: {  	p1 =	sne.s32 s31, $0xFE00;
	[tilespmem:s30+$0x7870] =	vst v0  }
0x3b: {  	[tilespmem:s30+$0x7800] =	vst v0  }
0x3c: {  	[tilespmem:s30+$0x7810] =	vst v0  }
.Ltmp2:
0x3d: {  	[tilespmem:s30+$0x7820] =	vst v0;
	(pc) =	sbr.rel @p1 .LBB2_2-.Ltmp2, $4  }
0x3e: {  	[tilespmem:s30+$0x7830] =	vst v0  }
0x3f: {  	[tilespmem:s30+$0x7840] =	vst v0  }
0x40: {  	[tilespmem:s30+$0x7850] =	vst v0  }
0x41: {  	[tilespmem:s30+$0x7860] =	vst v0;
	s30 =	sshra.s32 s31, $0x2;
	s31 =	sadd.s32 $0x200, s31  }
0x42: {  	[tilespmem:s30+$0x7870] =	vst v0  }
0x43: {  	[tilespmem:s30+$0x7800] =	vst v0  }
0x44: {  	[tilespmem:s30+$0x7810] =	vst v0  }
0x45: {  	[tilespmem:s30+$0x7820] =	vst v0  }
0x46: {  	[tilespmem:s30+$0x7830] =	vst v0  }
0x47: {  	[tilespmem:s30+$0x7840] =	vst v0  }
0x48: {  	[tilespmem:s30+$0x7850] =	vst v0  }
0x49: {  	[tilespmem:s30+$0x7860] =	vst v0  }
0x4a: {  	[spmem:s5] =	stream.linear.scatter [tilespmem:s20], [sflag:$0x2], $0x4000, $0x38;
	[tilespmem:$0x1F800] =	vst v63  }
0x4b: {  	_ =	swait.ge [sflag:s21], $0x4000  }
0x4c: {  	[sflag:s21] =	ssyncset.done $0x0  }
0x4d: {  	[sflag:s21] =	ssyncadd.s32 $0xFFFFC000  }
0x4e: {  	[spmem:s12] =	stream.linear.scatter [tilespmem:s20], [sflag:$0x2], $0x4000, $0x38;
	[tilespmem:$0x1F800] =	vst v63  }
0x4f: {  	_ =	swait.ge [sflag:s21], $0x4000  }
0x50: {  	[sflag:s21] =	ssyncset.done $0x0  }
0x51: {  	[sflag:s21] =	ssyncadd.s32 $0xFFFFC000  }
0x52: {  	[spmem:s13] =	stream.linear.scatter [tilespmem:s20], [sflag:$0x2], $0x4000, $0x38;
	[tilespmem:$0x1F800] =	vst v63  }
0x53: {  	_ =	swait.ge [sflag:s21], $0x4000  }
0x54: {  	[sflag:s21] =	ssyncset.done $0x0  }
0x55: {  	[sflag:s21] =	ssyncadd.s32 $0xFFFFC000  }
0x56: {  	[spmem:s14] =	stream.linear.scatter [tilespmem:s20], [sflag:$0x2], $0x4000, $0x38;
	[tilespmem:$0x1F800] =	vst v63  }
0x57: {  	_ =	swait.ge [sflag:s21], $0x4000  }
0x58: {  	[sflag:s21] =	ssyncset.done $0x0  }
0x59: {  	[sflag:s21] =	ssyncadd.s32 $0xFFFFC000  }
0x5a: {  	[spmem:s15] =	stream.linear.scatter [tilespmem:s20], [sflag:$0x2], $0x4000, $0x38;
	[tilespmem:$0x1F800] =	vst v63  }
.Ltmp3:
0x5b: {  	_ =	swait.ge [sflag:s21], $0x4000;
	(pc) =	sbr.rel @!p0 .LBB2_4-.Ltmp3, $3  }
0x5c: {  	[sflag:s21] =	ssyncset.done $0x0  }
0x5d: {  	[sflag:s21] =	ssyncadd.s32 $0xFFFFC000  }
0x5e: {  	[bflag:$0x0] =	sbarrier.arrive $0xFFFF;
	_ =	sdelay $0x1  }
0x5f: {  	s0 =	simm.s32 $0x0  }
0x60: {  	[tilespmem:s0], [sflag:$0x2] =	stream.linear.gather [hbm4b:s8+s0], $0x1400, $0x38;
	[tilespmem:$0x1F800] =	vst v63  }
0x61: {  	_ =	swait.ge [sflag:s21], $0x1400  }
0x62: {  	[sflag:s21] =	ssyncset.done $0x0  }
0x63: {  	[sflag:s21] =	ssyncadd.s32 $0xFFFFEC00  }
0x64: {  	[tilespmem:s26], [sflag:$0x2] =	stream.linear.gather [hbm4b:s9+s0], $0x1400, $0x38;
	[tilespmem:$0x1F800] =	vst v63  }
0x65: {  	_ =	swait.ge [sflag:s21], $0x1400  }
0x66: {  	[sflag:s21] =	ssyncset.done $0x0  }
0x67: {  	s6 =	simm.s32 $0x0;
	[sflag:s21] =	ssyncadd.s32 $0xFFFFEC00  }
0x68: {  	[tilespmem:s20], [sflag:$0x1] =	stream.indirect.gather [hbm4b:s4+s28], $0x80, s6, s28, $0xb8;
	[tilespmem:$0x1F800] =	vst v63  }
0x69: {  	_ =	swait.ge [sflag:s29], $0x4000  }
0x6a: {  	[sflag:s29] =	ssyncset.done $0x0  }
0x6b: {  	s6 =	simm.s32 $0x3C00;
	[sflag:s29] =	ssyncadd.s32 $0xFFFFC000  }
0x6c: {  	[spmem:s2] =	stream.indirect.scatter.add.f32 [tilespmem:s20], [sflag:$0x2], $0x80, s6, s28, $0xb8;
	[tilespmem:$0x1F800] =	vst v63  }
0x6d: {  	_ =	swait.ge [sflag:s21], $0x4000  }
0x6e: {  	s30 =	simm.s32 $0x200;
	s31 =	simm.s32 $0x400;
	[sflag:s21] =	ssyncset.done $0x0  }
.LBB2_8:
0x6f: {  	s0 =	sshra.s32 s30, $0x2  }
0x70: {  	[sflag:s21] =	ssyncadd.s32 $0xFFFFC000;
	s30 =	smov.u32 s31;
	s6 =	sadd.s32 $0x200, s31  }
0x71: {  	[tilespmem:s20], [sflag:$0x1] =	stream.indirect.gather [hbm4b:s4+s28], $0x80, s0, s28, $0xb8;
	[tilespmem:$0x1F800] =	vst v63  }
0x72: {  	p1 =	sne.s32 s31, $0x4E00;
	_ =	swait.ge [sflag:s29], $0x4000  }
.Ltmp4:
0x73: {  	[sflag:s29] =	ssyncset.done $0x0;
	(pc) =	sbr.rel @p1 .LBB2_8-.Ltmp4, $4  }
0x74: {  	s0 =	sadd.s32 $0x3C00, s0;
	[sflag:s29] =	ssyncadd.s32 $0xFFFFC000  }
0x75: {  	[spmem:s2] =	stream.indirect.scatter.add.f32 [tilespmem:s20], [sflag:$0x2], $0x80, s0, s28, $0xb8;
	[tilespmem:$0x1F800] =	vst v63  }
0x76: {  	_ =	swait.ge [sflag:s21], $0x4000  }
0x77: {  	s31 =	smov.u32 s6;
	[sflag:s21] =	ssyncset.done $0x0  }
0x78: {  	s0 =	sshra.s32 s30, $0x2;
	[sflag:s21] =	ssyncadd.s32 $0xFFFFC000  }
0x79: {  	[tilespmem:s20], [sflag:$0x1] =	stream.indirect.gather [hbm4b:s4+s28], $0x80, s0, s28, $0xb8;
	[tilespmem:$0x1F800] =	vst v63  }
0x7a: {  	_ =	swait.ge [sflag:s29], $0x4000  }
0x7b: {  	[sflag:s29] =	ssyncset.done $0x0  }
.Ltmp5:
0x7c: {  	s0 =	sadd.s32 $0x3C00, s0;
	[sflag:s29] =	ssyncadd.s32 $0xFFFFC000;
	(pc) =	sbr.rel .LBB2_10-.Ltmp5, $4  }
0x7d: {  	[spmem:s2] =	stream.indirect.scatter.add.f32 [tilespmem:s20], [sflag:$0x2], $0x80, s0, s28, $0xb8;
	[tilespmem:$0x1F800] =	vst v63  }
0x7e: {  	_ =	swait.ge [sflag:s21], $0x4000  }
0x7f: {  	[sflag:s21] =	ssyncset.done $0x0  }
0x80: {  	[sflag:s21] =	ssyncadd.s32 $0xFFFFC000  }
.LBB2_4:
0x81: {  	s30 =	simm.s32 $0x0;
	s0 =	rddreg [dreg:$0x5]  }
0x82: {  	[tilespmem:s30], [sflag:$0x2] =	stream.linear.gather [hbm4b:s0+s30], $0x3C00, $0x38;
	[tilespmem:$0x1F800] =	vst v63  }
0x83: {  	_ =	swait.ge [sflag:s21], $0x3C00  }
0x84: {  	[sflag:s21] =	ssyncset.done $0x0  }
0x85: {  	[sflag:s21] =	ssyncadd.s32 $0xFFFFC400  }
0x86: {  	[tilespmem:s26], [sflag:$0x2] =	stream.linear.gather [hbm4b:s7+s30], $0x3C00, $0x38;
	[tilespmem:$0x1F800] =	vst v63  }
0x87: {  	_ =	swait.ge [sflag:s21], $0x3C00  }
0x88: {  	[sflag:s21] =	ssyncset.done $0x0  }
0x89: {  	s30 =	simm.s32 $0x0;
	[sflag:s21] =	ssyncadd.s32 $0xFFFFC400  }
0x8a: {  	[tilespmem:s20], [sflag:$0x1] =	stream.indirect.gather [hbm4b:s4+s28], $0x80, s30, s28, $0xb8;
	[tilespmem:$0x1F800] =	vst v63  }
0x8b: {  	_ =	swait.ge [sflag:s29], $0x4000  }
0x8c: {  	[sflag:s29] =	ssyncset.done $0x0  }
0x8d: {  	s30 =	simm.s32 $0x3C00;
	[sflag:s29] =	ssyncadd.s32 $0xFFFFC000  }
0x8e: {  	[spmem:s2] =	stream.indirect.scatter.add.f32 [tilespmem:s20], [sflag:$0x2], $0x80, s30, s28, $0xb8;
	[tilespmem:$0x1F800] =	vst v63  }
0x8f: {  	_ =	swait.ge [sflag:s21], $0x4000  }
0x90: {  	s31 =	simm.s32 $0x400;
	s30 =	simm.s32 $0x200;
	[sflag:s21] =	ssyncset.done $0x0  }
.LBB2_5:
0x91: {  	s0 =	sshra.s32 s30, $0x2  }
0x92: {  	[sflag:s21] =	ssyncadd.s32 $0xFFFFC000;
	s30 =	smov.u32 s31;
	s6 =	sadd.s32 $0x200, s31  }
0x93: {  	[tilespmem:s20], [sflag:$0x1] =	stream.indirect.gather [hbm4b:s4+s28], $0x80, s0, s28, $0xb8;
	[tilespmem:$0x1F800] =	vst v63  }
0x94: {  	p1 =	seq.s32 s31, $0xEE00;
	_ =	swait.ge [sflag:s29], $0x4000  }
.Ltmp6:
0x95: {  	[sflag:s29] =	ssyncset.done $0x0;
	(pc) =	sbr.rel @!p1 .LBB2_5-.Ltmp6, $4  }
0x96: {  	s0 =	sadd.s32 $0x3C00, s0;
	[sflag:s29] =	ssyncadd.s32 $0xFFFFC000  }
0x97: {  	[spmem:s2] =	stream.indirect.scatter.add.f32 [tilespmem:s20], [sflag:$0x2], $0x80, s0, s28, $0xb8;
	[tilespmem:$0x1F800] =	vst v63  }
0x98: {  	_ =	swait.ge [sflag:s21], $0x4000  }
0x99: {  	s31 =	smov.u32 s6;
	[sflag:s21] =	ssyncset.done $0x0  }
.Ltmp7:
0x9a: {  	_ = 	snop;
	(pc) =	sbr.rel .LBB2_6-.Ltmp7, $1  }
0x9b: {  	_ =	sdelay $0x3  }
.LBB2_11:
0x9c: {  	_ =	sfence.sel $0x180000  }
0x9d: {  	[bflag:$0x0] =	sbarrier.arrive $0xFFFF  }
0x9e: {  	_ =	strace $0x9000004D  }
0x9f: {  	[bflag:$0x2] =	sbarrier.arrive $0xFFFF  }
0xa0: {  	p0 =	sne.s32 s1, $0x0;
	s0 =	rddreg [dreg:$0x4]  }
0xa1: {  	s0 =	sadd.s32 @!p0 $0x100000, s0  }
0xa2: {  	[sflag:s0] =	ssyncadd.tile.s32 @!p0 $0x1;
	_ =	shalt  }
.Lfunc_end2:
_tile_overlayer_lowered:
.L_overlay_start_2:
0xa3: {  	(tag) =	ssettag $0x2  }
0xa4: {  	s0 =	rddreg [dreg:$0x0];
	s2 =	stileid.u32  }
0xa5: {  	s1 =	rddreg [dreg:$0x1];
	p0 =	sne.s32 s2, $0x0  }
0xa6: {  	s3 =	rddreg [dreg:$0x2];
	[bflag:$0x3] =	sbarrier.arrive $0xFFFF;
	s2 =	simm.s32 @!p0 $0x1C02  }
0xa7: {  	[timem:s3], [sflag:s2] =	dma.local @!p0 [hbm:s0], s1  }
0xa8: {  	s0 =	simm.s32 @!p0 $0x2  }
0xa9: {  	_ =	swait.ge @!p0 [sflag:s0], s1  }
0xaa: {  	s1 =	ssub.s32 @!p0 $0x0, s1;
	[sflag:s0] =	ssyncset.done @!p0 $0x0  }
0xab: {  	[sflag:s0] =	ssyncadd.s32 @!p0 s1  }
0xac: {  	[bflag:$0x3] =	sbarrier.arrive $0xFFFF  }
0xad: {  	_ =	shalt  }

// kernel: kernel.22.cloned.1.call-start
scs
__scs_entry_jumppad:
0x0: {  	(pc) =	sbr.rel $0x88, $3  }
0x1: {  	(tag) =	ssettag $0x0;
	lr =	simm.s32 $0x1  }
0x2: {  	[smem:$0x3F95] =	sst lr;
	_ =	strace $0xD0000000  }
0x3: {  	_ = 	snop  }
0x4: {  	_ = 	snop  }
0x5: {  	_ = 	snop  }
0x6: {  	_ = 	snop  }
0x7: {  	_ = 	snop  }
__scs_overlays_trampoline_lowered:
0x8: {  	[smem:$0x3FA4] =	sst s0  }
0x9: {  	[smem:$0x3FA5] =	sst s1  }
0xa: {  	[smem:$0x3FA6] =	sst s2  }
0xb: {  	[smem:$0x3FA7] =	sst s3  }
0xc: {  	[smem:$0x3FA8] =	sst s4  }
0xd: {  	[smem:$0x3FA9] =	sst s5  }
0xe: {  	[smem:$0x3FAA] =	sst s6  }
0xf: {  	[smem:$0x3FAB] =	sst s7  }
0x10: {  	[smem:$0x3FAC] =	sst s8  }
0x11: {  	[smem:$0x3FAD] =	sst s9;
	s0 =	simm.s32 @!p0 $0x0  }
0x12: {  	s1 =	sld [smem:$0x3F93];
	s0 =	simm.s32 @p0 $0x1  }
0x13: {  	[smem:$0x3FAE] =	sst s0;
	s0 =	simm.s32 @!p1 $0x0  }
0x14: {  	s2 =	sld [smem:$0x3F92];
	s0 =	simm.s32 @p1 $0x1  }
0x15: {  	[smem:$0x3FAF] =	sst s0;
	s0 =	simm.s32 @!p2 $0x0  }
0x16: {  	s3 =	sld [smem:$0x3FDB];
	s0 =	simm.s32 @p2 $0x1  }
0x17: {  	s4 =	simm.s32 $0x1BF5;
	[smem:$0x3FB1] =	sst s0  }
0x18: {  	s0 =	sld [smem:$0x3F94];
	_ =	swait.ge [sflag:s4], $0x0  }
0x19: {  	s7 =	sld [smem:$0x3F95]  }
0x1a: {  	s8 =	sadd.s32 $0xFFFFE003, lr  }
0x1b: {  	s9 =	sadd.s32 $0xFFFFFEF7, lr;
	s5 =	simm.s32 $0xFFFFFFFF;
	p2 =	slt.u32 s8, $0xFFFFF086  }
0x1c: {  	p1 =	slt.u32 s9, $0xF7A;
	s5 =	simm.s32 @!p2 $0x0  }
0x1d: {  	s5 =	simm.s32 @p1 $0x1;
	p0 =	seq.s32 s7, s2  }
0x1e: {  	s7 =	smul.u32 @!p0 $0xF7A, s2;
	p2 =	seq.s32 @!p0 s5, $0x0  }
0x1f: {  	s9 =	smul.u32 $0xF7A, s1;
	s8 =	simm.s32 @!p0 $0x1BF5;
	p2 =	por !p2, p0  }
0x20: {  	[sflag:s8] =	ssyncset.s32 @!p0 $0xFFFFF086;
	s6 =	sadd.s32 @!p0 s3, s7;
	s7 =	simm.s32 @!p0 $0x108  }
0x21: {  	s3 =	sadd.s32 s3, s9;
	s6 =	sadd.s32 @!p0 $0x88, s6;
	s7 =	simm.s32 @p2 $0x1082  }
0x22: {  	[simem:s7], [sflag:s8] =	dma.local @!p0 [hbm:s6], $0xF7A  }
0x23: {  	s9 =	sor.u32 $0xD0000000, s2;
	s6 =	simm.s32 $0x108;
	_ =	swait.ge @!p0 [sflag:s8], $0x0  }
0x24: {  	s3 =	sadd.s32 $0x88, s3;
	s6 =	simm.s32 @!p1 $0x1082;
	[sflag:s4] =	ssyncset.s32 $0xFFFFF086  }
0x25: {  	[simem:s6], [sflag:s4] =	dma.local [hbm:s3], $0xF7A  }
0x26: {  	[smem:$0x3F95] =	sst s1;
	(tag) =	ssettag s2;
	_ =	strace s9  }
0x27: {  	s1 =	sld [smem:$0x3FA5]  }
0x28: {  	s2 =	sld [smem:$0x3FA6]  }
0x29: {  	s4 =	sld [smem:$0x3FA8]  }
0x2a: {  	p0 =	seq.s32 s5, $0x0;
	s5 =	sld [smem:$0x3FA9]  }
0x2b: {  	s6 =	sld [smem:$0x3FAA]  }
0x2c: {  	s7 =	sld [smem:$0x3FAB]  }
0x2d: {  	s3 =	simm.s32 $0x108;
	s8 =	sld [smem:$0x3FAC]  }
0x2e: {  	s3 =	simm.s32 @!p0 $0x1082;
	s9 =	sld [smem:$0x3FAD]  }
0x2f: {  	lr =	sadd.s32 s0, s3;
	s0 =	sld [smem:$0x3FA4]  }
0x30: {  	s3 =	sld [smem:$0x3FA7]  }
0x31: {  	[smem:$0x3FB0] =	sst s10  }
0x32: {  	s10 =	sld [smem:$0x3FAE];
	_ =	sdelay $0x3  }
0x33: {  	p0 =	seq.s32 s10, $0x1;
	s10 =	sld [smem:$0x3FB0];
	_ =	sdelay $0x3  }
0x34: {  	[smem:$0x3FB0] =	sst s10  }
0x35: {  	s10 =	sld [smem:$0x3FAF];
	_ =	sdelay $0x3  }
0x36: {  	p1 =	seq.s32 s10, $0x1;
	s10 =	sld [smem:$0x3FB0];
	_ =	sdelay $0x3  }
0x37: {  	[smem:$0x3FB0] =	sst s10  }
0x38: {  	s10 =	sld [smem:$0x3FB1]  }
0x39: {  	_ = 	snop;
	(pc) =	sbr.ind lr, $3  }
0x3a: {  	_ = 	snop  }
0x3b: {  	_ = 	snop  }
0x3c: {  	p2 =	seq.s32 s10, $0x1;
	s10 =	sld [smem:$0x3FB0]  }
0x3d: {  	_ =	shalt  }
0x3e: {  	_ =	shalt  }
0x3f: {  	_ =	shalt  }
0x40: {  	_ =	shalt  }
0x41: {  	_ =	shalt  }
0x42: {  	_ =	shalt  }
0x43: {  	_ =	shalt  }
0x44: {  	_ =	shalt  }
0x45: {  	_ =	shalt  }
0x46: {  	_ =	shalt  }
0x47: {  	_ =	shalt  }
0x48: {  	_ =	shalt  }
0x49: {  	_ =	shalt  }
0x4a: {  	_ =	shalt  }
0x4b: {  	_ =	shalt  }
0x4c: {  	_ =	shalt  }
0x4d: {  	_ =	shalt  }
0x4e: {  	_ =	shalt  }
0x4f: {  	_ =	shalt  }
0x50: {  	_ =	shalt  }
0x51: {  	_ =	shalt  }
0x52: {  	_ =	shalt  }
0x53: {  	_ =	shalt  }
0x54: {  	_ =	shalt  }
0x55: {  	_ =	shalt  }
0x56: {  	_ =	shalt  }
0x57: {  	_ =	shalt  }
0x58: {  	_ =	shalt  }
0x59: {  	_ =	shalt  }
0x5a: {  	_ =	shalt  }
0x5b: {  	_ =	shalt  }
0x5c: {  	_ =	shalt  }
0x5d: {  	_ =	shalt  }
0x5e: {  	_ =	shalt  }
0x5f: {  	_ =	shalt  }
0x60: {  	_ =	shalt  }
0x61: {  	_ =	shalt  }
0x62: {  	_ =	shalt  }
0x63: {  	_ =	shalt  }
0x64: {  	_ =	shalt  }
0x65: {  	_ =	shalt  }
0x66: {  	_ =	shalt  }
0x67: {  	_ =	shalt  }
0x68: {  	_ =	shalt  }
0x69: {  	_ =	shalt  }
0x6a: {  	_ =	shalt  }
0x6b: {  	_ =	shalt  }
0x6c: {  	_ =	shalt  }
0x6d: {  	_ =	shalt  }
0x6e: {  	_ =	shalt  }
0x6f: {  	_ =	shalt  }
0x70: {  	_ =	shalt  }
0x71: {  	_ =	shalt  }
0x72: {  	_ =	shalt  }
0x73: {  	_ =	shalt  }
0x74: {  	_ =	shalt  }
0x75: {  	_ =	shalt  }
0x76: {  	_ =	shalt  }
0x77: {  	_ =	shalt  }
0x78: {  	_ =	shalt  }
0x79: {  	_ =	shalt  }
0x7a: {  	_ =	shalt  }
0x7b: {  	_ =	shalt  }
0x7c: {  	_ =	shalt  }
0x7d: {  	_ =	shalt  }
0x7e: {  	_ =	shalt  }
0x7f: {  	_ =	shalt  }
0x80: {  	_ =	shalt  }
0x81: {  	_ =	shalt  }
0x82: {  	_ =	shalt  }
0x83: {  	_ =	shalt  }
0x84: {  	_ =	shalt  }
0x85: {  	_ =	shalt  }
0x86: {  	_ =	shalt  }
0x87: {  	_ =	shalt  }
.Lfunc_end0:
.L_simem_size_0:
called_computation.3_lowered:
.L_overlay_start_0:
0x88: {  	s2 =	sld [smem:$0x3FD9]  }
0x89: {  	s3 =	sld [smem:$0x3FFE];
	_ =	sdelay $0x1  }
0x8a: {  	s1 =	srdreg.scid  }
0x8b: {  	s0 =	sand.u32 $0x1, s1  }
0x8c: {  	s14 =	sshll.u32 s0, $0xA;
	s2 =	sadd.s32 s3, s2  }
0x8d: {  	s2 =	sadd.s32 s2, s14  }
0x8e: {  	[smem:$0x3FBC] =	sst s2  }
0x8f: {  	_ = 	snop  }
0x90: {  	s2 =	sld [smem:$0x3FD0];
	_ =	sdelay $0x2  }
0x91: {  	s15 =	simm.s32 $0xA;
	s4 =	simm.s32 $0x10  }
0x92: {  	[smem:s4], [sflag:s15] =	dma.local [hbm:s2], $0x1  }
0x93: {  	_ =	swait.eq [sflag:s15], $0x1  }
0x94: {  	[sflag:s15] =	ssyncset.done $0x0  }
0x95: {  	s16 =	sld [smem:$0x10];
	[sflag:s15] =	ssyncadd.s32 $0xFFFFFFFF  }
0x96: {  	s17 =	sld [smem:$0x11];
	(tm) =	ssettm $0x1  }
0x97: {  	s18 =	sld [smem:$0x3FFB];
	_ =	sdelay $0x3  }
0x98: {  	_ =	strace s18  }
0x99: {  	s4 =	sld [smem:$0x3FFC];
	_ =	sdelay $0x3  }
0x9a: {  	_ =	strace s4  }
0x9b: {  	s4 =	sld [smem:$0x3FFD];
	_ =	sdelay $0x3  }
0x9c: {  	_ =	strace s4  }
0x9d: {  	_ =	strace $0x8FFFFFFF  }
0x9e: {  	s19 =	sld [smem:$0x3FDB];
	_ =	sdelay $0x1  }
0x9f: {  	s5 =	simm.s32 $_scs_section_size  }
0xa0: {  	s6 =	simm.s32 $_size__tile_overlayer_lowered;
	s7 =	simm.s32 $_tile_overlayer_lowered  }
0xa1: {  	s22 =	simm.s32 $0x1BFF;
	s21 =	sshll.u32 s7, $0x1;
	s4 =	sadd.s32 s5, s19  }
0xa2: {  	s8 =	simm.s32 $0x0;
	s20 =	sshll.u32 s6, $0x1;
	s6 =	sadd.s32 s21, s4  }
0xa3: {  	[timem:s8], [sflag:s22] =	dma.local [hbm:s6], s20  }
0xa4: {  	_ =	swait.ge [sflag:s22], s20  }
0xa5: {  	s5 =	ssub.s32 $0x0, s20;
	[sflag:s22] =	ssyncset.done $0x0  }
0xa6: {  	[sflag:s22] =	ssyncadd.s32 s5;
	_ =	sdelay $0x1  }
0xa7: {  	s23 =	simm.s32 $0x1B8B  }
0xa8: {  	_ =	swait.ge [sflag:s23], $0x1  }
0xa9: {  	[sflag:s23] =	ssyncset.done $0x0  }
0xaa: {  	s25 =	simm.s32 $0x1B8E;
	s24 =	sld [smem:$0x3FFE];
	[sflag:s23] =	ssyncadd.s32 $0xFFFFFFFF  }
0xab: {  	s26 =	simm.s32 $execute0_lowered;
	[smem:$0x3FD2] =	sst s25  }
0xac: {  	s6 =	sshll.u32 s26, $0x1;
	_ =	strace $0x8000004F;
	[dreg:$0x1] =	wrdreg $0xFFFFFFFF  }
0xad: {  	s28 =	simm.s32 $_size_execute0_lowered;
	s4 =	sadd.s32 s4, s6;
	[dreg:$0x0] =	wrdreg $0x0  }
0xae: {  	s6 =	sshll.u32 s28, $0x1;
	[dreg:$0x2] =	wrdreg s4  }
0xaf: {  	[dreg:$0x3] =	wrdreg s6  }
0xb0: {  	[dreg:$0x4] =	wrdreg $0xC0  }
0xb1: {  	_ =	task [dreg:s8], $0x5FFFF  }
0xb2: {  	[dreg:$0x1] =	wrdreg $0xFFFFFFFF  }
0xb3: {  	[dreg:$0x0] =	wrdreg $0x60  }
0xb4: {  	[dreg:$0x2] =	wrdreg s24  }
0xb5: {  	[dreg:$0x3] =	wrdreg s16  }
0xb6: {  	[dreg:$0x4] =	wrdreg s17  }
0xb7: {  	[dreg:$0x5] =	wrdreg $0xB8000  }
0xb8: {  	[dreg:$0x6] =	wrdreg $0x9  }
0xb9: {  	_ =	task.clear_ibuf [dreg:s8], $0x7FFFF;
	_ =	strace $0x9000004F  }
0xba: {  	s29 =	simm.s32 $0x9;
	_ =	strace $0x80000051  }
0xbb: {  	_ =	swait.ge [sflag:s29], $0x1  }
0xbc: {  	[sflag:s29] =	ssyncadd.s32 $0xFFFFFFFF  }
0xbd: {  	_ =	strace $0x90000051  }
0xbe: {  	_ =	sfence  }
0xbf: {  	s30 =	sld [smem:$0x0];
	_ =	sdelay $0x2  }
0xc0: {  	s31 =	sshll.u32 s1, $0xD;
	s1 =	sshrl.u32 s1, $0x2  }
0xc1: {  	s3 =	sand.u32 $0x4000, s31;
	s1 =	sadd.s32 s1, s30  }
0xc2: {  	s0 =	sor.u32 s3, s0;
	s1 =	sshll.u32 s1, $0x11  }
0xc3: {  	s0 =	sor.u32 s1, s0  }
0xc4: {  	s0 =	sadd.s32 $0x8F2B, s0  }
0xc5: {  	[sflag:s0] =	ssyncadd.remote.s32 $0x1  }
0xc6: {  	_ =	sfence.sel $0xFFFF  }
0xc7: {  	[dreg:$0x0] =	wrdreg $0xFFFFFFFF;
	(pc) =	sbr.abs _section_cstart, $3  }
0xc8: {  	[dreg:$0x1] =	wrdreg $0xFFFFFFFF  }
0xc9: {  	_ =	task.clear_ibuf [dreg:s8], $0x2FFFF;
	_ =	strace $0x9FFFFFFF  }
0xca: {  	(tm) =	ssettm $0x7FFFFFFF  }
0xcb: {  	_ =	shalt  }
tec
execute0_lowered:
.L_overlay_start_1:
0x0: {  	(tag) =	ssettag $0x1  }
0x1: {  	s5 =	rddreg [dreg:$0x0]  }
0x2: {  	s6 =	rddreg [dreg:$0x1]  }
0x3: {  	s19 =	rddreg [dreg:$0x2]  }
0x4: {  	s2 =	rddreg [dreg:$0x3];
	s1 =	stileid.u32  }
0x5: {  	s3 =	simm.s32 $0x0;
	s8 =	srdreg.scid;
	s7 =	smul.u32 $0x780, s1  }
0x6: {  	s28 =	simm.s32 $0x80;
	s29 =	simm.s32 $0x1;
	s9 =	smul.u32 $0x280, s1  }
0x7: {  	[smem:$0x7FF] =	sst s3;
	s4 =	sadd.s32 $0x11C00, s5;
	s11 =	smul.u32 $0x50000, s1  }
0x8: {  	s8 =	sand.u32 $0x1, s8;
	s14 =	smul.u32 $0x14000, s1;
	_ =	strace $0x80000050  }
0x9: {  	s26 =	ssub.s32 $0x2, s8;
	s18 =	smul.u32 $0x140000, s8;
	p0 =	seq.s32 s8, $0x1  }
0xa: {  	s10 =	sadd.s32 s7, s5;
	s12 =	sadd.s32 s9, s5;
	s13 =	sshrl.u32 s26, $0x1  }
0xb: {  	s11 =	sshrl.u32 s11, $0x2;
	s0 =	sadd.s32 s6, s7;
	s17 =	sshll.u32 s9, $0x7  }
0xc: {  	s13 =	ssub.s32 s26, s13;
	s5 =	sadd.s32 s11, s2;
	[dreg:$0x5] =	wrdreg s0  }
0xd: {  	s7 =	sadd.s32 $0x5400, s10;
	s30 =	sadd.s32 s18, s14;
	s8 =	sadd.s32 $0xF400, s12  }
0xe: {  	s9 =	sadd.s32 $0xCC00, s12;
	s20 =	sadd.s32 $0x4000, s17;
	s21 =	sadd.s32 $0x8000, s17  }
0xf: {  	s23 =	sadd.s32 $0xC000, s17;
	s25 =	sadd.s32 $0x10000, s17;
	s10 =	sshrl.u32 s30, $0x3  }
0x10: {  	s11 =	smax.u32 s13, $0x1;
	s12 =	sadd.s32 $0x4000, s5;
	s15 =	sadd.s32 s18, s20  }
0x11: {  	s13 =	sadd.s32 $0x8000, s5;
	s14 =	sadd.s32 $0xC000, s5;
	s22 =	sadd.s32 s20, s2  }
0x12: {  	s31 =	sadd.s32 s18, s21;
	s24 =	sadd.s32 s18, s23;
	s6 =	sadd.s32 s18, s25  }
0x13: {  	s26 =	sadd.s32 s21, s2;
	s25 =	sadd.s32 s25, s2;
	s21 =	simm.s32 $0x2  }
0x14: {  	s10 =	sadd.s32 s19, s10;
	s16 =	sshrl.u32 s15, $0x3;
	s15 =	sadd.s32 $0x10000, s5  }
.Ltmp0:
0x15: {  	s20 =	sshrl.u32 s31, $0x3;
	s0 =	sshrl.u32 s24, $0x3;
	(pc) =	sbr.rel .LBB2_1-.Ltmp0, $4  }
0x16: {  	s30 =	sshrl.u32 s6, $0x3;
	s31 =	sadd.s32 s23, s2;
	s22 =	sshrl.u32 s22, $0x3  }
0x17: {  	s23 =	sshrl.u32 s26, $0x3;
	s25 =	sshrl.u32 s25, $0x3;
	s26 =	simm.s32 $0x3C00  }
0x18: {  	s16 =	sadd.s32 s19, s16;
	s17 =	sadd.s32 s19, s20;
	s18 =	sadd.s32 s19, s0  }
0x19: {  	v0 =	vimm.f32 $0.0e+00;
	s19 =	sadd.s32 s19, s30;
	s20 =	simm.s32 $0x7800;
	s24 =	sshrl.u32 s31, $0x3  }
.LBB2_6:
0x1a: {  	s0 =	sshra.s32 s30, $0x2;
	[sflag:s21] =	ssyncadd.s32 $0xFFFFC000  }
0x1b: {  	[tilespmem:s20], [sflag:$0x1] =	stream.indirect.gather [hbm4b:s4+s28], $0x80, s0, s28, $0xb8;
	[tilespmem:$0x1F800] =	vst v63  }
0x1c: {  	_ =	swait.ge [sflag:s29], $0x4000  }
0x1d: {  	[sflag:s29] =	ssyncset.done $0x0  }
0x1e: {  	s0 =	sadd.s32 $0x3C00, s0;
	[sflag:s29] =	ssyncadd.s32 $0xFFFFC000  }
0x1f: {  	[spmem:s2] =	stream.indirect.scatter.add.f32 [tilespmem:s20], [sflag:$0x2], $0x80, s0, s28, $0xb8;
	[tilespmem:$0x1F800] =	vst v63  }
0x20: {  	_ =	swait.ge [sflag:s21], $0x4000  }
0x21: {  	[sflag:s21] =	ssyncset.done $0x0  }
0x22: {  	[sflag:s21] =	ssyncadd.s32 $0xFFFFC000  }
.LBB2_10:
0x23: {  	s0 =	sshll.u32 s1, $0x6  }
0x24: {  	[bflag:$0x0] =	sbarrier.arrive $0xFFFF;
	s6 =	sshrl.u32 s5, $0x3;
	s0 =	sor.u32 $0x1C02, s0  }
0x25: {  	[hbm:s10], [sflag:s0] =	dma.local [spmem:s6], $0x800  }
0x26: {  	_ =	swait.ge [sflag:s21], $0x800  }
0x27: {  	[sflag:s21] =	ssyncset.done $0x0  }
0x28: {  	[sflag:s21] =	ssyncadd.s32 $0xFFFFF800  }
0x29: {  	[hbm:s16], [sflag:s0] =	dma.local [spmem:s22], $0x800  }
0x2a: {  	_ =	swait.ge [sflag:s21], $0x800  }
0x2b: {  	[sflag:s21] =	ssyncset.done $0x0  }
0x2c: {  	[sflag:s21] =	ssyncadd.s32 $0xFFFFF800  }
0x2d: {  	[hbm:s17], [sflag:s0] =	dma.local [spmem:s23], $0x800  }
0x2e: {  	_ =	swait.ge [sflag:s21], $0x800  }
0x2f: {  	[sflag:s21] =	ssyncset.done $0x0  }
0x30: {  	[sflag:s21] =	ssyncadd.s32 $0xFFFFF800  }
0x31: {  	[hbm:s18], [sflag:s0] =	dma.local [spmem:s24], $0x800  }
0x32: {  	s3 =	sadd.s32 $0x1, s3;
	_ =	swait.ge [sflag:s21], $0x800  }
0x33: {  	p1 =	sne.s32 s3, s11;
	[sflag:s21] =	ssyncset.done $0x0  }
.Ltmp1:
0x34: {  	[sflag:s21] =	ssyncadd.s32 $0xFFFFF800;
	(pc) =	sbr.rel @!p1 .LBB2_11-.Ltmp1, $4  }
0x35: {  	[hbm:s19], [sflag:s0] =	dma.local [spmem:s25], $0x800  }
0x36: {  	_ =	swait.ge [sflag:s21], $0x800  }
0x37: {  	[sflag:s21] =	ssyncset.done $0x0  }
0x38: {  	[sflag:s21] =	ssyncadd.s32 $0xFFFFF800  }
.LBB2_1:
0x39: {  	s30 =	simm.s32 $0x0;
	s31 =	simm.s32 $0x200  }
.LBB2_2:
0x3a: {  	p1 =	sne.s32 s31, $0xFE00;
	[tilespmem:s30+$0x7870] =	vst v0  }
0x3b: {  	[tilespmem:s30+$0x7800] =	vst v0  }
0x3c: {  	[tilespmem:s30+$0x7810] =	vst v0  }
.Ltmp2:
0x3d: {  	[tilespmem:s30+$0x7820] =	vst v0;
	(pc) =	sbr.rel @p1 .LBB2_2-.Ltmp2, $4  }
0x3e: {  	[tilespmem:s30+$0x7830] =	vst v0  }
0x3f: {  	[tilespmem:s30+$0x7840] =	vst v0  }
0x40: {  	[tilespmem:s30+$0x7850] =	vst v0  }
0x41: {  	[tilespmem:s30+$0x7860] =	vst v0;
	s30 =	sshra.s32 s31, $0x2;
	s31 =	sadd.s32 $0x200, s31  }
0x42: {  	[tilespmem:s30+$0x7870] =	vst v0  }
0x43: {  	[tilespmem:s30+$0x7800] =	vst v0  }
0x44: {  	[tilespmem:s30+$0x7810] =	vst v0  }
0x45: {  	[tilespmem:s30+$0x7820] =	vst v0  }
0x46: {  	[tilespmem:s30+$0x7830] =	vst v0  }
0x47: {  	[tilespmem:s30+$0x7840] =	vst v0  }
0x48: {  	[tilespmem:s30+$0x7850] =	vst v0  }
0x49: {  	[tilespmem:s30+$0x7860] =	vst v0  }
0x4a: {  	[spmem:s5] =	stream.linear.scatter [tilespmem:s20], [sflag:$0x2], $0x4000, $0x38;
	[tilespmem:$0x1F800] =	vst v63  }
0x4b: {  	_ =	swait.ge [sflag:s21], $0x4000  }
0x4c: {  	[sflag:s21] =	ssyncset.done $0x0  }
0x4d: {  	[sflag:s21] =	ssyncadd.s32 $0xFFFFC000  }
0x4e: {  	[spmem:s12] =	stream.linear.scatter [tilespmem:s20], [sflag:$0x2], $0x4000, $0x38;
	[tilespmem:$0x1F800] =	vst v63  }
0x4f: {  	_ =	swait.ge [sflag:s21], $0x4000  }
0x50: {  	[sflag:s21] =	ssyncset.done $0x0  }
0x51: {  	[sflag:s21] =	ssyncadd.s32 $0xFFFFC000  }
0x52: {  	[spmem:s13] =	stream.linear.scatter [tilespmem:s20], [sflag:$0x2], $0x4000, $0x38;
	[tilespmem:$0x1F800] =	vst v63  }
0x53: {  	_ =	swait.ge [sflag:s21], $0x4000  }
0x54: {  	[sflag:s21] =	ssyncset.done $0x0  }
0x55: {  	[sflag:s21] =	ssyncadd.s32 $0xFFFFC000  }
0x56: {  	[spmem:s14] =	stream.linear.scatter [tilespmem:s20], [sflag:$0x2], $0x4000, $0x38;
	[tilespmem:$0x1F800] =	vst v63  }
0x57: {  	_ =	swait.ge [sflag:s21], $0x4000  }
0x58: {  	[sflag:s21] =	ssyncset.done $0x0  }
0x59: {  	[sflag:s21] =	ssyncadd.s32 $0xFFFFC000  }
0x5a: {  	[spmem:s15] =	stream.linear.scatter [tilespmem:s20], [sflag:$0x2], $0x4000, $0x38;
	[tilespmem:$0x1F800] =	vst v63  }
.Ltmp3:
0x5b: {  	_ =	swait.ge [sflag:s21], $0x4000;
	(pc) =	sbr.rel @!p0 .LBB2_4-.Ltmp3, $3  }
0x5c: {  	[sflag:s21] =	ssyncset.done $0x0  }
0x5d: {  	[sflag:s21] =	ssyncadd.s32 $0xFFFFC000  }
0x5e: {  	[bflag:$0x0] =	sbarrier.arrive $0xFFFF;
	_ =	sdelay $0x1  }
0x5f: {  	s0 =	simm.s32 $0x0  }
0x60: {  	[tilespmem:s0], [sflag:$0x2] =	stream.linear.gather [hbm4b:s8+s0], $0x1400, $0x38;
	[tilespmem:$0x1F800] =	vst v63  }
0x61: {  	_ =	swait.ge [sflag:s21], $0x1400  }
0x62: {  	[sflag:s21] =	ssyncset.done $0x0  }
0x63: {  	[sflag:s21] =	ssyncadd.s32 $0xFFFFEC00  }
0x64: {  	[tilespmem:s26], [sflag:$0x2] =	stream.linear.gather [hbm4b:s9+s0], $0x1400, $0x38;
	[tilespmem:$0x1F800] =	vst v63  }
0x65: {  	_ =	swait.ge [sflag:s21], $0x1400  }
0x66: {  	[sflag:s21] =	ssyncset.done $0x0  }
0x67: {  	s6 =	simm.s32 $0x0;
	[sflag:s21] =	ssyncadd.s32 $0xFFFFEC00  }
0x68: {  	[tilespmem:s20], [sflag:$0x1] =	stream.indirect.gather [hbm4b:s4+s28], $0x80, s6, s28, $0xb8;
	[tilespmem:$0x1F800] =	vst v63  }
0x69: {  	_ =	swait.ge [sflag:s29], $0x4000  }
0x6a: {  	[sflag:s29] =	ssyncset.done $0x0  }
0x6b: {  	s6 =	simm.s32 $0x3C00;
	[sflag:s29] =	ssyncadd.s32 $0xFFFFC000  }
0x6c: {  	[spmem:s2] =	stream.indirect.scatter.add.f32 [tilespmem:s20], [sflag:$0x2], $0x80, s6, s28, $0xb8;
	[tilespmem:$0x1F800] =	vst v63  }
0x6d: {  	_ =	swait.ge [sflag:s21], $0x4000  }
0x6e: {  	s30 =	simm.s32 $0x200;
	s31 =	simm.s32 $0x400;
	[sflag:s21] =	ssyncset.done $0x0  }
.LBB2_8:
0x6f: {  	s0 =	sshra.s32 s30, $0x2  }
0x70: {  	[sflag:s21] =	ssyncadd.s32 $0xFFFFC000;
	s30 =	smov.u32 s31;
	s6 =	sadd.s32 $0x200, s31  }
0x71: {  	[tilespmem:s20], [sflag:$0x1] =	stream.indirect.gather [hbm4b:s4+s28], $0x80, s0, s28, $0xb8;
	[tilespmem:$0x1F800] =	vst v63  }
0x72: {  	p1 =	sne.s32 s31, $0x4E00;
	_ =	swait.ge [sflag:s29], $0x4000  }
.Ltmp4:
0x73: {  	[sflag:s29] =	ssyncset.done $0x0;
	(pc) =	sbr.rel @p1 .LBB2_8-.Ltmp4, $4  }
0x74: {  	s0 =	sadd.s32 $0x3C00, s0;
	[sflag:s29] =	ssyncadd.s32 $0xFFFFC000  }
0x75: {  	[spmem:s2] =	stream.indirect.scatter.add.f32 [tilespmem:s20], [sflag:$0x2], $0x80, s0, s28, $0xb8;
	[tilespmem:$0x1F800] =	vst v63  }
0x76: {  	_ =	swait.ge [sflag:s21], $0x4000  }
0x77: {  	s31 =	smov.u32 s6;
	[sflag:s21] =	ssyncset.done $0x0  }
0x78: {  	s0 =	sshra.s32 s30, $0x2;
	[sflag:s21] =	ssyncadd.s32 $0xFFFFC000  }
0x79: {  	[tilespmem:s20], [sflag:$0x1] =	stream.indirect.gather [hbm4b:s4+s28], $0x80, s0, s28, $0xb8;
	[tilespmem:$0x1F800] =	vst v63  }
0x7a: {  	_ =	swait.ge [sflag:s29], $0x4000  }
0x7b: {  	[sflag:s29] =	ssyncset.done $0x0  }
.Ltmp5:
0x7c: {  	s0 =	sadd.s32 $0x3C00, s0;
	[sflag:s29] =	ssyncadd.s32 $0xFFFFC000;
	(pc) =	sbr.rel .LBB2_10-.Ltmp5, $4  }
0x7d: {  	[spmem:s2] =	stream.indirect.scatter.add.f32 [tilespmem:s20], [sflag:$0x2], $0x80, s0, s28, $0xb8;
	[tilespmem:$0x1F800] =	vst v63  }
0x7e: {  	_ =	swait.ge [sflag:s21], $0x4000  }
0x7f: {  	[sflag:s21] =	ssyncset.done $0x0  }
0x80: {  	[sflag:s21] =	ssyncadd.s32 $0xFFFFC000  }
.LBB2_4:
0x81: {  	s30 =	simm.s32 $0x0;
	s0 =	rddreg [dreg:$0x5]  }
0x82: {  	[tilespmem:s30], [sflag:$0x2] =	stream.linear.gather [hbm4b:s0+s30], $0x3C00, $0x38;
	[tilespmem:$0x1F800] =	vst v63  }
0x83: {  	_ =	swait.ge [sflag:s21], $0x3C00  }
0x84: {  	[sflag:s21] =	ssyncset.done $0x0  }
0x85: {  	[sflag:s21] =	ssyncadd.s32 $0xFFFFC400  }
0x86: {  	[tilespmem:s26], [sflag:$0x2] =	stream.linear.gather [hbm4b:s7+s30], $0x3C00, $0x38;
	[tilespmem:$0x1F800] =	vst v63  }
0x87: {  	_ =	swait.ge [sflag:s21], $0x3C00  }
0x88: {  	[sflag:s21] =	ssyncset.done $0x0  }
0x89: {  	s30 =	simm.s32 $0x0;
	[sflag:s21] =	ssyncadd.s32 $0xFFFFC400  }
0x8a: {  	[tilespmem:s20], [sflag:$0x1] =	stream.indirect.gather [hbm4b:s4+s28], $0x80, s30, s28, $0xb8;
	[tilespmem:$0x1F800] =	vst v63  }
0x8b: {  	_ =	swait.ge [sflag:s29], $0x4000  }
0x8c: {  	[sflag:s29] =	ssyncset.done $0x0  }
0x8d: {  	s30 =	simm.s32 $0x3C00;
	[sflag:s29] =	ssyncadd.s32 $0xFFFFC000  }
0x8e: {  	[spmem:s2] =	stream.indirect.scatter.add.f32 [tilespmem:s20], [sflag:$0x2], $0x80, s30, s28, $0xb8;
	[tilespmem:$0x1F800] =	vst v63  }
0x8f: {  	_ =	swait.ge [sflag:s21], $0x4000  }
0x90: {  	s31 =	simm.s32 $0x400;
	s30 =	simm.s32 $0x200;
	[sflag:s21] =	ssyncset.done $0x0  }
.LBB2_5:
0x91: {  	s0 =	sshra.s32 s30, $0x2  }
0x92: {  	[sflag:s21] =	ssyncadd.s32 $0xFFFFC000;
	s30 =	smov.u32 s31;
	s6 =	sadd.s32 $0x200, s31  }
0x93: {  	[tilespmem:s20], [sflag:$0x1] =	stream.indirect.gather [hbm4b:s4+s28], $0x80, s0, s28, $0xb8;
	[tilespmem:$0x1F800] =	vst v63  }
0x94: {  	p1 =	seq.s32 s31, $0xEE00;
	_ =	swait.ge [sflag:s29], $0x4000  }
.Ltmp6:
0x95: {  	[sflag:s29] =	ssyncset.done $0x0;
	(pc) =	sbr.rel @!p1 .LBB2_5-.Ltmp6, $4  }
0x96: {  	s0 =	sadd.s32 $0x3C00, s0;
	[sflag:s29] =	ssyncadd.s32 $0xFFFFC000  }
0x97: {  	[spmem:s2] =	stream.indirect.scatter.add.f32 [tilespmem:s20], [sflag:$0x2], $0x80, s0, s28, $0xb8;
	[tilespmem:$0x1F800] =	vst v63  }
0x98: {  	_ =	swait.ge [sflag:s21], $0x4000  }
0x99: {  	s31 =	smov.u32 s6;
	[sflag:s21] =	ssyncset.done $0x0  }
.Ltmp7:
0x9a: {  	_ = 	snop;
	(pc) =	sbr.rel .LBB2_6-.Ltmp7, $1  }
0x9b: {  	_ =	sdelay $0x3  }
.LBB2_11:
0x9c: {  	_ =	sfence.sel $0x180000  }
0x9d: {  	[bflag:$0x0] =	sbarrier.arrive $0xFFFF  }
0x9e: {  	_ =	strace $0x90000050  }
0x9f: {  	[bflag:$0x2] =	sbarrier.arrive $0xFFFF  }
0xa0: {  	p0 =	sne.s32 s1, $0x0;
	s0 =	rddreg [dreg:$0x4]  }
0xa1: {  	s0 =	sadd.s32 @!p0 $0x100000, s0  }
0xa2: {  	[sflag:s0] =	ssyncadd.tile.s32 @!p0 $0x1;
	_ =	shalt  }
.Lfunc_end2:
_tile_overlayer_lowered:
.L_overlay_start_2:
0xa3: {  	(tag) =	ssettag $0x2  }
0xa4: {  	s0 =	rddreg [dreg:$0x0];
	s2 =	stileid.u32  }
0xa5: {  	s1 =	rddreg [dreg:$0x1];
	p0 =	sne.s32 s2, $0x0  }
0xa6: {  	s3 =	rddreg [dreg:$0x2];
	[bflag:$0x3] =	sbarrier.arrive $0xFFFF;
	s2 =	simm.s32 @!p0 $0x1C02  }
0xa7: {  	[timem:s3], [sflag:s2] =	dma.local @!p0 [hbm:s0], s1  }
0xa8: {  	s0 =	simm.s32 @!p0 $0x2  }
0xa9: {  	_ =	swait.ge @!p0 [sflag:s0], s1  }
0xaa: {  	s1 =	ssub.s32 @!p0 $0x0, s1;
	[sflag:s0] =	ssyncset.done @!p0 $0x0  }
0xab: {  	[sflag:s0] =	ssyncadd.s32 @!p0 s1  }
0xac: {  	[bflag:$0x3] =	sbarrier.arrive $0xFFFF  }
0xad: {  	_ =	shalt  }

// kernel: kernel.25.cloned.1.call-start
scs
__scs_entry_jumppad:
0x0: {  	(pc) =	sbr.rel $0x88, $3  }
0x1: {  	(tag) =	ssettag $0x0;
	lr =	simm.s32 $0x1  }
0x2: {  	[smem:$0x3F95] =	sst lr;
	_ =	strace $0xD0000000  }
0x3: {  	_ = 	snop  }
0x4: {  	_ = 	snop  }
0x5: {  	_ = 	snop  }
0x6: {  	_ = 	snop  }
0x7: {  	_ = 	snop  }
__scs_overlays_trampoline_lowered:
0x8: {  	[smem:$0x3FA4] =	sst s0  }
0x9: {  	[smem:$0x3FA5] =	sst s1  }
0xa: {  	[smem:$0x3FA6] =	sst s2  }
0xb: {  	[smem:$0x3FA7] =	sst s3  }
0xc: {  	[smem:$0x3FA8] =	sst s4  }
0xd: {  	[smem:$0x3FA9] =	sst s5  }
0xe: {  	[smem:$0x3FAA] =	sst s6  }
0xf: {  	[smem:$0x3FAB] =	sst s7  }
0x10: {  	[smem:$0x3FAC] =	sst s8  }
0x11: {  	[smem:$0x3FAD] =	sst s9;
	s0 =	simm.s32 @!p0 $0x0  }
0x12: {  	s1 =	sld [smem:$0x3F93];
	s0 =	simm.s32 @p0 $0x1  }
0x13: {  	[smem:$0x3FAE] =	sst s0;
	s0 =	simm.s32 @!p1 $0x0  }
0x14: {  	s2 =	sld [smem:$0x3F92];
	s0 =	simm.s32 @p1 $0x1  }
0x15: {  	[smem:$0x3FAF] =	sst s0;
	s0 =	simm.s32 @!p2 $0x0  }
0x16: {  	s3 =	sld [smem:$0x3FDB];
	s0 =	simm.s32 @p2 $0x1  }
0x17: {  	s4 =	simm.s32 $0x1BF5;
	[smem:$0x3FB1] =	sst s0  }
0x18: {  	s0 =	sld [smem:$0x3F94];
	_ =	swait.ge [sflag:s4], $0x0  }
0x19: {  	s7 =	sld [smem:$0x3F95]  }
0x1a: {  	s8 =	sadd.s32 $0xFFFFE003, lr  }
0x1b: {  	s9 =	sadd.s32 $0xFFFFFEF7, lr;
	s5 =	simm.s32 $0xFFFFFFFF;
	p2 =	slt.u32 s8, $0xFFFFF086  }
0x1c: {  	p1 =	slt.u32 s9, $0xF7A;
	s5 =	simm.s32 @!p2 $0x0  }
0x1d: {  	s5 =	simm.s32 @p1 $0x1;
	p0 =	seq.s32 s7, s2  }
0x1e: {  	s7 =	smul.u32 @!p0 $0xF7A, s2;
	p2 =	seq.s32 @!p0 s5, $0x0  }
0x1f: {  	s9 =	smul.u32 $0xF7A, s1;
	s8 =	simm.s32 @!p0 $0x1BF5;
	p2 =	por !p2, p0  }
0x20: {  	[sflag:s8] =	ssyncset.s32 @!p0 $0xFFFFF086;
	s6 =	sadd.s32 @!p0 s3, s7;
	s7 =	simm.s32 @!p0 $0x108  }
0x21: {  	s3 =	sadd.s32 s3, s9;
	s6 =	sadd.s32 @!p0 $0x88, s6;
	s7 =	simm.s32 @p2 $0x1082  }
0x22: {  	[simem:s7], [sflag:s8] =	dma.local @!p0 [hbm:s6], $0xF7A  }
0x23: {  	s9 =	sor.u32 $0xD0000000, s2;
	s6 =	simm.s32 $0x108;
	_ =	swait.ge @!p0 [sflag:s8], $0x0  }
0x24: {  	s3 =	sadd.s32 $0x88, s3;
	s6 =	simm.s32 @!p1 $0x1082;
	[sflag:s4] =	ssyncset.s32 $0xFFFFF086  }
0x25: {  	[simem:s6], [sflag:s4] =	dma.local [hbm:s3], $0xF7A  }
0x26: {  	[smem:$0x3F95] =	sst s1;
	(tag) =	ssettag s2;
	_ =	strace s9  }
0x27: {  	s1 =	sld [smem:$0x3FA5]  }
0x28: {  	s2 =	sld [smem:$0x3FA6]  }
0x29: {  	s4 =	sld [smem:$0x3FA8]  }
0x2a: {  	p0 =	seq.s32 s5, $0x0;
	s5 =	sld [smem:$0x3FA9]  }
0x2b: {  	s6 =	sld [smem:$0x3FAA]  }
0x2c: {  	s7 =	sld [smem:$0x3FAB]  }
0x2d: {  	s3 =	simm.s32 $0x108;
	s8 =	sld [smem:$0x3FAC]  }
0x2e: {  	s3 =	simm.s32 @!p0 $0x1082;
	s9 =	sld [smem:$0x3FAD]  }
0x2f: {  	lr =	sadd.s32 s0, s3;
	s0 =	sld [smem:$0x3FA4]  }
0x30: {  	s3 =	sld [smem:$0x3FA7]  }
0x31: {  	[smem:$0x3FB0] =	sst s10  }
0x32: {  	s10 =	sld [smem:$0x3FAE];
	_ =	sdelay $0x3  }
0x33: {  	p0 =	seq.s32 s10, $0x1;
	s10 =	sld [smem:$0x3FB0];
	_ =	sdelay $0x3  }
0x34: {  	[smem:$0x3FB0] =	sst s10  }
0x35: {  	s10 =	sld [smem:$0x3FAF];
	_ =	sdelay $0x3  }
0x36: {  	p1 =	seq.s32 s10, $0x1;
	s10 =	sld [smem:$0x3FB0];
	_ =	sdelay $0x3  }
0x37: {  	[smem:$0x3FB0] =	sst s10  }
0x38: {  	s10 =	sld [smem:$0x3FB1]  }
0x39: {  	_ = 	snop;
	(pc) =	sbr.ind lr, $3  }
0x3a: {  	_ = 	snop  }
0x3b: {  	_ = 	snop  }
0x3c: {  	p2 =	seq.s32 s10, $0x1;
	s10 =	sld [smem:$0x3FB0]  }
0x3d: {  	_ =	shalt  }
0x3e: {  	_ =	shalt  }
0x3f: {  	_ =	shalt  }
0x40: {  	_ =	shalt  }
0x41: {  	_ =	shalt  }
0x42: {  	_ =	shalt  }
0x43: {  	_ =	shalt  }
0x44: {  	_ =	shalt  }
0x45: {  	_ =	shalt  }
0x46: {  	_ =	shalt  }
0x47: {  	_ =	shalt  }
0x48: {  	_ =	shalt  }
0x49: {  	_ =	shalt  }
0x4a: {  	_ =	shalt  }
0x4b: {  	_ =	shalt  }
0x4c: {  	_ =	shalt  }
0x4d: {  	_ =	shalt  }
0x4e: {  	_ =	shalt  }
0x4f: {  	_ =	shalt  }
0x50: {  	_ =	shalt  }
0x51: {  	_ =	shalt  }
0x52: {  	_ =	shalt  }
0x53: {  	_ =	shalt  }
0x54: {  	_ =	shalt  }
0x55: {  	_ =	shalt  }
0x56: {  	_ =	shalt  }
0x57: {  	_ =	shalt  }
0x58: {  	_ =	shalt  }
0x59: {  	_ =	shalt  }
0x5a: {  	_ =	shalt  }
0x5b: {  	_ =	shalt  }
0x5c: {  	_ =	shalt  }
0x5d: {  	_ =	shalt  }
0x5e: {  	_ =	shalt  }
0x5f: {  	_ =	shalt  }
0x60: {  	_ =	shalt  }
0x61: {  	_ =	shalt  }
0x62: {  	_ =	shalt  }
0x63: {  	_ =	shalt  }
0x64: {  	_ =	shalt  }
0x65: {  	_ =	shalt  }
0x66: {  	_ =	shalt  }
0x67: {  	_ =	shalt  }
0x68: {  	_ =	shalt  }
0x69: {  	_ =	shalt  }
0x6a: {  	_ =	shalt  }
0x6b: {  	_ =	shalt  }
0x6c: {  	_ =	shalt  }
0x6d: {  	_ =	shalt  }
0x6e: {  	_ =	shalt  }
0x6f: {  	_ =	shalt  }
0x70: {  	_ =	shalt  }
0x71: {  	_ =	shalt  }
0x72: {  	_ =	shalt  }
0x73: {  	_ =	shalt  }
0x74: {  	_ =	shalt  }
0x75: {  	_ =	shalt  }
0x76: {  	_ =	shalt  }
0x77: {  	_ =	shalt  }
0x78: {  	_ =	shalt  }
0x79: {  	_ =	shalt  }
0x7a: {  	_ =	shalt  }
0x7b: {  	_ =	shalt  }
0x7c: {  	_ =	shalt  }
0x7d: {  	_ =	shalt  }
0x7e: {  	_ =	shalt  }
0x7f: {  	_ =	shalt  }
0x80: {  	_ =	shalt  }
0x81: {  	_ =	shalt  }
0x82: {  	_ =	shalt  }
0x83: {  	_ =	shalt  }
0x84: {  	_ =	shalt  }
0x85: {  	_ =	shalt  }
0x86: {  	_ =	shalt  }
0x87: {  	_ =	shalt  }
.Lfunc_end0:
.L_simem_size_0:
called_computation.4_lowered:
.L_overlay_start_0:
0x88: {  	s2 =	sld [smem:$0x3FD9]  }
0x89: {  	s3 =	sld [smem:$0x3FFE];
	_ =	sdelay $0x1  }
0x8a: {  	s1 =	srdreg.scid  }
0x8b: {  	s0 =	sand.u32 $0x1, s1  }
0x8c: {  	s14 =	sshll.u32 s0, $0xA;
	s2 =	sadd.s32 s3, s2  }
0x8d: {  	s2 =	sadd.s32 s2, s14  }
0x8e: {  	[smem:$0x3FBC] =	sst s2  }
0x8f: {  	_ = 	snop  }
0x90: {  	s2 =	sld [smem:$0x3FD0];
	_ =	sdelay $0x2  }
0x91: {  	s15 =	simm.s32 $0xA;
	s4 =	simm.s32 $0x10  }
0x92: {  	[smem:s4], [sflag:s15] =	dma.local [hbm:s2], $0x1  }
0x93: {  	_ =	swait.eq [sflag:s15], $0x1  }
0x94: {  	[sflag:s15] =	ssyncset.done $0x0  }
0x95: {  	[sflag:s15] =	ssyncadd.s32 $0xFFFFFFFF  }
0x96: {  	s16 =	sld [smem:$0x10];
	(tm) =	ssettm $0x1  }
0x97: {  	s17 =	sld [smem:$0x3FFB];
	_ =	sdelay $0x3  }
0x98: {  	_ =	strace s17  }
0x99: {  	s3 =	sld [smem:$0x3FFC];
	_ =	sdelay $0x3  }
0x9a: {  	_ =	strace s3  }
0x9b: {  	s3 =	sld [smem:$0x3FFD];
	_ =	sdelay $0x3  }
0x9c: {  	_ =	strace s3  }
0x9d: {  	_ =	strace $0x8FFFFFFF  }
0x9e: {  	s18 =	sld [smem:$0x3FDB];
	_ =	sdelay $0x1  }
0x9f: {  	s19 =	simm.s32 $_scs_section_size  }
0xa0: {  	s5 =	simm.s32 $_size__tile_overlayer_lowered;
	s6 =	simm.s32 $_tile_overlayer_lowered  }
0xa1: {  	s22 =	simm.s32 $0x1BFF;
	s21 =	sshll.u32 s6, $0x1;
	s3 =	sadd.s32 s19, s18  }
0xa2: {  	s7 =	simm.s32 $0x0;
	s20 =	sshll.u32 s5, $0x1;
	s5 =	sadd.s32 s21, s3  }
0xa3: {  	[timem:s7], [sflag:s22] =	dma.local [hbm:s5], s20  }
0xa4: {  	_ =	swait.ge [sflag:s22], s20  }
0xa5: {  	s4 =	ssub.s32 $0x0, s20;
	[sflag:s22] =	ssyncset.done $0x0  }
0xa6: {  	[sflag:s22] =	ssyncadd.s32 s4;
	_ =	sdelay $0x1  }
0xa7: {  	s23 =	simm.s32 $0x1B8B  }
0xa8: {  	_ =	swait.ge [sflag:s23], $0x1  }
0xa9: {  	[sflag:s23] =	ssyncset.done $0x0  }
0xaa: {  	s25 =	simm.s32 $0x1B8E;
	s24 =	sld [smem:$0x3FFE];
	[sflag:s23] =	ssyncadd.s32 $0xFFFFFFFF  }
0xab: {  	s26 =	simm.s32 $execute0_lowered;
	[smem:$0x3FD2] =	sst s25  }
0xac: {  	s5 =	sshll.u32 s26, $0x1;
	_ =	strace $0x80000052;
	[dreg:$0x1] =	wrdreg $0xFFFFFFFF  }
0xad: {  	s28 =	simm.s32 $_size_execute0_lowered;
	s3 =	sadd.s32 s3, s5;
	[dreg:$0x0] =	wrdreg $0x0  }
0xae: {  	s5 =	sshll.u32 s28, $0x1;
	[dreg:$0x2] =	wrdreg s3  }
0xaf: {  	[dreg:$0x3] =	wrdreg s5  }
0xb0: {  	[dreg:$0x4] =	wrdreg $0xC0  }
0xb1: {  	_ =	task [dreg:s7], $0x5FFFF  }
0xb2: {  	[dreg:$0x1] =	wrdreg $0xFFFFFFFF  }
0xb3: {  	[dreg:$0x0] =	wrdreg $0x60  }
0xb4: {  	[dreg:$0x2] =	wrdreg s24  }
0xb5: {  	[dreg:$0x3] =	wrdreg s16  }
0xb6: {  	[dreg:$0x4] =	wrdreg $0xB8000  }
0xb7: {  	[dreg:$0x5] =	wrdreg $0x9  }
0xb8: {  	_ =	task.clear_ibuf [dreg:s7], $0x6FFFF;
	_ =	strace $0x90000052  }
0xb9: {  	s29 =	simm.s32 $0x9;
	_ =	strace $0x80000054  }
0xba: {  	_ =	swait.ge [sflag:s29], $0x1  }
0xbb: {  	[sflag:s29] =	ssyncadd.s32 $0xFFFFFFFF  }
0xbc: {  	_ =	strace $0x90000054  }
0xbd: {  	_ =	sfence  }
0xbe: {  	s30 =	sld [smem:$0x0];
	_ =	sdelay $0x2  }
0xbf: {  	s31 =	sshll.u32 s1, $0xD;
	s1 =	sshrl.u32 s1, $0x2  }
0xc0: {  	s3 =	sand.u32 $0x4000, s31;
	s1 =	sadd.s32 s1, s30  }
0xc1: {  	s0 =	sor.u32 s3, s0;
	s1 =	sshll.u32 s1, $0x11  }
0xc2: {  	s0 =	sor.u32 s1, s0  }
0xc3: {  	s0 =	sadd.s32 $0x8F2B, s0  }
0xc4: {  	[sflag:s0] =	ssyncadd.remote.s32 $0x1  }
0xc5: {  	_ =	sfence.sel $0xFFFF  }
0xc6: {  	[dreg:$0x0] =	wrdreg $0xFFFFFFFF;
	(pc) =	sbr.abs _section_cstart, $3  }
0xc7: {  	[dreg:$0x1] =	wrdreg $0xFFFFFFFF  }
0xc8: {  	_ =	task.clear_ibuf [dreg:s7], $0x2FFFF;
	_ =	strace $0x9FFFFFFF  }
0xc9: {  	(tm) =	ssettm $0x7FFFFFFF  }
tec
execute0_lowered:
.L_overlay_start_1:
0x0: {  	(tag) =	ssettag $0x1  }
0x1: {  	s5 =	rddreg [dreg:$0x0]  }
0x2: {  	s6 =	rddreg [dreg:$0x1]  }
0x3: {  	s2 =	rddreg [dreg:$0x2];
	s3 =	simm.s32 $0x0;
	s1 =	stileid.u32  }
0x4: {  	s10 =	srdreg.scid;
	s28 =	simm.s32 $0x80;
	s7 =	smul.u32 $0x780, s1  }
0x5: {  	s29 =	simm.s32 $0x1;
	[smem:$0x7FF] =	sst s3;
	s9 =	smul.u32 $0x280, s1  }
0x6: {  	s4 =	sadd.s32 $0x11C00, s5;
	s10 =	sand.u32 $0x1, s10;
	s12 =	smul.u32 $0x50000, s1  }
0x7: {  	s19 =	sadd.s32 $0x39C00, s5;
	s14 =	smul.u32 $0x14000, s1;
	_ =	strace $0x80000053  }
0x8: {  	s26 =	ssub.s32 $0x2, s10;
	s18 =	smul.u32 $0x140000, s10;
	p0 =	seq.s32 s10, $0x1  }
0x9: {  	s8 =	sadd.s32 s7, s5;
	s11 =	sadd.s32 s9, s5;
	s13 =	sshrl.u32 s26, $0x1  }
0xa: {  	s12 =	sshrl.u32 s12, $0x2;
	s0 =	sadd.s32 s6, s7;
	s17 =	sshll.u32 s9, $0x7  }
0xb: {  	s13 =	ssub.s32 s26, s13;
	s5 =	sadd.s32 s12, s2;
	[dreg:$0x4] =	wrdreg s0  }
0xc: {  	s7 =	sadd.s32 $0x5400, s8;
	s30 =	sadd.s32 s18, s14;
	s8 =	sadd.s32 $0xF400, s11  }
0xd: {  	s9 =	sadd.s32 $0xCC00, s11;
	s20 =	sadd.s32 $0x4000, s17;
	s21 =	sadd.s32 $0x8000, s17  }
0xe: {  	s23 =	sadd.s32 $0xC000, s17;
	s25 =	sadd.s32 $0x10000, s17;
	s10 =	sshrl.u32 s30, $0x3  }
0xf: {  	s11 =	smax.u32 s13, $0x1;
	s12 =	sadd.s32 $0x4000, s5;
	s15 =	sadd.s32 s18, s20  }
0x10: {  	s13 =	sadd.s32 $0x8000, s5;
	s14 =	sadd.s32 $0xC000, s5;
	s22 =	sadd.s32 s20, s2  }
0x11: {  	s31 =	sadd.s32 s18, s21;
	s24 =	sadd.s32 s18, s23;
	s6 =	sadd.s32 s18, s25  }
0x12: {  	s26 =	sadd.s32 s21, s2;
	s25 =	sadd.s32 s25, s2;
	s21 =	simm.s32 $0x2  }
0x13: {  	s10 =	sadd.s32 s19, s10;
	s16 =	sshrl.u32 s15, $0x3;
	s15 =	sadd.s32 $0x10000, s5  }
.Ltmp0:
0x14: {  	s20 =	sshrl.u32 s31, $0x3;
	s0 =	sshrl.u32 s24, $0x3;
	(pc) =	sbr.rel .LBB2_1-.Ltmp0, $4  }
0x15: {  	s30 =	sshrl.u32 s6, $0x3;
	s31 =	sadd.s32 s23, s2;
	s22 =	sshrl.u32 s22, $0x3  }
0x16: {  	s23 =	sshrl.u32 s26, $0x3;
	s25 =	sshrl.u32 s25, $0x3;
	s26 =	simm.s32 $0x3C00  }
0x17: {  	s16 =	sadd.s32 s19, s16;
	s17 =	sadd.s32 s19, s20;
	s18 =	sadd.s32 s19, s0  }
0x18: {  	v0 =	vimm.f32 $0.0e+00;
	s19 =	sadd.s32 s19, s30;
	s20 =	simm.s32 $0x7800;
	s24 =	sshrl.u32 s31, $0x3  }
.LBB2_6:
0x19: {  	s0 =	sshra.s32 s30, $0x2;
	[sflag:s21] =	ssyncadd.s32 $0xFFFFC000  }
0x1a: {  	[tilespmem:s20], [sflag:$0x1] =	stream.indirect.gather [hbm4b:s4+s28], $0x80, s0, s28, $0xb8;
	[tilespmem:$0x1F800] =	vst v63  }
0x1b: {  	_ =	swait.ge [sflag:s29], $0x4000  }
0x1c: {  	[sflag:s29] =	ssyncset.done $0x0  }
0x1d: {  	s0 =	sadd.s32 $0x3C00, s0;
	[sflag:s29] =	ssyncadd.s32 $0xFFFFC000  }
0x1e: {  	[spmem:s2] =	stream.indirect.scatter.add.f32 [tilespmem:s20], [sflag:$0x2], $0x80, s0, s28, $0xb8;
	[tilespmem:$0x1F800] =	vst v63  }
0x1f: {  	_ =	swait.ge [sflag:s21], $0x4000  }
0x20: {  	[sflag:s21] =	ssyncset.done $0x0  }
0x21: {  	[sflag:s21] =	ssyncadd.s32 $0xFFFFC000  }
.LBB2_10:
0x22: {  	s0 =	sshll.u32 s1, $0x6  }
0x23: {  	[bflag:$0x0] =	sbarrier.arrive $0xFFFF;
	s6 =	sshrl.u32 s5, $0x3;
	s0 =	sor.u32 $0x1C02, s0  }
0x24: {  	[hbm:s10], [sflag:s0] =	dma.local [spmem:s6], $0x800  }
0x25: {  	_ =	swait.ge [sflag:s21], $0x800  }
0x26: {  	[sflag:s21] =	ssyncset.done $0x0  }
0x27: {  	[sflag:s21] =	ssyncadd.s32 $0xFFFFF800  }
0x28: {  	[hbm:s16], [sflag:s0] =	dma.local [spmem:s22], $0x800  }
0x29: {  	_ =	swait.ge [sflag:s21], $0x800  }
0x2a: {  	[sflag:s21] =	ssyncset.done $0x0  }
0x2b: {  	[sflag:s21] =	ssyncadd.s32 $0xFFFFF800  }
0x2c: {  	[hbm:s17], [sflag:s0] =	dma.local [spmem:s23], $0x800  }
0x2d: {  	_ =	swait.ge [sflag:s21], $0x800  }
0x2e: {  	[sflag:s21] =	ssyncset.done $0x0  }
0x2f: {  	[sflag:s21] =	ssyncadd.s32 $0xFFFFF800  }
0x30: {  	[hbm:s18], [sflag:s0] =	dma.local [spmem:s24], $0x800  }
0x31: {  	s3 =	sadd.s32 $0x1, s3;
	_ =	swait.ge [sflag:s21], $0x800  }
0x32: {  	p1 =	sne.s32 s3, s11;
	[sflag:s21] =	ssyncset.done $0x0  }
.Ltmp1:
0x33: {  	[sflag:s21] =	ssyncadd.s32 $0xFFFFF800;
	(pc) =	sbr.rel @!p1 .LBB2_11-.Ltmp1, $4  }
0x34: {  	[hbm:s19], [sflag:s0] =	dma.local [spmem:s25], $0x800  }
0x35: {  	_ =	swait.ge [sflag:s21], $0x800  }
0x36: {  	[sflag:s21] =	ssyncset.done $0x0  }
0x37: {  	[sflag:s21] =	ssyncadd.s32 $0xFFFFF800  }
.LBB2_1:
0x38: {  	s30 =	simm.s32 $0x0;
	s31 =	simm.s32 $0x200  }
.LBB2_2:
0x39: {  	p1 =	sne.s32 s31, $0xFE00;
	[tilespmem:s30+$0x7870] =	vst v0  }
0x3a: {  	[tilespmem:s30+$0x7800] =	vst v0  }
0x3b: {  	[tilespmem:s30+$0x7810] =	vst v0  }
.Ltmp2:
0x3c: {  	[tilespmem:s30+$0x7820] =	vst v0;
	(pc) =	sbr.rel @p1 .LBB2_2-.Ltmp2, $4  }
0x3d: {  	[tilespmem:s30+$0x7830] =	vst v0  }
0x3e: {  	[tilespmem:s30+$0x7840] =	vst v0  }
0x3f: {  	[tilespmem:s30+$0x7850] =	vst v0  }
0x40: {  	[tilespmem:s30+$0x7860] =	vst v0;
	s30 =	sshra.s32 s31, $0x2;
	s31 =	sadd.s32 $0x200, s31  }
0x41: {  	[tilespmem:s30+$0x7870] =	vst v0  }
0x42: {  	[tilespmem:s30+$0x7800] =	vst v0  }
0x43: {  	[tilespmem:s30+$0x7810] =	vst v0  }
0x44: {  	[tilespmem:s30+$0x7820] =	vst v0  }
0x45: {  	[tilespmem:s30+$0x7830] =	vst v0  }
0x46: {  	[tilespmem:s30+$0x7840] =	vst v0  }
0x47: {  	[tilespmem:s30+$0x7850] =	vst v0  }
0x48: {  	[tilespmem:s30+$0x7860] =	vst v0  }
0x49: {  	[spmem:s5] =	stream.linear.scatter [tilespmem:s20], [sflag:$0x2], $0x4000, $0x38;
	[tilespmem:$0x1F800] =	vst v63  }
0x4a: {  	_ =	swait.ge [sflag:s21], $0x4000  }
0x4b: {  	[sflag:s21] =	ssyncset.done $0x0  }
0x4c: {  	[sflag:s21] =	ssyncadd.s32 $0xFFFFC000  }
0x4d: {  	[spmem:s12] =	stream.linear.scatter [tilespmem:s20], [sflag:$0x2], $0x4000, $0x38;
	[tilespmem:$0x1F800] =	vst v63  }
0x4e: {  	_ =	swait.ge [sflag:s21], $0x4000  }
0x4f: {  	[sflag:s21] =	ssyncset.done $0x0  }
0x50: {  	[sflag:s21] =	ssyncadd.s32 $0xFFFFC000  }
0x51: {  	[spmem:s13] =	stream.linear.scatter [tilespmem:s20], [sflag:$0x2], $0x4000, $0x38;
	[tilespmem:$0x1F800] =	vst v63  }
0x52: {  	_ =	swait.ge [sflag:s21], $0x4000  }
0x53: {  	[sflag:s21] =	ssyncset.done $0x0  }
0x54: {  	[sflag:s21] =	ssyncadd.s32 $0xFFFFC000  }
0x55: {  	[spmem:s14] =	stream.linear.scatter [tilespmem:s20], [sflag:$0x2], $0x4000, $0x38;
	[tilespmem:$0x1F800] =	vst v63  }
0x56: {  	_ =	swait.ge [sflag:s21], $0x4000  }
0x57: {  	[sflag:s21] =	ssyncset.done $0x0  }
0x58: {  	[sflag:s21] =	ssyncadd.s32 $0xFFFFC000  }
0x59: {  	[spmem:s15] =	stream.linear.scatter [tilespmem:s20], [sflag:$0x2], $0x4000, $0x38;
	[tilespmem:$0x1F800] =	vst v63  }
.Ltmp3:
0x5a: {  	_ =	swait.ge [sflag:s21], $0x4000;
	(pc) =	sbr.rel @!p0 .LBB2_4-.Ltmp3, $3  }
0x5b: {  	[sflag:s21] =	ssyncset.done $0x0  }
0x5c: {  	[sflag:s21] =	ssyncadd.s32 $0xFFFFC000  }
0x5d: {  	[bflag:$0x0] =	sbarrier.arrive $0xFFFF;
	_ =	sdelay $0x1  }
0x5e: {  	s0 =	simm.s32 $0x0  }
0x5f: {  	[tilespmem:s0], [sflag:$0x2] =	stream.linear.gather [hbm4b:s8+s0], $0x1400, $0x38;
	[tilespmem:$0x1F800] =	vst v63  }
0x60: {  	_ =	swait.ge [sflag:s21], $0x1400  }
0x61: {  	[sflag:s21] =	ssyncset.done $0x0  }
0x62: {  	[sflag:s21] =	ssyncadd.s32 $0xFFFFEC00  }
0x63: {  	[tilespmem:s26], [sflag:$0x2] =	stream.linear.gather [hbm4b:s9+s0], $0x1400, $0x38;
	[tilespmem:$0x1F800] =	vst v63  }
0x64: {  	_ =	swait.ge [sflag:s21], $0x1400  }
0x65: {  	[sflag:s21] =	ssyncset.done $0x0  }
0x66: {  	s6 =	simm.s32 $0x0;
	[sflag:s21] =	ssyncadd.s32 $0xFFFFEC00  }
0x67: {  	[tilespmem:s20], [sflag:$0x1] =	stream.indirect.gather [hbm4b:s4+s28], $0x80, s6, s28, $0xb8;
	[tilespmem:$0x1F800] =	vst v63  }
0x68: {  	_ =	swait.ge [sflag:s29], $0x4000  }
0x69: {  	[sflag:s29] =	ssyncset.done $0x0  }
0x6a: {  	s6 =	simm.s32 $0x3C00;
	[sflag:s29] =	ssyncadd.s32 $0xFFFFC000  }
0x6b: {  	[spmem:s2] =	stream.indirect.scatter.add.f32 [tilespmem:s20], [sflag:$0x2], $0x80, s6, s28, $0xb8;
	[tilespmem:$0x1F800] =	vst v63  }
0x6c: {  	_ =	swait.ge [sflag:s21], $0x4000  }
0x6d: {  	s30 =	simm.s32 $0x200;
	s31 =	simm.s32 $0x400;
	[sflag:s21] =	ssyncset.done $0x0  }
.LBB2_8:
0x6e: {  	s0 =	sshra.s32 s30, $0x2  }
0x6f: {  	[sflag:s21] =	ssyncadd.s32 $0xFFFFC000;
	s30 =	smov.u32 s31;
	s6 =	sadd.s32 $0x200, s31  }
0x70: {  	[tilespmem:s20], [sflag:$0x1] =	stream.indirect.gather [hbm4b:s4+s28], $0x80, s0, s28, $0xb8;
	[tilespmem:$0x1F800] =	vst v63  }
0x71: {  	p1 =	sne.s32 s31, $0x4E00;
	_ =	swait.ge [sflag:s29], $0x4000  }
.Ltmp4:
0x72: {  	[sflag:s29] =	ssyncset.done $0x0;
	(pc) =	sbr.rel @p1 .LBB2_8-.Ltmp4, $4  }
0x73: {  	s0 =	sadd.s32 $0x3C00, s0;
	[sflag:s29] =	ssyncadd.s32 $0xFFFFC000  }
0x74: {  	[spmem:s2] =	stream.indirect.scatter.add.f32 [tilespmem:s20], [sflag:$0x2], $0x80, s0, s28, $0xb8;
	[tilespmem:$0x1F800] =	vst v63  }
0x75: {  	_ =	swait.ge [sflag:s21], $0x4000  }
0x76: {  	s31 =	smov.u32 s6;
	[sflag:s21] =	ssyncset.done $0x0  }
0x77: {  	s0 =	sshra.s32 s30, $0x2;
	[sflag:s21] =	ssyncadd.s32 $0xFFFFC000  }
0x78: {  	[tilespmem:s20], [sflag:$0x1] =	stream.indirect.gather [hbm4b:s4+s28], $0x80, s0, s28, $0xb8;
	[tilespmem:$0x1F800] =	vst v63  }
0x79: {  	_ =	swait.ge [sflag:s29], $0x4000  }
0x7a: {  	[sflag:s29] =	ssyncset.done $0x0  }
.Ltmp5:
0x7b: {  	s0 =	sadd.s32 $0x3C00, s0;
	[sflag:s29] =	ssyncadd.s32 $0xFFFFC000;
	(pc) =	sbr.rel .LBB2_10-.Ltmp5, $4  }
0x7c: {  	[spmem:s2] =	stream.indirect.scatter.add.f32 [tilespmem:s20], [sflag:$0x2], $0x80, s0, s28, $0xb8;
	[tilespmem:$0x1F800] =	vst v63  }
0x7d: {  	_ =	swait.ge [sflag:s21], $0x4000  }
0x7e: {  	[sflag:s21] =	ssyncset.done $0x0  }
0x7f: {  	[sflag:s21] =	ssyncadd.s32 $0xFFFFC000  }
.LBB2_4:
0x80: {  	s30 =	simm.s32 $0x0;
	s0 =	rddreg [dreg:$0x4]  }
0x81: {  	[tilespmem:s30], [sflag:$0x2] =	stream.linear.gather [hbm4b:s0+s30], $0x3C00, $0x38;
	[tilespmem:$0x1F800] =	vst v63  }
0x82: {  	_ =	swait.ge [sflag:s21], $0x3C00  }
0x83: {  	[sflag:s21] =	ssyncset.done $0x0  }
0x84: {  	[sflag:s21] =	ssyncadd.s32 $0xFFFFC400  }
0x85: {  	[tilespmem:s26], [sflag:$0x2] =	stream.linear.gather [hbm4b:s7+s30], $0x3C00, $0x38;
	[tilespmem:$0x1F800] =	vst v63  }
0x86: {  	_ =	swait.ge [sflag:s21], $0x3C00  }
0x87: {  	[sflag:s21] =	ssyncset.done $0x0  }
0x88: {  	s30 =	simm.s32 $0x0;
	[sflag:s21] =	ssyncadd.s32 $0xFFFFC400  }
0x89: {  	[tilespmem:s20], [sflag:$0x1] =	stream.indirect.gather [hbm4b:s4+s28], $0x80, s30, s28, $0xb8;
	[tilespmem:$0x1F800] =	vst v63  }
0x8a: {  	_ =	swait.ge [sflag:s29], $0x4000  }
0x8b: {  	[sflag:s29] =	ssyncset.done $0x0  }
0x8c: {  	s30 =	simm.s32 $0x3C00;
	[sflag:s29] =	ssyncadd.s32 $0xFFFFC000  }
0x8d: {  	[spmem:s2] =	stream.indirect.scatter.add.f32 [tilespmem:s20], [sflag:$0x2], $0x80, s30, s28, $0xb8;
	[tilespmem:$0x1F800] =	vst v63  }
0x8e: {  	_ =	swait.ge [sflag:s21], $0x4000  }
0x8f: {  	s31 =	simm.s32 $0x400;
	s30 =	simm.s32 $0x200;
	[sflag:s21] =	ssyncset.done $0x0  }
.LBB2_5:
0x90: {  	s0 =	sshra.s32 s30, $0x2  }
0x91: {  	[sflag:s21] =	ssyncadd.s32 $0xFFFFC000;
	s30 =	smov.u32 s31;
	s6 =	sadd.s32 $0x200, s31  }
0x92: {  	[tilespmem:s20], [sflag:$0x1] =	stream.indirect.gather [hbm4b:s4+s28], $0x80, s0, s28, $0xb8;
	[tilespmem:$0x1F800] =	vst v63  }
0x93: {  	p1 =	seq.s32 s31, $0xEE00;
	_ =	swait.ge [sflag:s29], $0x4000  }
.Ltmp6:
0x94: {  	[sflag:s29] =	ssyncset.done $0x0;
	(pc) =	sbr.rel @!p1 .LBB2_5-.Ltmp6, $4  }
0x95: {  	s0 =	sadd.s32 $0x3C00, s0;
	[sflag:s29] =	ssyncadd.s32 $0xFFFFC000  }
0x96: {  	[spmem:s2] =	stream.indirect.scatter.add.f32 [tilespmem:s20], [sflag:$0x2], $0x80, s0, s28, $0xb8;
	[tilespmem:$0x1F800] =	vst v63  }
0x97: {  	_ =	swait.ge [sflag:s21], $0x4000  }
0x98: {  	s31 =	smov.u32 s6;
	[sflag:s21] =	ssyncset.done $0x0  }
.Ltmp7:
0x99: {  	_ = 	snop;
	(pc) =	sbr.rel .LBB2_6-.Ltmp7, $1  }
0x9a: {  	_ =	sdelay $0x3  }
.LBB2_11:
0x9b: {  	_ =	sfence.sel $0x180000  }
0x9c: {  	[bflag:$0x0] =	sbarrier.arrive $0xFFFF  }
0x9d: {  	_ =	strace $0x90000053  }
0x9e: {  	[bflag:$0x2] =	sbarrier.arrive $0xFFFF  }
0x9f: {  	p0 =	sne.s32 s1, $0x0;
	s0 =	rddreg [dreg:$0x3]  }
0xa0: {  	s0 =	sadd.s32 @!p0 $0x100000, s0  }
0xa1: {  	[sflag:s0] =	ssyncadd.tile.s32 @!p0 $0x1;
	_ =	shalt  }
.Lfunc_end2:
_tile_overlayer_lowered:
.L_overlay_start_2:
0xa2: {  	(tag) =	ssettag $0x2  }
0xa3: {  	s0 =	rddreg [dreg:$0x0];
	s2 =	stileid.u32  }
0xa4: {  	s1 =	rddreg [dreg:$0x1];
	p0 =	sne.s32 s2, $0x0  }
0xa5: {  	s3 =	rddreg [dreg:$0x2];
	[bflag:$0x3] =	sbarrier.arrive $0xFFFF;
	s2 =	simm.s32 @!p0 $0x1C02  }
0xa6: {  	[timem:s3], [sflag:s2] =	dma.local @!p0 [hbm:s0], s1  }
0xa7: {  	s0 =	simm.s32 @!p0 $0x2  }
0xa8: {  	_ =	swait.ge @!p0 [sflag:s0], s1  }
0xa9: {  	s1 =	ssub.s32 @!p0 $0x0, s1;
	[sflag:s0] =	ssyncset.done @!p0 $0x0  }
0xaa: {  	[sflag:s0] =	ssyncadd.s32 @!p0 s1  }
0xab: {  	[bflag:$0x3] =	sbarrier.arrive $0xFFFF  }
0xac: {  	_ =	shalt  }

</sc_bundles>
